<compile_context>
chip_gen: v7x
topology: tpu7x:2x2x1
jax: 0.10.2.dev20260603
libtpu: 0.0.44.dev20260713+nightly
codegen_flags: <defaults>
</compile_context>

<pallas_src>
import functools

import jax
import jax.numpy as jnp
from jax import lax
from jax.experimental import pallas as pl
from jax.experimental.pallas import tpu as pltpu
from jax.experimental.pallas import tpu_sc as plsc

NJ = 17
SUBSETS = [[0, 5, 6, 11, 12], [7, 8, 13, 14], [9, 10, 15, 16]]
_ms = [frozenset(s) for s in SUBSETS]
NB = [sorted(_ms[0] | _ms[1]), sorted(_ms[0] | _ms[1] | _ms[2]), sorted(_ms[1] | _ms[2])]
MASKS = [sorted(s) for s in _ms]
NBL = [len(x) for x in NB]
NML = [len(x) for x in MASKS]
NW = 32


def _tc1_body(kxyt_ref, sct_ref, w40_ref, w41_ref, w42_ref, we_ref, be_ref,
              c_ref, a_ref, s_ref):
    kxyt = kxyt_ref[...]
    sct = sct_ref[...]
    bn = kxyt.shape[1]
    row = jax.lax.broadcasted_iota(jnp.int32, (2 * NJ, bn), 0)
    is_x = (row % 2) == 0
    big = jnp.float32(1e30)
    mnx = jnp.min(jnp.where(is_x, kxyt, big), axis=0, keepdims=True)
    mny = jnp.min(jnp.where(is_x, big, kxyt), axis=0, keepdims=True)
    mxx = jnp.max(jnp.where(is_x, kxyt, -big), axis=0, keepdims=True)
    mxy = jnp.max(jnp.where(is_x, -big, kxyt), axis=0, keepdims=True)
    mn = jnp.where(is_x, mnx, mny)
    inv = jnp.where(is_x, 1.0 / (mxx - mnx + 1e-6), 1.0 / (mxy - mny + 1e-6))
    nt = (kxyt - mn) * inv

    m = NJ * bn
    xrow = jnp.concatenate([nt[2 * j:2 * j + 1, :] for j in range(NJ)], axis=1)
    yrow = jnp.concatenate([nt[2 * j + 1:2 * j + 2, :] for j in range(NJ)], axis=1)
    srow = jnp.concatenate([sct[j:j + 1, :] for j in range(NJ)], axis=1)
    onerow = jnp.ones((1, m), dtype=jnp.float32)
    p4 = jnp.concatenate([xrow, yrow, srow, onerow], axis=0)

    we = we_ref[...]
    we2 = we[:, 64:128]
    ab = jnp.concatenate([we[:, 0:64] - we2, be_ref[...]], axis=1)
    w4s = [w40_ref, w41_ref, w42_ref]

    for lvl in range(3):
        h = jnp.dot(w4s[lvl][...], p4, preferred_element_type=jnp.float32)
        fm = jnp.maximum(h, 0.0) * srow
        csl = lambda arr, j: arr[:, j * bn:(j + 1) * bn]
        ssum = functools.reduce(jnp.add, [csl(fm, j) for j in MASKS[lvl]])
        f5 = jnp.concatenate([fm, onerow], axis=0)
        ct = jnp.dot(we2, fm, preferred_element_type=jnp.float32)
        at = jnp.dot(ab, f5, preferred_element_type=jnp.float32)
        c_ref[lvl, :, 0:NBL[lvl] * 64] = jnp.concatenate(
            [jnp.transpose(csl(ct, k), (1, 0)) for k in NB[lvl]], axis=1)
        a_ref[lvl, :, 0:NML[lvl] * 64] = jnp.concatenate(
            [jnp.transpose(csl(at, j), (1, 0)) for j in MASKS[lvl]], axis=1)
        s_ref[64 * lvl:64 * lvl + 64, :] = ssum


def _tc1(kxyt, sct, w4, We, be_col):
    n = kxyt.shape[1]
    rep = lambda shape: pl.BlockSpec(shape, lambda: tuple(0 for _ in shape))
    return pl.pallas_call(
        _tc1_body,
        in_specs=[rep((2 * NJ, n)), rep((NJ, n)),
                  rep((64, 4)), rep((64, 4)), rep((64, 4)),
                  rep((64, 128)), rep((64, 1))],
        out_specs=[rep((3, n, NJ * 64)), rep((3, n, 5 * 64)),
                   rep((192, n))],
        out_shape=[jax.ShapeDtypeStruct((3, n, NJ * 64), jnp.float32),
                   jax.ShapeDtypeStruct((3, n, 5 * 64), jnp.float32),
                   jax.ShapeDtypeStruct((192, n), jnp.float32)],
    )(kxyt, sct, w4[0], w4[1], w4[2], We, be_col)


def _sc_agg(n):
    spw = n // NW
    mesh = plsc.VectorSubcoreMesh(core_axis_name="c", subcore_axis_name="s")

    @functools.partial(
        pl.kernel, mesh=mesh,
        out_type=jax.ShapeDtypeStruct((n, 192), jnp.float32),
        scratch_types=[
            pltpu.VMEM((spw, NJ * 64), jnp.float32),
            pltpu.VMEM((spw, 5 * 64), jnp.float32),
            pltpu.VMEM((spw, 192), jnp.float32),
        ],
    )
    def agg(c_hbm, a_hbm, z_hbm, cv, av, zv):
        wid = lax.axis_index("s") * 2 + lax.axis_index("c")
        s0 = wid * spw
        for lvl in range(3):
            nbl, nml = NBL[lvl], NML[lvl]
            pltpu.sync_copy(c_hbm.at[lvl, pl.ds(s0, spw), :], cv)
            pltpu.sync_copy(a_hbm.at[lvl, pl.ds(s0, spw), :], av)
            apos = [NB[lvl].index(j) for j in MASKS[lvl]]

            def samp_body(s, carry):
                for q in range(4):
                    qs = q * 16
                    cs = [cv[s, pl.ds(i * 64 + qs, 16)] for i in range(nbl)]
                    m1 = jnp.maximum(cs[0], cs[1])
                    m2 = jnp.minimum(cs[0], cs[1])
                    for t in range(2, nbl):
                        m2 = jnp.maximum(m2, jnp.minimum(m1, cs[t]))
                        m1 = jnp.maximum(m1, cs[t])
                    z = None
                    for i in range(nml):
                        cj = cs[apos[i]]
                        zj = jnp.maximum(
                            av[s, pl.ds(i * 64 + qs, 16)]
                            + jnp.where(cj == m1, m2, m1), 0.0)
                        z = zj if z is None else z + zj
                    zv[s, pl.ds(lvl * 64 + qs, 16)] = z
                return carry

            lax.fori_loop(0, spw, samp_body, 0)
        pltpu.sync_copy(zv, z_hbm.at[pl.ds(s0, spw), :])

    return agg


def _tc2_body(s_ref, z_ref, wp_ref, bp_ref, out_ref):
    n = s_ref.shape[1]
    wp = wp_ref[...]
    zt = z_ref[...]
    nt_dims = (((1,), (1,)), ((), ()))
    acc = jnp.broadcast_to(bp_ref[...], (128, n))
    for lvl in range(3):
        ssum = s_ref[64 * lvl:64 * lvl + 64, :]
        zl = zt[:, 64 * lvl:64 * lvl + 64] * (1.0 / float(NML[lvl]))
        acc = acc + jnp.dot(wp[:, 128 * lvl:128 * lvl + 64], ssum,
                            preferred_element_type=jnp.float32)
        acc = acc + jax.lax.dot_general(
            wp[:, 128 * lvl + 64:128 * lvl + 128], zl, nt_dims,
            preferred_element_type=jnp.float32)
    out_ref[...] = jnp.transpose(acc, (1, 0))


def _tc2(sbuf, zbuf, Wp, bp_col):
    n = sbuf.shape[1]
    rep = lambda shape: pl.BlockSpec(shape, lambda: tuple(0 for _ in shape))
    return pl.pallas_call(
        _tc2_body,
        in_specs=[rep((192, n)), rep((n, 192)),
                  rep((128, 384)), rep((128, 1))],
        out_specs=rep((n, 128)),
        out_shape=jax.ShapeDtypeStruct((n, 128), jnp.float32),
    )(sbuf, zbuf, Wp, bp_col)


def kernel(keypoints, scores, W0, b0, W1, b1, W2, b2, We, be, Wp, bp):
    n = keypoints.shape[0]
    kxyt = keypoints.reshape(n, 2 * NJ).T
    sct = scores.T
    w4 = [jnp.concatenate([w, b[:, None]], axis=1)
          for w, b in ((W0, b0), (W1, b1), (W2, b2))]
    cbuf, abuf, sbuf = _tc1(kxyt, sct, w4, We, be[:, None])
    zbuf = _sc_agg(n)(cbuf, abuf)
    return _tc2(sbuf, zbuf, Wp, bp[:, None])

# --- scband reference (transcript-rebuilt; emitter-appended) ---
"""Pipeline reference for scband-optimized-hierarchical-encoder-23613730193796 (READ-ONLY COPY).

The authoritative reference and input builder live on the scoring server;
editing this copy changes nothing except your own understanding.
"""

import jax, jax.numpy as jnp
import numpy as np

NUM_JOINTS = 17
SUBSETS = [[0, 5, 6, 11, 12], [7, 8, 13, 14], [9, 10, 15, 16]]


def _build_masks():
    ms = []
    for s in SUBSETS:
        m = np.zeros(NUM_JOINTS, dtype=bool)
        m[s] = True
        ms.append(m)
    # neighbor union per level: curr | prev | next
    nb = [ms[0] | ms[1], ms[0] | ms[1] | ms[2], ms[1] | ms[2]]
    return [jnp.asarray(m) for m in ms], [jnp.asarray(m) for m in nb]


def setup_inputs(seed: int = 0) -> dict:
    key = jax.random.key(seed)
    ks = jax.random.split(key, 10)
    N = 1024
    inp = {}
    inp["keypoints"] = jax.random.uniform(ks[0], (N, NUM_JOINTS, 2), dtype=jnp.float32)
    inp["scores"] = jax.random.uniform(ks[1], (N, NUM_JOINTS), dtype=jnp.float32)
    # level MLPs: Linear(3 -> 64) x3
    for i in range(3):
        inp[f"W{i}"] = jax.random.normal(ks[2 + i], (64, 3), dtype=jnp.float32) * 0.1
        inp[f"b{i}"] = jnp.zeros((64,), dtype=jnp.float32)
    # edge MLP: Linear(128 -> 64)
    inp["We"] = jax.random.normal(ks[5], (64, 128), dtype=jnp.float32) * 0.05
    inp["be"] = jnp.zeros((64,), dtype=jnp.float32)
    # proj: Linear(384 -> 128)
    inp["Wp"] = jax.random.normal(ks[6], (128, 384), dtype=jnp.float32) * 0.05
    inp["bp"] = jnp.zeros((128,), dtype=jnp.float32)
    return inp


def _encode_one(kpts, scores, Ws, bs, We, be, Wp, bp, masks, nbmasks):
    mn = kpts.min(axis=0, keepdims=True)
    mx = kpts.max(axis=0, keepdims=True)
    k = (kpts - mn) / (mx - mn + 1e-06)
    P = jnp.concatenate([k, scores[:, None]], axis=-1)  # [17,3]
    eye = jnp.eye(NUM_JOINTS, dtype=bool)
    pooled = []
    for i in range(3):
        mask = masks[i]
        nb = nbmasks[i]
        h = jax.nn.relu(P @ Ws[i].T + bs[i])  # [17,64]
        m = h * scores[:, None]
        # sum of m over joints of current subset, broadcast to subset joints
        ssum = jnp.sum(jnp.where(mask[:, None], m, 0.0), axis=0)
        H = jnp.where(mask[:, None], ssum[None, :], 0.0)
        # edge conv over union neighborhood (curr | prev | next), k != j
        f = h * scores[:, None]
        fj = jnp.broadcast_to(f[:, None, :], (NUM_JOINTS, NUM_JOINTS, 64))
        fk = jnp.broadcast_to(f[None, :, :], (NUM_JOINTS, NUM_JOINTS, 64))
        ef = jnp.concatenate([fj, fk - fj], axis=-1)  # [17,17,128]
        msgs = jax.nn.relu(ef @ We.T + be)  # [17,17,64]
        valid = nb[None, :] & (~eye)
        msgs = jnp.where(valid[:, :, None], msgs, -jnp.inf)
        Z = jnp.max(msgs, axis=1)
        Z = jnp.where(mask[:, None], Z, 0.0)
        Fi = jnp.concatenate([H, Z], axis=-1)  # [17,128]
        cnt = jnp.sum(mask).astype(jnp.float32)
        pooled.append(jnp.sum(jnp.where(mask[:, None], Fi, 0.0), axis=0) / cnt)
    final = jnp.concatenate(pooled, axis=-1)  # [384]
    return final @ Wp.T + bp  # [128]


def reference(keypoints, scores, W0, b0, W1, b1, W2, b2, We, be, Wp, bp):
    masks, nbmasks = _build_masks()
    Ws = [W0, W1, W2]
    bs = [b0, b1, b2]
    fn = lambda kp, sc: _encode_one(kp, sc, Ws, bs, We, be, Wp, bp, masks, nbmasks)
    return jax.vmap(fn)(keypoints, scores)

if __name__ == "__main__":
    import jax
    _d = setup_inputs()
    print(jax.jit(kernel)(*tuple(_d.values())))

</pallas_src>

<mosaic_0001>
#map = affine_map<(d0, d1) -> (0, 0, 0)>
#map1 = affine_map<(d0, d1) -> (0, 0)>
module attributes {stable_mosaic.version = 14 : i64} {
  func.func @agg(%arg0: i32, %arg1: i32, %arg2: memref<3x1024x1088xf32, #tpu.memory_space<hbm>>, %arg3: memref<3x1024x320xf32, #tpu.memory_space<hbm>>, %arg4: memref<1024x192xf32, #tpu.memory_space<hbm>>, %arg5: memref<32x1088xf32, #tpu.memory_space<vmem>>, %arg6: memref<32x320xf32, #tpu.memory_space<vmem>>, %arg7: memref<32x192xf32, #tpu.memory_space<vmem>>) attributes {dimension_semantics = [#tpu.dimension_semantics<core_parallel>, #tpu.dimension_semantics<subcore_parallel>], iteration_bounds = array<i64: 2, 16>, scalar_prefetch = 0 : i64, scratch_operands = 3 : i64, tpu.core_type = #tpu.core_type<sc_vector_subcore>, window_params = [{transform_indices = #map}, {transform_indices = #map}, {transform_indices = #map1}]} {
    %mul3A = arith.constant 2 : i32
    %mul3A_0 = arith.muli %arg1, %mul3A : i32
    %add3A = arith.addi %mul3A_0, %arg0 : i32
    %mul3A_1 = arith.constant 32 : i32
    %mul3A_2 = arith.muli %add3A, %mul3A_1 : i32
    %run_scoped3A = arith.constant 0 : i32
    "tpu.region"() ({
      %run_scoped3A_25 = tpu.sem_alloc : memref<!tpu.dma_semaphore, #tpu.memory_space<semaphore_mem>>
      %dma_start3A = arith.constant 0 : i32
      %dma_start3A_26 = tpu.memref_slice %arg2[%run_scoped3A, %mul3A_2, %dma_start3A] : memref<3x1024x1088xf32, #tpu.memory_space<hbm>> -> memref<1x32x1088xf32, #tpu.memory_space<hbm>>
      %dma_start3A_27 = tpu.memref_squeeze %dma_start3A_26 : memref<1x32x1088xf32, #tpu.memory_space<hbm>> -> memref<32x1088xf32, #tpu.memory_space<hbm>>
      %dma_start3A_28 = arith.constant 0 : i32
      %dma_start3A_29 = tpu.memref_slice %arg2[%run_scoped3A, %mul3A_2, %dma_start3A_28] : memref<3x1024x1088xf32, #tpu.memory_space<hbm>> -> memref<1x32x1088xf32, #tpu.memory_space<hbm>>
      %dma_start3A_30 = tpu.memref_squeeze %dma_start3A_29 : memref<1x32x1088xf32, #tpu.memory_space<hbm>> -> memref<32x1088xf32, #tpu.memory_space<hbm>>
      tpu.enqueue_dma source(%dma_start3A_30 : memref<32x1088xf32, #tpu.memory_space<hbm>>) target(%arg5 : memref<32x1088xf32, #tpu.memory_space<vmem>>) target_semaphore(%run_scoped3A_25 : memref<!tpu.dma_semaphore, #tpu.memory_space<semaphore_mem>>)
      %dma_wait3A = arith.constant 0 : i32
      %dma_wait3A_31 = tpu.memref_slice %arg2[%run_scoped3A, %mul3A_2, %dma_wait3A] : memref<3x1024x1088xf32, #tpu.memory_space<hbm>> -> memref<1x32x1088xf32, #tpu.memory_space<hbm>>
      %dma_wait3A_32 = tpu.memref_squeeze %dma_wait3A_31 : memref<1x32x1088xf32, #tpu.memory_space<hbm>> -> memref<32x1088xf32, #tpu.memory_space<hbm>>
      %dma_wait3A_33 = arith.constant 0 : i32
      %dma_wait3A_34 = tpu.memref_slice %arg2[%run_scoped3A, %mul3A_2, %dma_wait3A_33] : memref<3x1024x1088xf32, #tpu.memory_space<hbm>> -> memref<1x32x1088xf32, #tpu.memory_space<hbm>>
      %dma_wait3A_35 = tpu.memref_squeeze %dma_wait3A_34 : memref<1x32x1088xf32, #tpu.memory_space<hbm>> -> memref<32x1088xf32, #tpu.memory_space<hbm>>
      tpu.wait_dma2 semaphore(%run_scoped3A_25 : memref<!tpu.dma_semaphore, #tpu.memory_space<semaphore_mem>>) src(%dma_wait3A_35 : memref<32x1088xf32, #tpu.memory_space<hbm>>) dst(%arg5 : memref<32x1088xf32, #tpu.memory_space<vmem>>)
      tpu.yield
    }) : () -> ()
    %run_scoped3A_3 = arith.constant 0 : i32
    "tpu.region"() ({
      %run_scoped3A_25 = tpu.sem_alloc : memref<!tpu.dma_semaphore, #tpu.memory_space<semaphore_mem>>
      %dma_start3A = arith.constant 0 : i32
      %dma_start3A_26 = tpu.memref_slice %arg3[%run_scoped3A_3, %mul3A_2, %dma_start3A] : memref<3x1024x320xf32, #tpu.memory_space<hbm>> -> memref<1x32x320xf32, #tpu.memory_space<hbm>>
      %dma_start3A_27 = tpu.memref_squeeze %dma_start3A_26 : memref<1x32x320xf32, #tpu.memory_space<hbm>> -> memref<32x320xf32, #tpu.memory_space<hbm>>
      %dma_start3A_28 = arith.constant 0 : i32
      %dma_start3A_29 = tpu.memref_slice %arg3[%run_scoped3A_3, %mul3A_2, %dma_start3A_28] : memref<3x1024x320xf32, #tpu.memory_space<hbm>> -> memref<1x32x320xf32, #tpu.memory_space<hbm>>
      %dma_start3A_30 = tpu.memref_squeeze %dma_start3A_29 : memref<1x32x320xf32, #tpu.memory_space<hbm>> -> memref<32x320xf32, #tpu.memory_space<hbm>>
      tpu.enqueue_dma source(%dma_start3A_30 : memref<32x320xf32, #tpu.memory_space<hbm>>) target(%arg6 : memref<32x320xf32, #tpu.memory_space<vmem>>) target_semaphore(%run_scoped3A_25 : memref<!tpu.dma_semaphore, #tpu.memory_space<semaphore_mem>>)
      %dma_wait3A = arith.constant 0 : i32
      %dma_wait3A_31 = tpu.memref_slice %arg3[%run_scoped3A_3, %mul3A_2, %dma_wait3A] : memref<3x1024x320xf32, #tpu.memory_space<hbm>> -> memref<1x32x320xf32, #tpu.memory_space<hbm>>
      %dma_wait3A_32 = tpu.memref_squeeze %dma_wait3A_31 : memref<1x32x320xf32, #tpu.memory_space<hbm>> -> memref<32x320xf32, #tpu.memory_space<hbm>>
      %dma_wait3A_33 = arith.constant 0 : i32
      %dma_wait3A_34 = tpu.memref_slice %arg3[%run_scoped3A_3, %mul3A_2, %dma_wait3A_33] : memref<3x1024x320xf32, #tpu.memory_space<hbm>> -> memref<1x32x320xf32, #tpu.memory_space<hbm>>
      %dma_wait3A_35 = tpu.memref_squeeze %dma_wait3A_34 : memref<1x32x320xf32, #tpu.memory_space<hbm>> -> memref<32x320xf32, #tpu.memory_space<hbm>>
      tpu.wait_dma2 semaphore(%run_scoped3A_25 : memref<!tpu.dma_semaphore, #tpu.memory_space<semaphore_mem>>) src(%dma_wait3A_35 : memref<32x320xf32, #tpu.memory_space<hbm>>) dst(%arg6 : memref<32x320xf32, #tpu.memory_space<vmem>>)
      tpu.yield
    }) : () -> ()
    %scan3A = arith.constant 0 : i32
    %scan3A_4 = arith.constant 0 : i32
    %scan3A_5 = arith.constant 32 : i32
    %scan3A_6 = arith.addi %scan3A_4, %scan3A_5 : i32
    %scan3A_7 = arith.constant 1 : i32
    scf.for %scan3A_25 = %scan3A_4 to %scan3A_6 step %scan3A_7  : i32 {
      %get3A = arith.index_cast %scan3A_25 : i32 to index
      %get3A_26 = arith.constant 0 : index
      %get3A_27 = tpu.vector_load %arg5[%get3A, %get3A_26] {strides = array<i32>} : memref<32x1088xf32, #tpu.memory_space<vmem>>, vector<1x16xf32>,
      %get3A_28 = vector.shape_cast %get3A_27 : vector<1x16xf32> to vector<16xf32>
      %get3A_29 = arith.index_cast %scan3A_25 : i32 to index
      %get3A_30 = arith.constant 64 : index
      %get3A_31 = tpu.vector_load %arg5[%get3A_29, %get3A_30] {strides = array<i32>} : memref<32x1088xf32, #tpu.memory_space<vmem>>, vector<1x16xf32>,
      %get3A_32 = vector.shape_cast %get3A_31 : vector<1x16xf32> to vector<16xf32>
      %get3A_33 = arith.index_cast %scan3A_25 : i32 to index
      %get3A_34 = arith.constant 128 : index
      %get3A_35 = tpu.vector_load %arg5[%get3A_33, %get3A_34] {strides = array<i32>} : memref<32x1088xf32, #tpu.memory_space<vmem>>, vector<1x16xf32>,
      %get3A_36 = vector.shape_cast %get3A_35 : vector<1x16xf32> to vector<16xf32>
      %get3A_37 = arith.index_cast %scan3A_25 : i32 to index
      %get3A_38 = arith.constant 192 : index
      %get3A_39 = tpu.vector_load %arg5[%get3A_37, %get3A_38] {strides = array<i32>} : memref<32x1088xf32, #tpu.memory_space<vmem>>, vector<1x16xf32>,
      %get3A_40 = vector.shape_cast %get3A_39 : vector<1x16xf32> to vector<16xf32>
      %get3A_41 = arith.index_cast %scan3A_25 : i32 to index
      %get3A_42 = arith.constant 256 : index
      %get3A_43 = tpu.vector_load %arg5[%get3A_41, %get3A_42] {strides = array<i32>} : memref<32x1088xf32, #tpu.memory_space<vmem>>, vector<1x16xf32>,
      %get3A_44 = vector.shape_cast %get3A_43 : vector<1x16xf32> to vector<16xf32>
      %get3A_45 = arith.index_cast %scan3A_25 : i32 to index
      %get3A_46 = arith.constant 320 : index
      %get3A_47 = tpu.vector_load %arg5[%get3A_45, %get3A_46] {strides = array<i32>} : memref<32x1088xf32, #tpu.memory_space<vmem>>, vector<1x16xf32>,
      %get3A_48 = vector.shape_cast %get3A_47 : vector<1x16xf32> to vector<16xf32>
      %get3A_49 = arith.index_cast %scan3A_25 : i32 to index
      %get3A_50 = arith.constant 384 : index
      %get3A_51 = tpu.vector_load %arg5[%get3A_49, %get3A_50] {strides = array<i32>} : memref<32x1088xf32, #tpu.memory_space<vmem>>, vector<1x16xf32>,
      %get3A_52 = vector.shape_cast %get3A_51 : vector<1x16xf32> to vector<16xf32>
      %get3A_53 = arith.index_cast %scan3A_25 : i32 to index
      %get3A_54 = arith.constant 448 : index
      %get3A_55 = tpu.vector_load %arg5[%get3A_53, %get3A_54] {strides = array<i32>} : memref<32x1088xf32, #tpu.memory_space<vmem>>, vector<1x16xf32>,
      %get3A_56 = vector.shape_cast %get3A_55 : vector<1x16xf32> to vector<16xf32>
      %get3A_57 = arith.index_cast %scan3A_25 : i32 to index
      %get3A_58 = arith.constant 512 : index
      %get3A_59 = tpu.vector_load %arg5[%get3A_57, %get3A_58] {strides = array<i32>} : memref<32x1088xf32, #tpu.memory_space<vmem>>, vector<1x16xf32>,
      %get3A_60 = vector.shape_cast %get3A_59 : vector<1x16xf32> to vector<16xf32>
      %max3A = arith.maximumf %get3A_28, %get3A_32 : vector<16xf32>
      %min3A = arith.minimumf %get3A_28, %get3A_32 : vector<16xf32>
      %min3A_61 = arith.minimumf %max3A, %get3A_36 : vector<16xf32>
      %max3A_62 = arith.maximumf %min3A, %min3A_61 : vector<16xf32>
      %max3A_63 = arith.maximumf %max3A, %get3A_36 : vector<16xf32>
      %min3A_64 = arith.minimumf %max3A_63, %get3A_40 : vector<16xf32>
      %max3A_65 = arith.maximumf %max3A_62, %min3A_64 : vector<16xf32>
      %max3A_66 = arith.maximumf %max3A_63, %get3A_40 : vector<16xf32>
      %min3A_67 = arith.minimumf %max3A_66, %get3A_44 : vector<16xf32>
      %max3A_68 = arith.maximumf %max3A_65, %min3A_67 : vector<16xf32>
      %max3A_69 = arith.maximumf %max3A_66, %get3A_44 : vector<16xf32>
      %min3A_70 = arith.minimumf %max3A_69, %get3A_48 : vector<16xf32>
      %max3A_71 = arith.maximumf %max3A_68, %min3A_70 : vector<16xf32>
      %max3A_72 = arith.maximumf %max3A_69, %get3A_48 : vector<16xf32>
      %min3A_73 = arith.minimumf %max3A_72, %get3A_52 : vector<16xf32>
      %max3A_74 = arith.maximumf %max3A_71, %min3A_73 : vector<16xf32>
      %max3A_75 = arith.maximumf %max3A_72, %get3A_52 : vector<16xf32>
      %min3A_76 = arith.minimumf %max3A_75, %get3A_56 : vector<16xf32>
      %max3A_77 = arith.maximumf %max3A_74, %min3A_76 : vector<16xf32>
      %max3A_78 = arith.maximumf %max3A_75, %get3A_56 : vector<16xf32>
      %min3A_79 = arith.minimumf %max3A_78, %get3A_60 : vector<16xf32>
      %max3A_80 = arith.maximumf %max3A_77, %min3A_79 : vector<16xf32>
      %max3A_81 = arith.maximumf %max3A_78, %get3A_60 : vector<16xf32>
      %get3A_82 = arith.index_cast %scan3A_25 : i32 to index
      %get3A_83 = arith.constant 0 : index
      %get3A_84 = tpu.vector_load %arg6[%get3A_82, %get3A_83] {strides = array<i32>} : memref<32x320xf32, #tpu.memory_space<vmem>>, vector<1x16xf32>,
      %get3A_85 = vector.shape_cast %get3A_84 : vector<1x16xf32> to vector<16xf32>
      %eq3A = arith.cmpf oeq, %get3A_28, %max3A_81 : vector<16xf32>
      %select_n3A = arith.select %eq3A, %max3A_80, %max3A_81 : vector<16xi1>, vector<16xf32>
      %add3A_86 = arith.addf %get3A_85, %select_n3A : vector<16xf32>
      %max3A_87 = arith.constant 0.000000e+00 : f32
      %max3A_88 = vector.broadcast %max3A_87 : f32 to vector<16xf32>
      %max3A_89 = arith.maximumf %add3A_86, %max3A_88 : vector<16xf32>
      %get3A_90 = arith.index_cast %scan3A_25 : i32 to index
      %get3A_91 = arith.constant 64 : index
      %get3A_92 = tpu.vector_load %arg6[%get3A_90, %get3A_91] {strides = array<i32>} : memref<32x320xf32, #tpu.memory_space<vmem>>, vector<1x16xf32>,
      %get3A_93 = vector.shape_cast %get3A_92 : vector<1x16xf32> to vector<16xf32>
      %eq3A_94 = arith.cmpf oeq, %get3A_32, %max3A_81 : vector<16xf32>
      %select_n3A_95 = arith.select %eq3A_94, %max3A_80, %max3A_81 : vector<16xi1>, vector<16xf32>
      %add3A_96 = arith.addf %get3A_93, %select_n3A_95 : vector<16xf32>
      %max3A_97 = arith.constant 0.000000e+00 : f32
      %max3A_98 = vector.broadcast %max3A_97 : f32 to vector<16xf32>
      %max3A_99 = arith.maximumf %add3A_96, %max3A_98 : vector<16xf32>
      %add3A_100 = arith.addf %max3A_89, %max3A_99 : vector<16xf32>
      %get3A_101 = arith.index_cast %scan3A_25 : i32 to index
      %get3A_102 = arith.constant 128 : index
      %get3A_103 = tpu.vector_load %arg6[%get3A_101, %get3A_102] {strides = array<i32>} : memref<32x320xf32, #tpu.memory_space<vmem>>, vector<1x16xf32>,
      %get3A_104 = vector.shape_cast %get3A_103 : vector<1x16xf32> to vector<16xf32>
      %eq3A_105 = arith.cmpf oeq, %get3A_36, %max3A_81 : vector<16xf32>
      %select_n3A_106 = arith.select %eq3A_105, %max3A_80, %max3A_81 : vector<16xi1>, vector<16xf32>
      %add3A_107 = arith.addf %get3A_104, %select_n3A_106 : vector<16xf32>
      %max3A_108 = arith.constant 0.000000e+00 : f32
      %max3A_109 = vector.broadcast %max3A_108 : f32 to vector<16xf32>
      %max3A_110 = arith.maximumf %add3A_107, %max3A_109 : vector<16xf32>
      %add3A_111 = arith.addf %add3A_100, %max3A_110 : vector<16xf32>
      %get3A_112 = arith.index_cast %scan3A_25 : i32 to index
      %get3A_113 = arith.constant 192 : index
      %get3A_114 = tpu.vector_load %arg6[%get3A_112, %get3A_113] {strides = array<i32>} : memref<32x320xf32, #tpu.memory_space<vmem>>, vector<1x16xf32>,
      %get3A_115 = vector.shape_cast %get3A_114 : vector<1x16xf32> to vector<16xf32>
      %eq3A_116 = arith.cmpf oeq, %get3A_48, %max3A_81 : vector<16xf32>
      %select_n3A_117 = arith.select %eq3A_116, %max3A_80, %max3A_81 : vector<16xi1>, vector<16xf32>
      %add3A_118 = arith.addf %get3A_115, %select_n3A_117 : vector<16xf32>
      %max3A_119 = arith.constant 0.000000e+00 : f32
      %max3A_120 = vector.broadcast %max3A_119 : f32 to vector<16xf32>
      %max3A_121 = arith.maximumf %add3A_118, %max3A_120 : vector<16xf32>
      %add3A_122 = arith.addf %add3A_111, %max3A_121 : vector<16xf32>
      %get3A_123 = arith.index_cast %scan3A_25 : i32 to index
      %get3A_124 = arith.constant 256 : index
      %get3A_125 = tpu.vector_load %arg6[%get3A_123, %get3A_124] {strides = array<i32>} : memref<32x320xf32, #tpu.memory_space<vmem>>, vector<1x16xf32>,
      %get3A_126 = vector.shape_cast %get3A_125 : vector<1x16xf32> to vector<16xf32>
      %eq3A_127 = arith.cmpf oeq, %get3A_52, %max3A_81 : vector<16xf32>
      %select_n3A_128 = arith.select %eq3A_127, %max3A_80, %max3A_81 : vector<16xi1>, vector<16xf32>
      %add3A_129 = arith.addf %get3A_126, %select_n3A_128 : vector<16xf32>
      %max3A_130 = arith.constant 0.000000e+00 : f32
      %max3A_131 = vector.broadcast %max3A_130 : f32 to vector<16xf32>
      %max3A_132 = arith.maximumf %add3A_129, %max3A_131 : vector<16xf32>
      %add3A_133 = arith.addf %add3A_122, %max3A_132 : vector<16xf32>
      %swap3A = arith.index_cast %scan3A_25 : i32 to index
      %swap3A_134 = arith.constant 0 : index
      %swap3A_135 = tpu.vector_load %arg7[%swap3A, %swap3A_134] {strides = array<i32>} : memref<32x192xf32, #tpu.memory_space<vmem>>, vector<1x16xf32>,
      %swap3A_136 = vector.shape_cast %swap3A_135 : vector<1x16xf32> to vector<16xf32>
      %swap3A_137 = vector.shape_cast %add3A_133 : vector<16xf32> to vector<1x16xf32>
      tpu.vector_store %arg7[%swap3A, %swap3A_134], %swap3A_137 {strides = array<i32>} : memref<32x192xf32, #tpu.memory_space<vmem>>, vector<1x16xf32>,
      %get3A_138 = arith.index_cast %scan3A_25 : i32 to index
      %get3A_139 = arith.constant 16 : index
      %get3A_140 = tpu.vector_load %arg5[%get3A_138, %get3A_139] {strides = array<i32>} : memref<32x1088xf32, #tpu.memory_space<vmem>>, vector<1x16xf32>,
      %get3A_141 = vector.shape_cast %get3A_140 : vector<1x16xf32> to vector<16xf32>
      %get3A_142 = arith.index_cast %scan3A_25 : i32 to index
      %get3A_143 = arith.constant 80 : index
      %get3A_144 = tpu.vector_load %arg5[%get3A_142, %get3A_143] {strides = array<i32>} : memref<32x1088xf32, #tpu.memory_space<vmem>>, vector<1x16xf32>,
      %get3A_145 = vector.shape_cast %get3A_144 : vector<1x16xf32> to vector<16xf32>
      %get3A_146 = arith.index_cast %scan3A_25 : i32 to index
      %get3A_147 = arith.constant 144 : index
      %get3A_148 = tpu.vector_load %arg5[%get3A_146, %get3A_147] {strides = array<i32>} : memref<32x1088xf32, #tpu.memory_space<vmem>>, vector<1x16xf32>,
      %get3A_149 = vector.shape_cast %get3A_148 : vector<1x16xf32> to vector<16xf32>
      %get3A_150 = arith.index_cast %scan3A_25 : i32 to index
      %get3A_151 = arith.constant 208 : index
      %get3A_152 = tpu.vector_load %arg5[%get3A_150, %get3A_151] {strides = array<i32>} : memref<32x1088xf32, #tpu.memory_space<vmem>>, vector<1x16xf32>,
      %get3A_153 = vector.shape_cast %get3A_152 : vector<1x16xf32> to vector<16xf32>
      %get3A_154 = arith.index_cast %scan3A_25 : i32 to index
      %get3A_155 = arith.constant 272 : index
      %get3A_156 = tpu.vector_load %arg5[%get3A_154, %get3A_155] {strides = array<i32>} : memref<32x1088xf32, #tpu.memory_space<vmem>>, vector<1x16xf32>,
      %get3A_157 = vector.shape_cast %get3A_156 : vector<1x16xf32> to vector<16xf32>
      %get3A_158 = arith.index_cast %scan3A_25 : i32 to index
      %get3A_159 = arith.constant 336 : index
      %get3A_160 = tpu.vector_load %arg5[%get3A_158, %get3A_159] {strides = array<i32>} : memref<32x1088xf32, #tpu.memory_space<vmem>>, vector<1x16xf32>,
      %get3A_161 = vector.shape_cast %get3A_160 : vector<1x16xf32> to vector<16xf32>
      %get3A_162 = arith.index_cast %scan3A_25 : i32 to index
      %get3A_163 = arith.constant 400 : index
      %get3A_164 = tpu.vector_load %arg5[%get3A_162, %get3A_163] {strides = array<i32>} : memref<32x1088xf32, #tpu.memory_space<vmem>>, vector<1x16xf32>,
      %get3A_165 = vector.shape_cast %get3A_164 : vector<1x16xf32> to vector<16xf32>
      %get3A_166 = arith.index_cast %scan3A_25 : i32 to index
      %get3A_167 = arith.constant 464 : index
      %get3A_168 = tpu.vector_load %arg5[%get3A_166, %get3A_167] {strides = array<i32>} : memref<32x1088xf32, #tpu.memory_space<vmem>>, vector<1x16xf32>,
      %get3A_169 = vector.shape_cast %get3A_168 : vector<1x16xf32> to vector<16xf32>
      %get3A_170 = arith.index_cast %scan3A_25 : i32 to index
      %get3A_171 = arith.constant 528 : index
      %get3A_172 = tpu.vector_load %arg5[%get3A_170, %get3A_171] {strides = array<i32>} : memref<32x1088xf32, #tpu.memory_space<vmem>>, vector<1x16xf32>,
      %get3A_173 = vector.shape_cast %get3A_172 : vector<1x16xf32> to vector<16xf32>
      %max3A_174 = arith.maximumf %get3A_141, %get3A_145 : vector<16xf32>
      %min3A_175 = arith.minimumf %get3A_141, %get3A_145 : vector<16xf32>
      %min3A_176 = arith.minimumf %max3A_174, %get3A_149 : vector<16xf32>
      %max3A_177 = arith.maximumf %min3A_175, %min3A_176 : vector<16xf32>
      %max3A_178 = arith.maximumf %max3A_174, %get3A_149 : vector<16xf32>
      %min3A_179 = arith.minimumf %max3A_178, %get3A_153 : vector<16xf32>
      %max3A_180 = arith.maximumf %max3A_177, %min3A_179 : vector<16xf32>
      %max3A_181 = arith.maximumf %max3A_178, %get3A_153 : vector<16xf32>
      %min3A_182 = arith.minimumf %max3A_181, %get3A_157 : vector<16xf32>
      %max3A_183 = arith.maximumf %max3A_180, %min3A_182 : vector<16xf32>
      %max3A_184 = arith.maximumf %max3A_181, %get3A_157 : vector<16xf32>
      %min3A_185 = arith.minimumf %max3A_184, %get3A_161 : vector<16xf32>
      %max3A_186 = arith.maximumf %max3A_183, %min3A_185 : vector<16xf32>
      %max3A_187 = arith.maximumf %max3A_184, %get3A_161 : vector<16xf32>
      %min3A_188 = arith.minimumf %max3A_187, %get3A_165 : vector<16xf32>
      %max3A_189 = arith.maximumf %max3A_186, %min3A_188 : vector<16xf32>
      %max3A_190 = arith.maximumf %max3A_187, %get3A_165 : vector<16xf32>
      %min3A_191 = arith.minimumf %max3A_190, %get3A_169 : vector<16xf32>
      %max3A_192 = arith.maximumf %max3A_189, %min3A_191 : vector<16xf32>
      %max3A_193 = arith.maximumf %max3A_190, %get3A_169 : vector<16xf32>
      %min3A_194 = arith.minimumf %max3A_193, %get3A_173 : vector<16xf32>
      %max3A_195 = arith.maximumf %max3A_192, %min3A_194 : vector<16xf32>
      %max3A_196 = arith.maximumf %max3A_193, %get3A_173 : vector<16xf32>
      %get3A_197 = arith.index_cast %scan3A_25 : i32 to index
      %get3A_198 = arith.constant 16 : index
      %get3A_199 = tpu.vector_load %arg6[%get3A_197, %get3A_198] {strides = array<i32>} : memref<32x320xf32, #tpu.memory_space<vmem>>, vector<1x16xf32>,
      %get3A_200 = vector.shape_cast %get3A_199 : vector<1x16xf32> to vector<16xf32>
      %eq3A_201 = arith.cmpf oeq, %get3A_141, %max3A_196 : vector<16xf32>
      %select_n3A_202 = arith.select %eq3A_201, %max3A_195, %max3A_196 : vector<16xi1>, vector<16xf32>
      %add3A_203 = arith.addf %get3A_200, %select_n3A_202 : vector<16xf32>
      %max3A_204 = arith.constant 0.000000e+00 : f32
      %max3A_205 = vector.broadcast %max3A_204 : f32 to vector<16xf32>
      %max3A_206 = arith.maximumf %add3A_203, %max3A_205 : vector<16xf32>
      %get3A_207 = arith.index_cast %scan3A_25 : i32 to index
      %get3A_208 = arith.constant 80 : index
      %get3A_209 = tpu.vector_load %arg6[%get3A_207, %get3A_208] {strides = array<i32>} : memref<32x320xf32, #tpu.memory_space<vmem>>, vector<1x16xf32>,
      %get3A_210 = vector.shape_cast %get3A_209 : vector<1x16xf32> to vector<16xf32>
      %eq3A_211 = arith.cmpf oeq, %get3A_145, %max3A_196 : vector<16xf32>
      %select_n3A_212 = arith.select %eq3A_211, %max3A_195, %max3A_196 : vector<16xi1>, vector<16xf32>
      %add3A_213 = arith.addf %get3A_210, %select_n3A_212 : vector<16xf32>
      %max3A_214 = arith.constant 0.000000e+00 : f32
      %max3A_215 = vector.broadcast %max3A_214 : f32 to vector<16xf32>
      %max3A_216 = arith.maximumf %add3A_213, %max3A_215 : vector<16xf32>
      %add3A_217 = arith.addf %max3A_206, %max3A_216 : vector<16xf32>
      %get3A_218 = arith.index_cast %scan3A_25 : i32 to index
      %get3A_219 = arith.constant 144 : index
      %get3A_220 = tpu.vector_load %arg6[%get3A_218, %get3A_219] {strides = array<i32>} : memref<32x320xf32, #tpu.memory_space<vmem>>, vector<1x16xf32>,
      %get3A_221 = vector.shape_cast %get3A_220 : vector<1x16xf32> to vector<16xf32>
      %eq3A_222 = arith.cmpf oeq, %get3A_149, %max3A_196 : vector<16xf32>
      %select_n3A_223 = arith.select %eq3A_222, %max3A_195, %max3A_196 : vector<16xi1>, vector<16xf32>
      %add3A_224 = arith.addf %get3A_221, %select_n3A_223 : vector<16xf32>
      %max3A_225 = arith.constant 0.000000e+00 : f32
      %max3A_226 = vector.broadcast %max3A_225 : f32 to vector<16xf32>
      %max3A_227 = arith.maximumf %add3A_224, %max3A_226 : vector<16xf32>
      %add3A_228 = arith.addf %add3A_217, %max3A_227 : vector<16xf32>
      %get3A_229 = arith.index_cast %scan3A_25 : i32 to index
      %get3A_230 = arith.constant 208 : index
      %get3A_231 = tpu.vector_load %arg6[%get3A_229, %get3A_230] {strides = array<i32>} : memref<32x320xf32, #tpu.memory_space<vmem>>, vector<1x16xf32>,
      %get3A_232 = vector.shape_cast %get3A_231 : vector<1x16xf32> to vector<16xf32>
      %eq3A_233 = arith.cmpf oeq, %get3A_161, %max3A_196 : vector<16xf32>
      %select_n3A_234 = arith.select %eq3A_233, %max3A_195, %max3A_196 : vector<16xi1>, vector<16xf32>
      %add3A_235 = arith.addf %get3A_232, %select_n3A_234 : vector<16xf32>
      %max3A_236 = arith.constant 0.000000e+00 : f32
      %max3A_237 = vector.broadcast %max3A_236 : f32 to vector<16xf32>
      %max3A_238 = arith.maximumf %add3A_235, %max3A_237 : vector<16xf32>
      %add3A_239 = arith.addf %add3A_228, %max3A_238 : vector<16xf32>
      %get3A_240 = arith.index_cast %scan3A_25 : i32 to index
      %get3A_241 = arith.constant 272 : index
      %get3A_242 = tpu.vector_load %arg6[%get3A_240, %get3A_241] {strides = array<i32>} : memref<32x320xf32, #tpu.memory_space<vmem>>, vector<1x16xf32>,
      %get3A_243 = vector.shape_cast %get3A_242 : vector<1x16xf32> to vector<16xf32>
      %eq3A_244 = arith.cmpf oeq, %get3A_165, %max3A_196 : vector<16xf32>
      %select_n3A_245 = arith.select %eq3A_244, %max3A_195, %max3A_196 : vector<16xi1>, vector<16xf32>
      %add3A_246 = arith.addf %get3A_243, %select_n3A_245 : vector<16xf32>
      %max3A_247 = arith.constant 0.000000e+00 : f32
      %max3A_248 = vector.broadcast %max3A_247 : f32 to vector<16xf32>
      %max3A_249 = arith.maximumf %add3A_246, %max3A_248 : vector<16xf32>
      %add3A_250 = arith.addf %add3A_239, %max3A_249 : vector<16xf32>
      %swap3A_251 = arith.index_cast %scan3A_25 : i32 to index
      %swap3A_252 = arith.constant 16 : index
      %swap3A_253 = tpu.vector_load %arg7[%swap3A_251, %swap3A_252] {strides = array<i32>} : memref<32x192xf32, #tpu.memory_space<vmem>>, vector<1x16xf32>,
      %swap3A_254 = vector.shape_cast %swap3A_253 : vector<1x16xf32> to vector<16xf32>
      %swap3A_255 = vector.shape_cast %add3A_250 : vector<16xf32> to vector<1x16xf32>
      tpu.vector_store %arg7[%swap3A_251, %swap3A_252], %swap3A_255 {strides = array<i32>} : memref<32x192xf32, #tpu.memory_space<vmem>>, vector<1x16xf32>,
      %get3A_256 = arith.index_cast %scan3A_25 : i32 to index
      %get3A_257 = arith.constant 32 : index
      %get3A_258 = tpu.vector_load %arg5[%get3A_256, %get3A_257] {strides = array<i32>} : memref<32x1088xf32, #tpu.memory_space<vmem>>, vector<1x16xf32>,
      %get3A_259 = vector.shape_cast %get3A_258 : vector<1x16xf32> to vector<16xf32>
      %get3A_260 = arith.index_cast %scan3A_25 : i32 to index
      %get3A_261 = arith.constant 96 : index
      %get3A_262 = tpu.vector_load %arg5[%get3A_260, %get3A_261] {strides = array<i32>} : memref<32x1088xf32, #tpu.memory_space<vmem>>, vector<1x16xf32>,
      %get3A_263 = vector.shape_cast %get3A_262 : vector<1x16xf32> to vector<16xf32>
      %get3A_264 = arith.index_cast %scan3A_25 : i32 to index
      %get3A_265 = arith.constant 160 : index
      %get3A_266 = tpu.vector_load %arg5[%get3A_264, %get3A_265] {strides = array<i32>} : memref<32x1088xf32, #tpu.memory_space<vmem>>, vector<1x16xf32>,
      %get3A_267 = vector.shape_cast %get3A_266 : vector<1x16xf32> to vector<16xf32>
      %get3A_268 = arith.index_cast %scan3A_25 : i32 to index
      %get3A_269 = arith.constant 224 : index
      %get3A_270 = tpu.vector_load %arg5[%get3A_268, %get3A_269] {strides = array<i32>} : memref<32x1088xf32, #tpu.memory_space<vmem>>, vector<1x16xf32>,
      %get3A_271 = vector.shape_cast %get3A_270 : vector<1x16xf32> to vector<16xf32>
      %get3A_272 = arith.index_cast %scan3A_25 : i32 to index
      %get3A_273 = arith.constant 288 : index
      %get3A_274 = tpu.vector_load %arg5[%get3A_272, %get3A_273] {strides = array<i32>} : memref<32x1088xf32, #tpu.memory_space<vmem>>, vector<1x16xf32>,
      %get3A_275 = vector.shape_cast %get3A_274 : vector<1x16xf32> to vector<16xf32>
      %get3A_276 = arith.index_cast %scan3A_25 : i32 to index
      %get3A_277 = arith.constant 352 : index
      %get3A_278 = tpu.vector_load %arg5[%get3A_276, %get3A_277] {strides = array<i32>} : memref<32x1088xf32, #tpu.memory_space<vmem>>, vector<1x16xf32>,
      %get3A_279 = vector.shape_cast %get3A_278 : vector<1x16xf32> to vector<16xf32>
      %get3A_280 = arith.index_cast %scan3A_25 : i32 to index
      %get3A_281 = arith.constant 416 : index
      %get3A_282 = tpu.vector_load %arg5[%get3A_280, %get3A_281] {strides = array<i32>} : memref<32x1088xf32, #tpu.memory_space<vmem>>, vector<1x16xf32>,
      %get3A_283 = vector.shape_cast %get3A_282 : vector<1x16xf32> to vector<16xf32>
      %get3A_284 = arith.index_cast %scan3A_25 : i32 to index
      %get3A_285 = arith.constant 480 : index
      %get3A_286 = tpu.vector_load %arg5[%get3A_284, %get3A_285] {strides = array<i32>} : memref<32x1088xf32, #tpu.memory_space<vmem>>, vector<1x16xf32>,
      %get3A_287 = vector.shape_cast %get3A_286 : vector<1x16xf32> to vector<16xf32>
      %get3A_288 = arith.index_cast %scan3A_25 : i32 to index
      %get3A_289 = arith.constant 544 : index
      %get3A_290 = tpu.vector_load %arg5[%get3A_288, %get3A_289] {strides = array<i32>} : memref<32x1088xf32, #tpu.memory_space<vmem>>, vector<1x16xf32>,
      %get3A_291 = vector.shape_cast %get3A_290 : vector<1x16xf32> to vector<16xf32>
      %max3A_292 = arith.maximumf %get3A_259, %get3A_263 : vector<16xf32>
      %min3A_293 = arith.minimumf %get3A_259, %get3A_263 : vector<16xf32>
      %min3A_294 = arith.minimumf %max3A_292, %get3A_267 : vector<16xf32>
      %max3A_295 = arith.maximumf %min3A_293, %min3A_294 : vector<16xf32>
      %max3A_296 = arith.maximumf %max3A_292, %get3A_267 : vector<16xf32>
      %min3A_297 = arith.minimumf %max3A_296, %get3A_271 : vector<16xf32>
      %max3A_298 = arith.maximumf %max3A_295, %min3A_297 : vector<16xf32>
      %max3A_299 = arith.maximumf %max3A_296, %get3A_271 : vector<16xf32>
      %min3A_300 = arith.minimumf %max3A_299, %get3A_275 : vector<16xf32>
      %max3A_301 = arith.maximumf %max3A_298, %min3A_300 : vector<16xf32>
      %max3A_302 = arith.maximumf %max3A_299, %get3A_275 : vector<16xf32>
      %min3A_303 = arith.minimumf %max3A_302, %get3A_279 : vector<16xf32>
      %max3A_304 = arith.maximumf %max3A_301, %min3A_303 : vector<16xf32>
      %max3A_305 = arith.maximumf %max3A_302, %get3A_279 : vector<16xf32>
      %min3A_306 = arith.minimumf %max3A_305, %get3A_283 : vector<16xf32>
      %max3A_307 = arith.maximumf %max3A_304, %min3A_306 : vector<16xf32>
      %max3A_308 = arith.maximumf %max3A_305, %get3A_283 : vector<16xf32>
      %min3A_309 = arith.minimumf %max3A_308, %get3A_287 : vector<16xf32>
      %max3A_310 = arith.maximumf %max3A_307, %min3A_309 : vector<16xf32>
      %max3A_311 = arith.maximumf %max3A_308, %get3A_287 : vector<16xf32>
      %min3A_312 = arith.minimumf %max3A_311, %get3A_291 : vector<16xf32>
      %max3A_313 = arith.maximumf %max3A_310, %min3A_312 : vector<16xf32>
      %max3A_314 = arith.maximumf %max3A_311, %get3A_291 : vector<16xf32>
      %get3A_315 = arith.index_cast %scan3A_25 : i32 to index
      %get3A_316 = arith.constant 32 : index
      %get3A_317 = tpu.vector_load %arg6[%get3A_315, %get3A_316] {strides = array<i32>} : memref<32x320xf32, #tpu.memory_space<vmem>>, vector<1x16xf32>,
      %get3A_318 = vector.shape_cast %get3A_317 : vector<1x16xf32> to vector<16xf32>
      %eq3A_319 = arith.cmpf oeq, %get3A_259, %max3A_314 : vector<16xf32>
      %select_n3A_320 = arith.select %eq3A_319, %max3A_313, %max3A_314 : vector<16xi1>, vector<16xf32>
      %add3A_321 = arith.addf %get3A_318, %select_n3A_320 : vector<16xf32>
      %max3A_322 = arith.constant 0.000000e+00 : f32
      %max3A_323 = vector.broadcast %max3A_322 : f32 to vector<16xf32>
      %max3A_324 = arith.maximumf %add3A_321, %max3A_323 : vector<16xf32>
      %get3A_325 = arith.index_cast %scan3A_25 : i32 to index
      %get3A_326 = arith.constant 96 : index
      %get3A_327 = tpu.vector_load %arg6[%get3A_325, %get3A_326] {strides = array<i32>} : memref<32x320xf32, #tpu.memory_space<vmem>>, vector<1x16xf32>,
      %get3A_328 = vector.shape_cast %get3A_327 : vector<1x16xf32> to vector<16xf32>
      %eq3A_329 = arith.cmpf oeq, %get3A_263, %max3A_314 : vector<16xf32>
      %select_n3A_330 = arith.select %eq3A_329, %max3A_313, %max3A_314 : vector<16xi1>, vector<16xf32>
      %add3A_331 = arith.addf %get3A_328, %select_n3A_330 : vector<16xf32>
      %max3A_332 = arith.constant 0.000000e+00 : f32
      %max3A_333 = vector.broadcast %max3A_332 : f32 to vector<16xf32>
      %max3A_334 = arith.maximumf %add3A_331, %max3A_333 : vector<16xf32>
      %add3A_335 = arith.addf %max3A_324, %max3A_334 : vector<16xf32>
      %get3A_336 = arith.index_cast %scan3A_25 : i32 to index
      %get3A_337 = arith.constant 160 : index
      %get3A_338 = tpu.vector_load %arg6[%get3A_336, %get3A_337] {strides = array<i32>} : memref<32x320xf32, #tpu.memory_space<vmem>>, vector<1x16xf32>,
      %get3A_339 = vector.shape_cast %get3A_338 : vector<1x16xf32> to vector<16xf32>
      %eq3A_340 = arith.cmpf oeq, %get3A_267, %max3A_314 : vector<16xf32>
      %select_n3A_341 = arith.select %eq3A_340, %max3A_313, %max3A_314 : vector<16xi1>, vector<16xf32>
      %add3A_342 = arith.addf %get3A_339, %select_n3A_341 : vector<16xf32>
      %max3A_343 = arith.constant 0.000000e+00 : f32
      %max3A_344 = vector.broadcast %max3A_343 : f32 to vector<16xf32>
      %max3A_345 = arith.maximumf %add3A_342, %max3A_344 : vector<16xf32>
      %add3A_346 = arith.addf %add3A_335, %max3A_345 : vector<16xf32>
      %get3A_347 = arith.index_cast %scan3A_25 : i32 to index
      %get3A_348 = arith.constant 224 : index
      %get3A_349 = tpu.vector_load %arg6[%get3A_347, %get3A_348] {strides = array<i32>} : memref<32x320xf32, #tpu.memory_space<vmem>>, vector<1x16xf32>,
      %get3A_350 = vector.shape_cast %get3A_349 : vector<1x16xf32> to vector<16xf32>
      %eq3A_351 = arith.cmpf oeq, %get3A_279, %max3A_314 : vector<16xf32>
      %select_n3A_352 = arith.select %eq3A_351, %max3A_313, %max3A_314 : vector<16xi1>, vector<16xf32>
      %add3A_353 = arith.addf %get3A_350, %select_n3A_352 : vector<16xf32>
      %max3A_354 = arith.constant 0.000000e+00 : f32
      %max3A_355 = vector.broadcast %max3A_354 : f32 to vector<16xf32>
      %max3A_356 = arith.maximumf %add3A_353, %max3A_355 : vector<16xf32>
      %add3A_357 = arith.addf %add3A_346, %max3A_356 : vector<16xf32>
      %get3A_358 = arith.index_cast %scan3A_25 : i32 to index
      %get3A_359 = arith.constant 288 : index
      %get3A_360 = tpu.vector_load %arg6[%get3A_358, %get3A_359] {strides = array<i32>} : memref<32x320xf32, #tpu.memory_space<vmem>>, vector<1x16xf32>,
      %get3A_361 = vector.shape_cast %get3A_360 : vector<1x16xf32> to vector<16xf32>
      %eq3A_362 = arith.cmpf oeq, %get3A_283, %max3A_314 : vector<16xf32>
      %select_n3A_363 = arith.select %eq3A_362, %max3A_313, %max3A_314 : vector<16xi1>, vector<16xf32>
      %add3A_364 = arith.addf %get3A_361, %select_n3A_363 : vector<16xf32>
      %max3A_365 = arith.constant 0.000000e+00 : f32
      %max3A_366 = vector.broadcast %max3A_365 : f32 to vector<16xf32>
      %max3A_367 = arith.maximumf %add3A_364, %max3A_366 : vector<16xf32>
      %add3A_368 = arith.addf %add3A_357, %max3A_367 : vector<16xf32>
      %swap3A_369 = arith.index_cast %scan3A_25 : i32 to index
      %swap3A_370 = arith.constant 32 : index
      %swap3A_371 = tpu.vector_load %arg7[%swap3A_369, %swap3A_370] {strides = array<i32>} : memref<32x192xf32, #tpu.memory_space<vmem>>, vector<1x16xf32>,
      %swap3A_372 = vector.shape_cast %swap3A_371 : vector<1x16xf32> to vector<16xf32>
      %swap3A_373 = vector.shape_cast %add3A_368 : vector<16xf32> to vector<1x16xf32>
      tpu.vector_store %arg7[%swap3A_369, %swap3A_370], %swap3A_373 {strides = array<i32>} : memref<32x192xf32, #tpu.memory_space<vmem>>, vector<1x16xf32>,
      %get3A_374 = arith.index_cast %scan3A_25 : i32 to index
      %get3A_375 = arith.constant 48 : index
      %get3A_376 = tpu.vector_load %arg5[%get3A_374, %get3A_375] {strides = array<i32>} : memref<32x1088xf32, #tpu.memory_space<vmem>>, vector<1x16xf32>,
      %get3A_377 = vector.shape_cast %get3A_376 : vector<1x16xf32> to vector<16xf32>
      %get3A_378 = arith.index_cast %scan3A_25 : i32 to index
      %get3A_379 = arith.constant 112 : index
      %get3A_380 = tpu.vector_load %arg5[%get3A_378, %get3A_379] {strides = array<i32>} : memref<32x1088xf32, #tpu.memory_space<vmem>>, vector<1x16xf32>,
      %get3A_381 = vector.shape_cast %get3A_380 : vector<1x16xf32> to vector<16xf32>
      %get3A_382 = arith.index_cast %scan3A_25 : i32 to index
      %get3A_383 = arith.constant 176 : index
      %get3A_384 = tpu.vector_load %arg5[%get3A_382, %get3A_383] {strides = array<i32>} : memref<32x1088xf32, #tpu.memory_space<vmem>>, vector<1x16xf32>,
      %get3A_385 = vector.shape_cast %get3A_384 : vector<1x16xf32> to vector<16xf32>
      %get3A_386 = arith.index_cast %scan3A_25 : i32 to index
      %get3A_387 = arith.constant 240 : index
      %get3A_388 = tpu.vector_load %arg5[%get3A_386, %get3A_387] {strides = array<i32>} : memref<32x1088xf32, #tpu.memory_space<vmem>>, vector<1x16xf32>,
      %get3A_389 = vector.shape_cast %get3A_388 : vector<1x16xf32> to vector<16xf32>
      %get3A_390 = arith.index_cast %scan3A_25 : i32 to index
      %get3A_391 = arith.constant 304 : index
      %get3A_392 = tpu.vector_load %arg5[%get3A_390, %get3A_391] {strides = array<i32>} : memref<32x1088xf32, #tpu.memory_space<vmem>>, vector<1x16xf32>,
      %get3A_393 = vector.shape_cast %get3A_392 : vector<1x16xf32> to vector<16xf32>
      %get3A_394 = arith.index_cast %scan3A_25 : i32 to index
      %get3A_395 = arith.constant 368 : index
      %get3A_396 = tpu.vector_load %arg5[%get3A_394, %get3A_395] {strides = array<i32>} : memref<32x1088xf32, #tpu.memory_space<vmem>>, vector<1x16xf32>,
      %get3A_397 = vector.shape_cast %get3A_396 : vector<1x16xf32> to vector<16xf32>
      %get3A_398 = arith.index_cast %scan3A_25 : i32 to index
      %get3A_399 = arith.constant 432 : index
      %get3A_400 = tpu.vector_load %arg5[%get3A_398, %get3A_399] {strides = array<i32>} : memref<32x1088xf32, #tpu.memory_space<vmem>>, vector<1x16xf32>,
      %get3A_401 = vector.shape_cast %get3A_400 : vector<1x16xf32> to vector<16xf32>
      %get3A_402 = arith.index_cast %scan3A_25 : i32 to index
      %get3A_403 = arith.constant 496 : index
      %get3A_404 = tpu.vector_load %arg5[%get3A_402, %get3A_403] {strides = array<i32>} : memref<32x1088xf32, #tpu.memory_space<vmem>>, vector<1x16xf32>,
      %get3A_405 = vector.shape_cast %get3A_404 : vector<1x16xf32> to vector<16xf32>
      %get3A_406 = arith.index_cast %scan3A_25 : i32 to index
      %get3A_407 = arith.constant 560 : index
      %get3A_408 = tpu.vector_load %arg5[%get3A_406, %get3A_407] {strides = array<i32>} : memref<32x1088xf32, #tpu.memory_space<vmem>>, vector<1x16xf32>,
      %get3A_409 = vector.shape_cast %get3A_408 : vector<1x16xf32> to vector<16xf32>
      %max3A_410 = arith.maximumf %get3A_377, %get3A_381 : vector<16xf32>
      %min3A_411 = arith.minimumf %get3A_377, %get3A_381 : vector<16xf32>
      %min3A_412 = arith.minimumf %max3A_410, %get3A_385 : vector<16xf32>
      %max3A_413 = arith.maximumf %min3A_411, %min3A_412 : vector<16xf32>
      %max3A_414 = arith.maximumf %max3A_410, %get3A_385 : vector<16xf32>
      %min3A_415 = arith.minimumf %max3A_414, %get3A_389 : vector<16xf32>
      %max3A_416 = arith.maximumf %max3A_413, %min3A_415 : vector<16xf32>
      %max3A_417 = arith.maximumf %max3A_414, %get3A_389 : vector<16xf32>
      %min3A_418 = arith.minimumf %max3A_417, %get3A_393 : vector<16xf32>
      %max3A_419 = arith.maximumf %max3A_416, %min3A_418 : vector<16xf32>
      %max3A_420 = arith.maximumf %max3A_417, %get3A_393 : vector<16xf32>
      %min3A_421 = arith.minimumf %max3A_420, %get3A_397 : vector<16xf32>
      %max3A_422 = arith.maximumf %max3A_419, %min3A_421 : vector<16xf32>
      %max3A_423 = arith.maximumf %max3A_420, %get3A_397 : vector<16xf32>
      %min3A_424 = arith.minimumf %max3A_423, %get3A_401 : vector<16xf32>
      %max3A_425 = arith.maximumf %max3A_422, %min3A_424 : vector<16xf32>
      %max3A_426 = arith.maximumf %max3A_423, %get3A_401 : vector<16xf32>
      %min3A_427 = arith.minimumf %max3A_426, %get3A_405 : vector<16xf32>
      %max3A_428 = arith.maximumf %max3A_425, %min3A_427 : vector<16xf32>
      %max3A_429 = arith.maximumf %max3A_426, %get3A_405 : vector<16xf32>
      %min3A_430 = arith.minimumf %max3A_429, %get3A_409 : vector<16xf32>
      %max3A_431 = arith.maximumf %max3A_428, %min3A_430 : vector<16xf32>
      %max3A_432 = arith.maximumf %max3A_429, %get3A_409 : vector<16xf32>
      %get3A_433 = arith.index_cast %scan3A_25 : i32 to index
      %get3A_434 = arith.constant 48 : index
      %get3A_435 = tpu.vector_load %arg6[%get3A_433, %get3A_434] {strides = array<i32>} : memref<32x320xf32, #tpu.memory_space<vmem>>, vector<1x16xf32>,
      %get3A_436 = vector.shape_cast %get3A_435 : vector<1x16xf32> to vector<16xf32>
      %eq3A_437 = arith.cmpf oeq, %get3A_377, %max3A_432 : vector<16xf32>
      %select_n3A_438 = arith.select %eq3A_437, %max3A_431, %max3A_432 : vector<16xi1>, vector<16xf32>
      %add3A_439 = arith.addf %get3A_436, %select_n3A_438 : vector<16xf32>
      %max3A_440 = arith.constant 0.000000e+00 : f32
      %max3A_441 = vector.broadcast %max3A_440 : f32 to vector<16xf32>
      %max3A_442 = arith.maximumf %add3A_439, %max3A_441 : vector<16xf32>
      %get3A_443 = arith.index_cast %scan3A_25 : i32 to index
      %get3A_444 = arith.constant 112 : index
      %get3A_445 = tpu.vector_load %arg6[%get3A_443, %get3A_444] {strides = array<i32>} : memref<32x320xf32, #tpu.memory_space<vmem>>, vector<1x16xf32>,
      %get3A_446 = vector.shape_cast %get3A_445 : vector<1x16xf32> to vector<16xf32>
      %eq3A_447 = arith.cmpf oeq, %get3A_381, %max3A_432 : vector<16xf32>
      %select_n3A_448 = arith.select %eq3A_447, %max3A_431, %max3A_432 : vector<16xi1>, vector<16xf32>
      %add3A_449 = arith.addf %get3A_446, %select_n3A_448 : vector<16xf32>
      %max3A_450 = arith.constant 0.000000e+00 : f32
      %max3A_451 = vector.broadcast %max3A_450 : f32 to vector<16xf32>
      %max3A_452 = arith.maximumf %add3A_449, %max3A_451 : vector<16xf32>
      %add3A_453 = arith.addf %max3A_442, %max3A_452 : vector<16xf32>
      %get3A_454 = arith.index_cast %scan3A_25 : i32 to index
      %get3A_455 = arith.constant 176 : index
      %get3A_456 = tpu.vector_load %arg6[%get3A_454, %get3A_455] {strides = array<i32>} : memref<32x320xf32, #tpu.memory_space<vmem>>, vector<1x16xf32>,
      %get3A_457 = vector.shape_cast %get3A_456 : vector<1x16xf32> to vector<16xf32>
      %eq3A_458 = arith.cmpf oeq, %get3A_385, %max3A_432 : vector<16xf32>
      %select_n3A_459 = arith.select %eq3A_458, %max3A_431, %max3A_432 : vector<16xi1>, vector<16xf32>
      %add3A_460 = arith.addf %get3A_457, %select_n3A_459 : vector<16xf32>
      %max3A_461 = arith.constant 0.000000e+00 : f32
      %max3A_462 = vector.broadcast %max3A_461 : f32 to vector<16xf32>
      %max3A_463 = arith.maximumf %add3A_460, %max3A_462 : vector<16xf32>
      %add3A_464 = arith.addf %add3A_453, %max3A_463 : vector<16xf32>
      %get3A_465 = arith.index_cast %scan3A_25 : i32 to index
      %get3A_466 = arith.constant 240 : index
      %get3A_467 = tpu.vector_load %arg6[%get3A_465, %get3A_466] {strides = array<i32>} : memref<32x320xf32, #tpu.memory_space<vmem>>, vector<1x16xf32>,
      %get3A_468 = vector.shape_cast %get3A_467 : vector<1x16xf32> to vector<16xf32>
      %eq3A_469 = arith.cmpf oeq, %get3A_397, %max3A_432 : vector<16xf32>
      %select_n3A_470 = arith.select %eq3A_469, %max3A_431, %max3A_432 : vector<16xi1>, vector<16xf32>
      %add3A_471 = arith.addf %get3A_468, %select_n3A_470 : vector<16xf32>
      %max3A_472 = arith.constant 0.000000e+00 : f32
      %max3A_473 = vector.broadcast %max3A_472 : f32 to vector<16xf32>
      %max3A_474 = arith.maximumf %add3A_471, %max3A_473 : vector<16xf32>
      %add3A_475 = arith.addf %add3A_464, %max3A_474 : vector<16xf32>
      %get3A_476 = arith.index_cast %scan3A_25 : i32 to index
      %get3A_477 = arith.constant 304 : index
      %get3A_478 = tpu.vector_load %arg6[%get3A_476, %get3A_477] {strides = array<i32>} : memref<32x320xf32, #tpu.memory_space<vmem>>, vector<1x16xf32>,
      %get3A_479 = vector.shape_cast %get3A_478 : vector<1x16xf32> to vector<16xf32>
      %eq3A_480 = arith.cmpf oeq, %get3A_401, %max3A_432 : vector<16xf32>
      %select_n3A_481 = arith.select %eq3A_480, %max3A_431, %max3A_432 : vector<16xi1>, vector<16xf32>
      %add3A_482 = arith.addf %get3A_479, %select_n3A_481 : vector<16xf32>
      %max3A_483 = arith.constant 0.000000e+00 : f32
      %max3A_484 = vector.broadcast %max3A_483 : f32 to vector<16xf32>
      %max3A_485 = arith.maximumf %add3A_482, %max3A_484 : vector<16xf32>
      %add3A_486 = arith.addf %add3A_475, %max3A_485 : vector<16xf32>
      %swap3A_487 = arith.index_cast %scan3A_25 : i32 to index
      %swap3A_488 = arith.constant 48 : index
      %swap3A_489 = tpu.vector_load %arg7[%swap3A_487, %swap3A_488] {strides = array<i32>} : memref<32x192xf32, #tpu.memory_space<vmem>>, vector<1x16xf32>,
      %swap3A_490 = vector.shape_cast %swap3A_489 : vector<1x16xf32> to vector<16xf32>
      %swap3A_491 = vector.shape_cast %add3A_486 : vector<16xf32> to vector<1x16xf32>
      tpu.vector_store %arg7[%swap3A_487, %swap3A_488], %swap3A_491 {strides = array<i32>} : memref<32x192xf32, #tpu.memory_space<vmem>>, vector<1x16xf32>,
    }
    %scan3A_8 = arith.constant 32 : i32
    %run_scoped3A_9 = arith.constant 1 : i32
    "tpu.region"() ({
      %run_scoped3A_25 = tpu.sem_alloc : memref<!tpu.dma_semaphore, #tpu.memory_space<semaphore_mem>>
      %dma_start3A = arith.constant 0 : i32
      %dma_start3A_26 = tpu.memref_slice %arg2[%run_scoped3A_9, %mul3A_2, %dma_start3A] : memref<3x1024x1088xf32, #tpu.memory_space<hbm>> -> memref<1x32x1088xf32, #tpu.memory_space<hbm>>
      %dma_start3A_27 = tpu.memref_squeeze %dma_start3A_26 : memref<1x32x1088xf32, #tpu.memory_space<hbm>> -> memref<32x1088xf32, #tpu.memory_space<hbm>>
      %dma_start3A_28 = arith.constant 0 : i32
      %dma_start3A_29 = tpu.memref_slice %arg2[%run_scoped3A_9, %mul3A_2, %dma_start3A_28] : memref<3x1024x1088xf32, #tpu.memory_space<hbm>> -> memref<1x32x1088xf32, #tpu.memory_space<hbm>>
      %dma_start3A_30 = tpu.memref_squeeze %dma_start3A_29 : memref<1x32x1088xf32, #tpu.memory_space<hbm>> -> memref<32x1088xf32, #tpu.memory_space<hbm>>
      tpu.enqueue_dma source(%dma_start3A_30 : memref<32x1088xf32, #tpu.memory_space<hbm>>) target(%arg5 : memref<32x1088xf32, #tpu.memory_space<vmem>>) target_semaphore(%run_scoped3A_25 : memref<!tpu.dma_semaphore, #tpu.memory_space<semaphore_mem>>)
      %dma_wait3A = arith.constant 0 : i32
      %dma_wait3A_31 = tpu.memref_slice %arg2[%run_scoped3A_9, %mul3A_2, %dma_wait3A] : memref<3x1024x1088xf32, #tpu.memory_space<hbm>> -> memref<1x32x1088xf32, #tpu.memory_space<hbm>>
      %dma_wait3A_32 = tpu.memref_squeeze %dma_wait3A_31 : memref<1x32x1088xf32, #tpu.memory_space<hbm>> -> memref<32x1088xf32, #tpu.memory_space<hbm>>
      %dma_wait3A_33 = arith.constant 0 : i32
      %dma_wait3A_34 = tpu.memref_slice %arg2[%run_scoped3A_9, %mul3A_2, %dma_wait3A_33] : memref<3x1024x1088xf32, #tpu.memory_space<hbm>> -> memref<1x32x1088xf32, #tpu.memory_space<hbm>>
      %dma_wait3A_35 = tpu.memref_squeeze %dma_wait3A_34 : memref<1x32x1088xf32, #tpu.memory_space<hbm>> -> memref<32x1088xf32, #tpu.memory_space<hbm>>
      tpu.wait_dma2 semaphore(%run_scoped3A_25 : memref<!tpu.dma_semaphore, #tpu.memory_space<semaphore_mem>>) src(%dma_wait3A_35 : memref<32x1088xf32, #tpu.memory_space<hbm>>) dst(%arg5 : memref<32x1088xf32, #tpu.memory_space<vmem>>)
      tpu.yield
    }) : () -> ()
    %run_scoped3A_10 = arith.constant 1 : i32
    "tpu.region"() ({
      %run_scoped3A_25 = tpu.sem_alloc : memref<!tpu.dma_semaphore, #tpu.memory_space<semaphore_mem>>
      %dma_start3A = arith.constant 0 : i32
      %dma_start3A_26 = tpu.memref_slice %arg3[%run_scoped3A_10, %mul3A_2, %dma_start3A] : memref<3x1024x320xf32, #tpu.memory_space<hbm>> -> memref<1x32x320xf32, #tpu.memory_space<hbm>>
      %dma_start3A_27 = tpu.memref_squeeze %dma_start3A_26 : memref<1x32x320xf32, #tpu.memory_space<hbm>> -> memref<32x320xf32, #tpu.memory_space<hbm>>
      %dma_start3A_28 = arith.constant 0 : i32
      %dma_start3A_29 = tpu.memref_slice %arg3[%run_scoped3A_10, %mul3A_2, %dma_start3A_28] : memref<3x1024x320xf32, #tpu.memory_space<hbm>> -> memref<1x32x320xf32, #tpu.memory_space<hbm>>
      %dma_start3A_30 = tpu.memref_squeeze %dma_start3A_29 : memref<1x32x320xf32, #tpu.memory_space<hbm>> -> memref<32x320xf32, #tpu.memory_space<hbm>>
      tpu.enqueue_dma source(%dma_start3A_30 : memref<32x320xf32, #tpu.memory_space<hbm>>) target(%arg6 : memref<32x320xf32, #tpu.memory_space<vmem>>) target_semaphore(%run_scoped3A_25 : memref<!tpu.dma_semaphore, #tpu.memory_space<semaphore_mem>>)
      %dma_wait3A = arith.constant 0 : i32
      %dma_wait3A_31 = tpu.memref_slice %arg3[%run_scoped3A_10, %mul3A_2, %dma_wait3A] : memref<3x1024x320xf32, #tpu.memory_space<hbm>> -> memref<1x32x320xf32, #tpu.memory_space<hbm>>
      %dma_wait3A_32 = tpu.memref_squeeze %dma_wait3A_31 : memref<1x32x320xf32, #tpu.memory_space<hbm>> -> memref<32x320xf32, #tpu.memory_space<hbm>>
      %dma_wait3A_33 = arith.constant 0 : i32
      %dma_wait3A_34 = tpu.memref_slice %arg3[%run_scoped3A_10, %mul3A_2, %dma_wait3A_33] : memref<3x1024x320xf32, #tpu.memory_space<hbm>> -> memref<1x32x320xf32, #tpu.memory_space<hbm>>
      %dma_wait3A_35 = tpu.memref_squeeze %dma_wait3A_34 : memref<1x32x320xf32, #tpu.memory_space<hbm>> -> memref<32x320xf32, #tpu.memory_space<hbm>>
      tpu.wait_dma2 semaphore(%run_scoped3A_25 : memref<!tpu.dma_semaphore, #tpu.memory_space<semaphore_mem>>) src(%dma_wait3A_35 : memref<32x320xf32, #tpu.memory_space<hbm>>) dst(%arg6 : memref<32x320xf32, #tpu.memory_space<vmem>>)
      tpu.yield
    }) : () -> ()
    %scan3A_11 = arith.constant 0 : i32
    %scan3A_12 = arith.constant 0 : i32
    %scan3A_13 = arith.constant 32 : i32
    %scan3A_14 = arith.addi %scan3A_12, %scan3A_13 : i32
    %scan3A_15 = arith.constant 1 : i32
    scf.for %scan3A_25 = %scan3A_12 to %scan3A_14 step %scan3A_15  : i32 {
      %get3A = arith.index_cast %scan3A_25 : i32 to index
      %get3A_26 = arith.constant 0 : index
      %get3A_27 = tpu.vector_load %arg5[%get3A, %get3A_26] {strides = array<i32>} : memref<32x1088xf32, #tpu.memory_space<vmem>>, vector<1x16xf32>,
      %get3A_28 = vector.shape_cast %get3A_27 : vector<1x16xf32> to vector<16xf32>
      %get3A_29 = arith.index_cast %scan3A_25 : i32 to index
      %get3A_30 = arith.constant 64 : index
      %get3A_31 = tpu.vector_load %arg5[%get3A_29, %get3A_30] {strides = array<i32>} : memref<32x1088xf32, #tpu.memory_space<vmem>>, vector<1x16xf32>,
      %get3A_32 = vector.shape_cast %get3A_31 : vector<1x16xf32> to vector<16xf32>
      %get3A_33 = arith.index_cast %scan3A_25 : i32 to index
      %get3A_34 = arith.constant 128 : index
      %get3A_35 = tpu.vector_load %arg5[%get3A_33, %get3A_34] {strides = array<i32>} : memref<32x1088xf32, #tpu.memory_space<vmem>>, vector<1x16xf32>,
      %get3A_36 = vector.shape_cast %get3A_35 : vector<1x16xf32> to vector<16xf32>
      %get3A_37 = arith.index_cast %scan3A_25 : i32 to index
      %get3A_38 = arith.constant 192 : index
      %get3A_39 = tpu.vector_load %arg5[%get3A_37, %get3A_38] {strides = array<i32>} : memref<32x1088xf32, #tpu.memory_space<vmem>>, vector<1x16xf32>,
      %get3A_40 = vector.shape_cast %get3A_39 : vector<1x16xf32> to vector<16xf32>
      %get3A_41 = arith.index_cast %scan3A_25 : i32 to index
      %get3A_42 = arith.constant 256 : index
      %get3A_43 = tpu.vector_load %arg5[%get3A_41, %get3A_42] {strides = array<i32>} : memref<32x1088xf32, #tpu.memory_space<vmem>>, vector<1x16xf32>,
      %get3A_44 = vector.shape_cast %get3A_43 : vector<1x16xf32> to vector<16xf32>
      %get3A_45 = arith.index_cast %scan3A_25 : i32 to index
      %get3A_46 = arith.constant 320 : index
      %get3A_47 = tpu.vector_load %arg5[%get3A_45, %get3A_46] {strides = array<i32>} : memref<32x1088xf32, #tpu.memory_space<vmem>>, vector<1x16xf32>,
      %get3A_48 = vector.shape_cast %get3A_47 : vector<1x16xf32> to vector<16xf32>
      %get3A_49 = arith.index_cast %scan3A_25 : i32 to index
      %get3A_50 = arith.constant 384 : index
      %get3A_51 = tpu.vector_load %arg5[%get3A_49, %get3A_50] {strides = array<i32>} : memref<32x1088xf32, #tpu.memory_space<vmem>>, vector<1x16xf32>,
      %get3A_52 = vector.shape_cast %get3A_51 : vector<1x16xf32> to vector<16xf32>
      %get3A_53 = arith.index_cast %scan3A_25 : i32 to index
      %get3A_54 = arith.constant 448 : index
      %get3A_55 = tpu.vector_load %arg5[%get3A_53, %get3A_54] {strides = array<i32>} : memref<32x1088xf32, #tpu.memory_space<vmem>>, vector<1x16xf32>,
      %get3A_56 = vector.shape_cast %get3A_55 : vector<1x16xf32> to vector<16xf32>
      %get3A_57 = arith.index_cast %scan3A_25 : i32 to index
      %get3A_58 = arith.constant 512 : index
      %get3A_59 = tpu.vector_load %arg5[%get3A_57, %get3A_58] {strides = array<i32>} : memref<32x1088xf32, #tpu.memory_space<vmem>>, vector<1x16xf32>,
      %get3A_60 = vector.shape_cast %get3A_59 : vector<1x16xf32> to vector<16xf32>
      %get3A_61 = arith.index_cast %scan3A_25 : i32 to index
      %get3A_62 = arith.constant 576 : index
      %get3A_63 = tpu.vector_load %arg5[%get3A_61, %get3A_62] {strides = array<i32>} : memref<32x1088xf32, #tpu.memory_space<vmem>>, vector<1x16xf32>,
      %get3A_64 = vector.shape_cast %get3A_63 : vector<1x16xf32> to vector<16xf32>
      %get3A_65 = arith.index_cast %scan3A_25 : i32 to index
      %get3A_66 = arith.constant 640 : index
      %get3A_67 = tpu.vector_load %arg5[%get3A_65, %get3A_66] {strides = array<i32>} : memref<32x1088xf32, #tpu.memory_space<vmem>>, vector<1x16xf32>,
      %get3A_68 = vector.shape_cast %get3A_67 : vector<1x16xf32> to vector<16xf32>
      %get3A_69 = arith.index_cast %scan3A_25 : i32 to index
      %get3A_70 = arith.constant 704 : index
      %get3A_71 = tpu.vector_load %arg5[%get3A_69, %get3A_70] {strides = array<i32>} : memref<32x1088xf32, #tpu.memory_space<vmem>>, vector<1x16xf32>,
      %get3A_72 = vector.shape_cast %get3A_71 : vector<1x16xf32> to vector<16xf32>
      %get3A_73 = arith.index_cast %scan3A_25 : i32 to index
      %get3A_74 = arith.constant 768 : index
      %get3A_75 = tpu.vector_load %arg5[%get3A_73, %get3A_74] {strides = array<i32>} : memref<32x1088xf32, #tpu.memory_space<vmem>>, vector<1x16xf32>,
      %get3A_76 = vector.shape_cast %get3A_75 : vector<1x16xf32> to vector<16xf32>
      %max3A = arith.maximumf %get3A_28, %get3A_32 : vector<16xf32>
      %min3A = arith.minimumf %get3A_28, %get3A_32 : vector<16xf32>
      %min3A_77 = arith.minimumf %max3A, %get3A_36 : vector<16xf32>
      %max3A_78 = arith.maximumf %min3A, %min3A_77 : vector<16xf32>
      %max3A_79 = arith.maximumf %max3A, %get3A_36 : vector<16xf32>
      %min3A_80 = arith.minimumf %max3A_79, %get3A_40 : vector<16xf32>
      %max3A_81 = arith.maximumf %max3A_78, %min3A_80 : vector<16xf32>
      %max3A_82 = arith.maximumf %max3A_79, %get3A_40 : vector<16xf32>
      %min3A_83 = arith.minimumf %max3A_82, %get3A_44 : vector<16xf32>
      %max3A_84 = arith.maximumf %max3A_81, %min3A_83 : vector<16xf32>
      %max3A_85 = arith.maximumf %max3A_82, %get3A_44 : vector<16xf32>
      %min3A_86 = arith.minimumf %max3A_85, %get3A_48 : vector<16xf32>
      %max3A_87 = arith.maximumf %max3A_84, %min3A_86 : vector<16xf32>
      %max3A_88 = arith.maximumf %max3A_85, %get3A_48 : vector<16xf32>
      %min3A_89 = arith.minimumf %max3A_88, %get3A_52 : vector<16xf32>
      %max3A_90 = arith.maximumf %max3A_87, %min3A_89 : vector<16xf32>
      %max3A_91 = arith.maximumf %max3A_88, %get3A_52 : vector<16xf32>
      %min3A_92 = arith.minimumf %max3A_91, %get3A_56 : vector<16xf32>
      %max3A_93 = arith.maximumf %max3A_90, %min3A_92 : vector<16xf32>
      %max3A_94 = arith.maximumf %max3A_91, %get3A_56 : vector<16xf32>
      %min3A_95 = arith.minimumf %max3A_94, %get3A_60 : vector<16xf32>
      %max3A_96 = arith.maximumf %max3A_93, %min3A_95 : vector<16xf32>
      %max3A_97 = arith.maximumf %max3A_94, %get3A_60 : vector<16xf32>
      %min3A_98 = arith.minimumf %max3A_97, %get3A_64 : vector<16xf32>
      %max3A_99 = arith.maximumf %max3A_96, %min3A_98 : vector<16xf32>
      %max3A_100 = arith.maximumf %max3A_97, %get3A_64 : vector<16xf32>
      %min3A_101 = arith.minimumf %max3A_100, %get3A_68 : vector<16xf32>
      %max3A_102 = arith.maximumf %max3A_99, %min3A_101 : vector<16xf32>
      %max3A_103 = arith.maximumf %max3A_100, %get3A_68 : vector<16xf32>
      %min3A_104 = arith.minimumf %max3A_103, %get3A_72 : vector<16xf32>
      %max3A_105 = arith.maximumf %max3A_102, %min3A_104 : vector<16xf32>
      %max3A_106 = arith.maximumf %max3A_103, %get3A_72 : vector<16xf32>
      %min3A_107 = arith.minimumf %max3A_106, %get3A_76 : vector<16xf32>
      %max3A_108 = arith.maximumf %max3A_105, %min3A_107 : vector<16xf32>
      %max3A_109 = arith.maximumf %max3A_106, %get3A_76 : vector<16xf32>
      %get3A_110 = arith.index_cast %scan3A_25 : i32 to index
      %get3A_111 = arith.constant 0 : index
      %get3A_112 = tpu.vector_load %arg6[%get3A_110, %get3A_111] {strides = array<i32>} : memref<32x320xf32, #tpu.memory_space<vmem>>, vector<1x16xf32>,
      %get3A_113 = vector.shape_cast %get3A_112 : vector<1x16xf32> to vector<16xf32>
      %eq3A = arith.cmpf oeq, %get3A_40, %max3A_109 : vector<16xf32>
      %select_n3A = arith.select %eq3A, %max3A_108, %max3A_109 : vector<16xi1>, vector<16xf32>
      %add3A_114 = arith.addf %get3A_113, %select_n3A : vector<16xf32>
      %max3A_115 = arith.constant 0.000000e+00 : f32
      %max3A_116 = vector.broadcast %max3A_115 : f32 to vector<16xf32>
      %max3A_117 = arith.maximumf %add3A_114, %max3A_116 : vector<16xf32>
      %get3A_118 = arith.index_cast %scan3A_25 : i32 to index
      %get3A_119 = arith.constant 64 : index
      %get3A_120 = tpu.vector_load %arg6[%get3A_118, %get3A_119] {strides = array<i32>} : memref<32x320xf32, #tpu.memory_space<vmem>>, vector<1x16xf32>,
      %get3A_121 = vector.shape_cast %get3A_120 : vector<1x16xf32> to vector<16xf32>
      %eq3A_122 = arith.cmpf oeq, %get3A_44, %max3A_109 : vector<16xf32>
      %select_n3A_123 = arith.select %eq3A_122, %max3A_108, %max3A_109 : vector<16xi1>, vector<16xf32>
      %add3A_124 = arith.addf %get3A_121, %select_n3A_123 : vector<16xf32>
      %max3A_125 = arith.constant 0.000000e+00 : f32
      %max3A_126 = vector.broadcast %max3A_125 : f32 to vector<16xf32>
      %max3A_127 = arith.maximumf %add3A_124, %max3A_126 : vector<16xf32>
      %add3A_128 = arith.addf %max3A_117, %max3A_127 : vector<16xf32>
      %get3A_129 = arith.index_cast %scan3A_25 : i32 to index
      %get3A_130 = arith.constant 128 : index
      %get3A_131 = tpu.vector_load %arg6[%get3A_129, %get3A_130] {strides = array<i32>} : memref<32x320xf32, #tpu.memory_space<vmem>>, vector<1x16xf32>,
      %get3A_132 = vector.shape_cast %get3A_131 : vector<1x16xf32> to vector<16xf32>
      %eq3A_133 = arith.cmpf oeq, %get3A_64, %max3A_109 : vector<16xf32>
      %select_n3A_134 = arith.select %eq3A_133, %max3A_108, %max3A_109 : vector<16xi1>, vector<16xf32>
      %add3A_135 = arith.addf %get3A_132, %select_n3A_134 : vector<16xf32>
      %max3A_136 = arith.constant 0.000000e+00 : f32
      %max3A_137 = vector.broadcast %max3A_136 : f32 to vector<16xf32>
      %max3A_138 = arith.maximumf %add3A_135, %max3A_137 : vector<16xf32>
      %add3A_139 = arith.addf %add3A_128, %max3A_138 : vector<16xf32>
      %get3A_140 = arith.index_cast %scan3A_25 : i32 to index
      %get3A_141 = arith.constant 192 : index
      %get3A_142 = tpu.vector_load %arg6[%get3A_140, %get3A_141] {strides = array<i32>} : memref<32x320xf32, #tpu.memory_space<vmem>>, vector<1x16xf32>,
      %get3A_143 = vector.shape_cast %get3A_142 : vector<1x16xf32> to vector<16xf32>
      %eq3A_144 = arith.cmpf oeq, %get3A_68, %max3A_109 : vector<16xf32>
      %select_n3A_145 = arith.select %eq3A_144, %max3A_108, %max3A_109 : vector<16xi1>, vector<16xf32>
      %add3A_146 = arith.addf %get3A_143, %select_n3A_145 : vector<16xf32>
      %max3A_147 = arith.constant 0.000000e+00 : f32
      %max3A_148 = vector.broadcast %max3A_147 : f32 to vector<16xf32>
      %max3A_149 = arith.maximumf %add3A_146, %max3A_148 : vector<16xf32>
      %add3A_150 = arith.addf %add3A_139, %max3A_149 : vector<16xf32>
      %swap3A = arith.index_cast %scan3A_25 : i32 to index
      %swap3A_151 = arith.constant 64 : index
      %swap3A_152 = tpu.vector_load %arg7[%swap3A, %swap3A_151] {strides = array<i32>} : memref<32x192xf32, #tpu.memory_space<vmem>>, vector<1x16xf32>,
      %swap3A_153 = vector.shape_cast %swap3A_152 : vector<1x16xf32> to vector<16xf32>
      %swap3A_154 = vector.shape_cast %add3A_150 : vector<16xf32> to vector<1x16xf32>
      tpu.vector_store %arg7[%swap3A, %swap3A_151], %swap3A_154 {strides = array<i32>} : memref<32x192xf32, #tpu.memory_space<vmem>>, vector<1x16xf32>,
      %get3A_155 = arith.index_cast %scan3A_25 : i32 to index
      %get3A_156 = arith.constant 16 : index
      %get3A_157 = tpu.vector_load %arg5[%get3A_155, %get3A_156] {strides = array<i32>} : memref<32x1088xf32, #tpu.memory_space<vmem>>, vector<1x16xf32>,
      %get3A_158 = vector.shape_cast %get3A_157 : vector<1x16xf32> to vector<16xf32>
      %get3A_159 = arith.index_cast %scan3A_25 : i32 to index
      %get3A_160 = arith.constant 80 : index
      %get3A_161 = tpu.vector_load %arg5[%get3A_159, %get3A_160] {strides = array<i32>} : memref<32x1088xf32, #tpu.memory_space<vmem>>, vector<1x16xf32>,
      %get3A_162 = vector.shape_cast %get3A_161 : vector<1x16xf32> to vector<16xf32>
      %get3A_163 = arith.index_cast %scan3A_25 : i32 to index
      %get3A_164 = arith.constant 144 : index
      %get3A_165 = tpu.vector_load %arg5[%get3A_163, %get3A_164] {strides = array<i32>} : memref<32x1088xf32, #tpu.memory_space<vmem>>, vector<1x16xf32>,
      %get3A_166 = vector.shape_cast %get3A_165 : vector<1x16xf32> to vector<16xf32>
      %get3A_167 = arith.index_cast %scan3A_25 : i32 to index
      %get3A_168 = arith.constant 208 : index
      %get3A_169 = tpu.vector_load %arg5[%get3A_167, %get3A_168] {strides = array<i32>} : memref<32x1088xf32, #tpu.memory_space<vmem>>, vector<1x16xf32>,
      %get3A_170 = vector.shape_cast %get3A_169 : vector<1x16xf32> to vector<16xf32>
      %get3A_171 = arith.index_cast %scan3A_25 : i32 to index
      %get3A_172 = arith.constant 272 : index
      %get3A_173 = tpu.vector_load %arg5[%get3A_171, %get3A_172] {strides = array<i32>} : memref<32x1088xf32, #tpu.memory_space<vmem>>, vector<1x16xf32>,
      %get3A_174 = vector.shape_cast %get3A_173 : vector<1x16xf32> to vector<16xf32>
      %get3A_175 = arith.index_cast %scan3A_25 : i32 to index
      %get3A_176 = arith.constant 336 : index
      %get3A_177 = tpu.vector_load %arg5[%get3A_175, %get3A_176] {strides = array<i32>} : memref<32x1088xf32, #tpu.memory_space<vmem>>, vector<1x16xf32>,
      %get3A_178 = vector.shape_cast %get3A_177 : vector<1x16xf32> to vector<16xf32>
      %get3A_179 = arith.index_cast %scan3A_25 : i32 to index
      %get3A_180 = arith.constant 400 : index
      %get3A_181 = tpu.vector_load %arg5[%get3A_179, %get3A_180] {strides = array<i32>} : memref<32x1088xf32, #tpu.memory_space<vmem>>, vector<1x16xf32>,
      %get3A_182 = vector.shape_cast %get3A_181 : vector<1x16xf32> to vector<16xf32>
      %get3A_183 = arith.index_cast %scan3A_25 : i32 to index
      %get3A_184 = arith.constant 464 : index
      %get3A_185 = tpu.vector_load %arg5[%get3A_183, %get3A_184] {strides = array<i32>} : memref<32x1088xf32, #tpu.memory_space<vmem>>, vector<1x16xf32>,
      %get3A_186 = vector.shape_cast %get3A_185 : vector<1x16xf32> to vector<16xf32>
      %get3A_187 = arith.index_cast %scan3A_25 : i32 to index
      %get3A_188 = arith.constant 528 : index
      %get3A_189 = tpu.vector_load %arg5[%get3A_187, %get3A_188] {strides = array<i32>} : memref<32x1088xf32, #tpu.memory_space<vmem>>, vector<1x16xf32>,
      %get3A_190 = vector.shape_cast %get3A_189 : vector<1x16xf32> to vector<16xf32>
      %get3A_191 = arith.index_cast %scan3A_25 : i32 to index
      %get3A_192 = arith.constant 592 : index
      %get3A_193 = tpu.vector_load %arg5[%get3A_191, %get3A_192] {strides = array<i32>} : memref<32x1088xf32, #tpu.memory_space<vmem>>, vector<1x16xf32>,
      %get3A_194 = vector.shape_cast %get3A_193 : vector<1x16xf32> to vector<16xf32>
      %get3A_195 = arith.index_cast %scan3A_25 : i32 to index
      %get3A_196 = arith.constant 656 : index
      %get3A_197 = tpu.vector_load %arg5[%get3A_195, %get3A_196] {strides = array<i32>} : memref<32x1088xf32, #tpu.memory_space<vmem>>, vector<1x16xf32>,
      %get3A_198 = vector.shape_cast %get3A_197 : vector<1x16xf32> to vector<16xf32>
      %get3A_199 = arith.index_cast %scan3A_25 : i32 to index
      %get3A_200 = arith.constant 720 : index
      %get3A_201 = tpu.vector_load %arg5[%get3A_199, %get3A_200] {strides = array<i32>} : memref<32x1088xf32, #tpu.memory_space<vmem>>, vector<1x16xf32>,
      %get3A_202 = vector.shape_cast %get3A_201 : vector<1x16xf32> to vector<16xf32>
      %get3A_203 = arith.index_cast %scan3A_25 : i32 to index
      %get3A_204 = arith.constant 784 : index
      %get3A_205 = tpu.vector_load %arg5[%get3A_203, %get3A_204] {strides = array<i32>} : memref<32x1088xf32, #tpu.memory_space<vmem>>, vector<1x16xf32>,
      %get3A_206 = vector.shape_cast %get3A_205 : vector<1x16xf32> to vector<16xf32>
      %max3A_207 = arith.maximumf %get3A_158, %get3A_162 : vector<16xf32>
      %min3A_208 = arith.minimumf %get3A_158, %get3A_162 : vector<16xf32>
      %min3A_209 = arith.minimumf %max3A_207, %get3A_166 : vector<16xf32>
      %max3A_210 = arith.maximumf %min3A_208, %min3A_209 : vector<16xf32>
      %max3A_211 = arith.maximumf %max3A_207, %get3A_166 : vector<16xf32>
      %min3A_212 = arith.minimumf %max3A_211, %get3A_170 : vector<16xf32>
      %max3A_213 = arith.maximumf %max3A_210, %min3A_212 : vector<16xf32>
      %max3A_214 = arith.maximumf %max3A_211, %get3A_170 : vector<16xf32>
      %min3A_215 = arith.minimumf %max3A_214, %get3A_174 : vector<16xf32>
      %max3A_216 = arith.maximumf %max3A_213, %min3A_215 : vector<16xf32>
      %max3A_217 = arith.maximumf %max3A_214, %get3A_174 : vector<16xf32>
      %min3A_218 = arith.minimumf %max3A_217, %get3A_178 : vector<16xf32>
      %max3A_219 = arith.maximumf %max3A_216, %min3A_218 : vector<16xf32>
      %max3A_220 = arith.maximumf %max3A_217, %get3A_178 : vector<16xf32>
      %min3A_221 = arith.minimumf %max3A_220, %get3A_182 : vector<16xf32>
      %max3A_222 = arith.maximumf %max3A_219, %min3A_221 : vector<16xf32>
      %max3A_223 = arith.maximumf %max3A_220, %get3A_182 : vector<16xf32>
      %min3A_224 = arith.minimumf %max3A_223, %get3A_186 : vector<16xf32>
      %max3A_225 = arith.maximumf %max3A_222, %min3A_224 : vector<16xf32>
      %max3A_226 = arith.maximumf %max3A_223, %get3A_186 : vector<16xf32>
      %min3A_227 = arith.minimumf %max3A_226, %get3A_190 : vector<16xf32>
      %max3A_228 = arith.maximumf %max3A_225, %min3A_227 : vector<16xf32>
      %max3A_229 = arith.maximumf %max3A_226, %get3A_190 : vector<16xf32>
      %min3A_230 = arith.minimumf %max3A_229, %get3A_194 : vector<16xf32>
      %max3A_231 = arith.maximumf %max3A_228, %min3A_230 : vector<16xf32>
      %max3A_232 = arith.maximumf %max3A_229, %get3A_194 : vector<16xf32>
      %min3A_233 = arith.minimumf %max3A_232, %get3A_198 : vector<16xf32>
      %max3A_234 = arith.maximumf %max3A_231, %min3A_233 : vector<16xf32>
      %max3A_235 = arith.maximumf %max3A_232, %get3A_198 : vector<16xf32>
      %min3A_236 = arith.minimumf %max3A_235, %get3A_202 : vector<16xf32>
      %max3A_237 = arith.maximumf %max3A_234, %min3A_236 : vector<16xf32>
      %max3A_238 = arith.maximumf %max3A_235, %get3A_202 : vector<16xf32>
      %min3A_239 = arith.minimumf %max3A_238, %get3A_206 : vector<16xf32>
      %max3A_240 = arith.maximumf %max3A_237, %min3A_239 : vector<16xf32>
      %max3A_241 = arith.maximumf %max3A_238, %get3A_206 : vector<16xf32>
      %get3A_242 = arith.index_cast %scan3A_25 : i32 to index
      %get3A_243 = arith.constant 16 : index
      %get3A_244 = tpu.vector_load %arg6[%get3A_242, %get3A_243] {strides = array<i32>} : memref<32x320xf32, #tpu.memory_space<vmem>>, vector<1x16xf32>,
      %get3A_245 = vector.shape_cast %get3A_244 : vector<1x16xf32> to vector<16xf32>
      %eq3A_246 = arith.cmpf oeq, %get3A_170, %max3A_241 : vector<16xf32>
      %select_n3A_247 = arith.select %eq3A_246, %max3A_240, %max3A_241 : vector<16xi1>, vector<16xf32>
      %add3A_248 = arith.addf %get3A_245, %select_n3A_247 : vector<16xf32>
      %max3A_249 = arith.constant 0.000000e+00 : f32
      %max3A_250 = vector.broadcast %max3A_249 : f32 to vector<16xf32>
      %max3A_251 = arith.maximumf %add3A_248, %max3A_250 : vector<16xf32>
      %get3A_252 = arith.index_cast %scan3A_25 : i32 to index
      %get3A_253 = arith.constant 80 : index
      %get3A_254 = tpu.vector_load %arg6[%get3A_252, %get3A_253] {strides = array<i32>} : memref<32x320xf32, #tpu.memory_space<vmem>>, vector<1x16xf32>,
      %get3A_255 = vector.shape_cast %get3A_254 : vector<1x16xf32> to vector<16xf32>
      %eq3A_256 = arith.cmpf oeq, %get3A_174, %max3A_241 : vector<16xf32>
      %select_n3A_257 = arith.select %eq3A_256, %max3A_240, %max3A_241 : vector<16xi1>, vector<16xf32>
      %add3A_258 = arith.addf %get3A_255, %select_n3A_257 : vector<16xf32>
      %max3A_259 = arith.constant 0.000000e+00 : f32
      %max3A_260 = vector.broadcast %max3A_259 : f32 to vector<16xf32>
      %max3A_261 = arith.maximumf %add3A_258, %max3A_260 : vector<16xf32>
      %add3A_262 = arith.addf %max3A_251, %max3A_261 : vector<16xf32>
      %get3A_263 = arith.index_cast %scan3A_25 : i32 to index
      %get3A_264 = arith.constant 144 : index
      %get3A_265 = tpu.vector_load %arg6[%get3A_263, %get3A_264] {strides = array<i32>} : memref<32x320xf32, #tpu.memory_space<vmem>>, vector<1x16xf32>,
      %get3A_266 = vector.shape_cast %get3A_265 : vector<1x16xf32> to vector<16xf32>
      %eq3A_267 = arith.cmpf oeq, %get3A_194, %max3A_241 : vector<16xf32>
      %select_n3A_268 = arith.select %eq3A_267, %max3A_240, %max3A_241 : vector<16xi1>, vector<16xf32>
      %add3A_269 = arith.addf %get3A_266, %select_n3A_268 : vector<16xf32>
      %max3A_270 = arith.constant 0.000000e+00 : f32
      %max3A_271 = vector.broadcast %max3A_270 : f32 to vector<16xf32>
      %max3A_272 = arith.maximumf %add3A_269, %max3A_271 : vector<16xf32>
      %add3A_273 = arith.addf %add3A_262, %max3A_272 : vector<16xf32>
      %get3A_274 = arith.index_cast %scan3A_25 : i32 to index
      %get3A_275 = arith.constant 208 : index
      %get3A_276 = tpu.vector_load %arg6[%get3A_274, %get3A_275] {strides = array<i32>} : memref<32x320xf32, #tpu.memory_space<vmem>>, vector<1x16xf32>,
      %get3A_277 = vector.shape_cast %get3A_276 : vector<1x16xf32> to vector<16xf32>
      %eq3A_278 = arith.cmpf oeq, %get3A_198, %max3A_241 : vector<16xf32>
      %select_n3A_279 = arith.select %eq3A_278, %max3A_240, %max3A_241 : vector<16xi1>, vector<16xf32>
      %add3A_280 = arith.addf %get3A_277, %select_n3A_279 : vector<16xf32>
      %max3A_281 = arith.constant 0.000000e+00 : f32
      %max3A_282 = vector.broadcast %max3A_281 : f32 to vector<16xf32>
      %max3A_283 = arith.maximumf %add3A_280, %max3A_282 : vector<16xf32>
      %add3A_284 = arith.addf %add3A_273, %max3A_283 : vector<16xf32>
      %swap3A_285 = arith.index_cast %scan3A_25 : i32 to index
      %swap3A_286 = arith.constant 80 : index
      %swap3A_287 = tpu.vector_load %arg7[%swap3A_285, %swap3A_286] {strides = array<i32>} : memref<32x192xf32, #tpu.memory_space<vmem>>, vector<1x16xf32>,
      %swap3A_288 = vector.shape_cast %swap3A_287 : vector<1x16xf32> to vector<16xf32>
      %swap3A_289 = vector.shape_cast %add3A_284 : vector<16xf32> to vector<1x16xf32>
      tpu.vector_store %arg7[%swap3A_285, %swap3A_286], %swap3A_289 {strides = array<i32>} : memref<32x192xf32, #tpu.memory_space<vmem>>, vector<1x16xf32>,
      %get3A_290 = arith.index_cast %scan3A_25 : i32 to index
      %get3A_291 = arith.constant 32 : index
      %get3A_292 = tpu.vector_load %arg5[%get3A_290, %get3A_291] {strides = array<i32>} : memref<32x1088xf32, #tpu.memory_space<vmem>>, vector<1x16xf32>,
      %get3A_293 = vector.shape_cast %get3A_292 : vector<1x16xf32> to vector<16xf32>
      %get3A_294 = arith.index_cast %scan3A_25 : i32 to index
      %get3A_295 = arith.constant 96 : index
      %get3A_296 = tpu.vector_load %arg5[%get3A_294, %get3A_295] {strides = array<i32>} : memref<32x1088xf32, #tpu.memory_space<vmem>>, vector<1x16xf32>,
      %get3A_297 = vector.shape_cast %get3A_296 : vector<1x16xf32> to vector<16xf32>
      %get3A_298 = arith.index_cast %scan3A_25 : i32 to index
      %get3A_299 = arith.constant 160 : index
      %get3A_300 = tpu.vector_load %arg5[%get3A_298, %get3A_299] {strides = array<i32>} : memref<32x1088xf32, #tpu.memory_space<vmem>>, vector<1x16xf32>,
      %get3A_301 = vector.shape_cast %get3A_300 : vector<1x16xf32> to vector<16xf32>
      %get3A_302 = arith.index_cast %scan3A_25 : i32 to index
      %get3A_303 = arith.constant 224 : index
      %get3A_304 = tpu.vector_load %arg5[%get3A_302, %get3A_303] {strides = array<i32>} : memref<32x1088xf32, #tpu.memory_space<vmem>>, vector<1x16xf32>,
      %get3A_305 = vector.shape_cast %get3A_304 : vector<1x16xf32> to vector<16xf32>
      %get3A_306 = arith.index_cast %scan3A_25 : i32 to index
      %get3A_307 = arith.constant 288 : index
      %get3A_308 = tpu.vector_load %arg5[%get3A_306, %get3A_307] {strides = array<i32>} : memref<32x1088xf32, #tpu.memory_space<vmem>>, vector<1x16xf32>,
      %get3A_309 = vector.shape_cast %get3A_308 : vector<1x16xf32> to vector<16xf32>
      %get3A_310 = arith.index_cast %scan3A_25 : i32 to index
      %get3A_311 = arith.constant 352 : index
      %get3A_312 = tpu.vector_load %arg5[%get3A_310, %get3A_311] {strides = array<i32>} : memref<32x1088xf32, #tpu.memory_space<vmem>>, vector<1x16xf32>,
      %get3A_313 = vector.shape_cast %get3A_312 : vector<1x16xf32> to vector<16xf32>
      %get3A_314 = arith.index_cast %scan3A_25 : i32 to index
      %get3A_315 = arith.constant 416 : index
      %get3A_316 = tpu.vector_load %arg5[%get3A_314, %get3A_315] {strides = array<i32>} : memref<32x1088xf32, #tpu.memory_space<vmem>>, vector<1x16xf32>,
      %get3A_317 = vector.shape_cast %get3A_316 : vector<1x16xf32> to vector<16xf32>
      %get3A_318 = arith.index_cast %scan3A_25 : i32 to index
      %get3A_319 = arith.constant 480 : index
      %get3A_320 = tpu.vector_load %arg5[%get3A_318, %get3A_319] {strides = array<i32>} : memref<32x1088xf32, #tpu.memory_space<vmem>>, vector<1x16xf32>,
      %get3A_321 = vector.shape_cast %get3A_320 : vector<1x16xf32> to vector<16xf32>
      %get3A_322 = arith.index_cast %scan3A_25 : i32 to index
      %get3A_323 = arith.constant 544 : index
      %get3A_324 = tpu.vector_load %arg5[%get3A_322, %get3A_323] {strides = array<i32>} : memref<32x1088xf32, #tpu.memory_space<vmem>>, vector<1x16xf32>,
      %get3A_325 = vector.shape_cast %get3A_324 : vector<1x16xf32> to vector<16xf32>
      %get3A_326 = arith.index_cast %scan3A_25 : i32 to index
      %get3A_327 = arith.constant 608 : index
      %get3A_328 = tpu.vector_load %arg5[%get3A_326, %get3A_327] {strides = array<i32>} : memref<32x1088xf32, #tpu.memory_space<vmem>>, vector<1x16xf32>,
      %get3A_329 = vector.shape_cast %get3A_328 : vector<1x16xf32> to vector<16xf32>
      %get3A_330 = arith.index_cast %scan3A_25 : i32 to index
      %get3A_331 = arith.constant 672 : index
      %get3A_332 = tpu.vector_load %arg5[%get3A_330, %get3A_331] {strides = array<i32>} : memref<32x1088xf32, #tpu.memory_space<vmem>>, vector<1x16xf32>,
      %get3A_333 = vector.shape_cast %get3A_332 : vector<1x16xf32> to vector<16xf32>
      %get3A_334 = arith.index_cast %scan3A_25 : i32 to index
      %get3A_335 = arith.constant 736 : index
      %get3A_336 = tpu.vector_load %arg5[%get3A_334, %get3A_335] {strides = array<i32>} : memref<32x1088xf32, #tpu.memory_space<vmem>>, vector<1x16xf32>,
      %get3A_337 = vector.shape_cast %get3A_336 : vector<1x16xf32> to vector<16xf32>
      %get3A_338 = arith.index_cast %scan3A_25 : i32 to index
      %get3A_339 = arith.constant 800 : index
      %get3A_340 = tpu.vector_load %arg5[%get3A_338, %get3A_339] {strides = array<i32>} : memref<32x1088xf32, #tpu.memory_space<vmem>>, vector<1x16xf32>,
      %get3A_341 = vector.shape_cast %get3A_340 : vector<1x16xf32> to vector<16xf32>
      %max3A_342 = arith.maximumf %get3A_293, %get3A_297 : vector<16xf32>
      %min3A_343 = arith.minimumf %get3A_293, %get3A_297 : vector<16xf32>
      %min3A_344 = arith.minimumf %max3A_342, %get3A_301 : vector<16xf32>
      %max3A_345 = arith.maximumf %min3A_343, %min3A_344 : vector<16xf32>
      %max3A_346 = arith.maximumf %max3A_342, %get3A_301 : vector<16xf32>
      %min3A_347 = arith.minimumf %max3A_346, %get3A_305 : vector<16xf32>
      %max3A_348 = arith.maximumf %max3A_345, %min3A_347 : vector<16xf32>
      %max3A_349 = arith.maximumf %max3A_346, %get3A_305 : vector<16xf32>
      %min3A_350 = arith.minimumf %max3A_349, %get3A_309 : vector<16xf32>
      %max3A_351 = arith.maximumf %max3A_348, %min3A_350 : vector<16xf32>
      %max3A_352 = arith.maximumf %max3A_349, %get3A_309 : vector<16xf32>
      %min3A_353 = arith.minimumf %max3A_352, %get3A_313 : vector<16xf32>
      %max3A_354 = arith.maximumf %max3A_351, %min3A_353 : vector<16xf32>
      %max3A_355 = arith.maximumf %max3A_352, %get3A_313 : vector<16xf32>
      %min3A_356 = arith.minimumf %max3A_355, %get3A_317 : vector<16xf32>
      %max3A_357 = arith.maximumf %max3A_354, %min3A_356 : vector<16xf32>
      %max3A_358 = arith.maximumf %max3A_355, %get3A_317 : vector<16xf32>
      %min3A_359 = arith.minimumf %max3A_358, %get3A_321 : vector<16xf32>
      %max3A_360 = arith.maximumf %max3A_357, %min3A_359 : vector<16xf32>
      %max3A_361 = arith.maximumf %max3A_358, %get3A_321 : vector<16xf32>
      %min3A_362 = arith.minimumf %max3A_361, %get3A_325 : vector<16xf32>
      %max3A_363 = arith.maximumf %max3A_360, %min3A_362 : vector<16xf32>
      %max3A_364 = arith.maximumf %max3A_361, %get3A_325 : vector<16xf32>
      %min3A_365 = arith.minimumf %max3A_364, %get3A_329 : vector<16xf32>
      %max3A_366 = arith.maximumf %max3A_363, %min3A_365 : vector<16xf32>
      %max3A_367 = arith.maximumf %max3A_364, %get3A_329 : vector<16xf32>
      %min3A_368 = arith.minimumf %max3A_367, %get3A_333 : vector<16xf32>
      %max3A_369 = arith.maximumf %max3A_366, %min3A_368 : vector<16xf32>
      %max3A_370 = arith.maximumf %max3A_367, %get3A_333 : vector<16xf32>
      %min3A_371 = arith.minimumf %max3A_370, %get3A_337 : vector<16xf32>
      %max3A_372 = arith.maximumf %max3A_369, %min3A_371 : vector<16xf32>
      %max3A_373 = arith.maximumf %max3A_370, %get3A_337 : vector<16xf32>
      %min3A_374 = arith.minimumf %max3A_373, %get3A_341 : vector<16xf32>
      %max3A_375 = arith.maximumf %max3A_372, %min3A_374 : vector<16xf32>
      %max3A_376 = arith.maximumf %max3A_373, %get3A_341 : vector<16xf32>
      %get3A_377 = arith.index_cast %scan3A_25 : i32 to index
      %get3A_378 = arith.constant 32 : index
      %get3A_379 = tpu.vector_load %arg6[%get3A_377, %get3A_378] {strides = array<i32>} : memref<32x320xf32, #tpu.memory_space<vmem>>, vector<1x16xf32>,
      %get3A_380 = vector.shape_cast %get3A_379 : vector<1x16xf32> to vector<16xf32>
      %eq3A_381 = arith.cmpf oeq, %get3A_305, %max3A_376 : vector<16xf32>
      %select_n3A_382 = arith.select %eq3A_381, %max3A_375, %max3A_376 : vector<16xi1>, vector<16xf32>
      %add3A_383 = arith.addf %get3A_380, %select_n3A_382 : vector<16xf32>
      %max3A_384 = arith.constant 0.000000e+00 : f32
      %max3A_385 = vector.broadcast %max3A_384 : f32 to vector<16xf32>
      %max3A_386 = arith.maximumf %add3A_383, %max3A_385 : vector<16xf32>
      %get3A_387 = arith.index_cast %scan3A_25 : i32 to index
      %get3A_388 = arith.constant 96 : index
      %get3A_389 = tpu.vector_load %arg6[%get3A_387, %get3A_388] {strides = array<i32>} : memref<32x320xf32, #tpu.memory_space<vmem>>, vector<1x16xf32>,
      %get3A_390 = vector.shape_cast %get3A_389 : vector<1x16xf32> to vector<16xf32>
      %eq3A_391 = arith.cmpf oeq, %get3A_309, %max3A_376 : vector<16xf32>
      %select_n3A_392 = arith.select %eq3A_391, %max3A_375, %max3A_376 : vector<16xi1>, vector<16xf32>
      %add3A_393 = arith.addf %get3A_390, %select_n3A_392 : vector<16xf32>
      %max3A_394 = arith.constant 0.000000e+00 : f32
      %max3A_395 = vector.broadcast %max3A_394 : f32 to vector<16xf32>
      %max3A_396 = arith.maximumf %add3A_393, %max3A_395 : vector<16xf32>
      %add3A_397 = arith.addf %max3A_386, %max3A_396 : vector<16xf32>
      %get3A_398 = arith.index_cast %scan3A_25 : i32 to index
      %get3A_399 = arith.constant 160 : index
      %get3A_400 = tpu.vector_load %arg6[%get3A_398, %get3A_399] {strides = array<i32>} : memref<32x320xf32, #tpu.memory_space<vmem>>, vector<1x16xf32>,
      %get3A_401 = vector.shape_cast %get3A_400 : vector<1x16xf32> to vector<16xf32>
      %eq3A_402 = arith.cmpf oeq, %get3A_329, %max3A_376 : vector<16xf32>
      %select_n3A_403 = arith.select %eq3A_402, %max3A_375, %max3A_376 : vector<16xi1>, vector<16xf32>
      %add3A_404 = arith.addf %get3A_401, %select_n3A_403 : vector<16xf32>
      %max3A_405 = arith.constant 0.000000e+00 : f32
      %max3A_406 = vector.broadcast %max3A_405 : f32 to vector<16xf32>
      %max3A_407 = arith.maximumf %add3A_404, %max3A_406 : vector<16xf32>
      %add3A_408 = arith.addf %add3A_397, %max3A_407 : vector<16xf32>
      %get3A_409 = arith.index_cast %scan3A_25 : i32 to index
      %get3A_410 = arith.constant 224 : index
      %get3A_411 = tpu.vector_load %arg6[%get3A_409, %get3A_410] {strides = array<i32>} : memref<32x320xf32, #tpu.memory_space<vmem>>, vector<1x16xf32>,
      %get3A_412 = vector.shape_cast %get3A_411 : vector<1x16xf32> to vector<16xf32>
      %eq3A_413 = arith.cmpf oeq, %get3A_333, %max3A_376 : vector<16xf32>
      %select_n3A_414 = arith.select %eq3A_413, %max3A_375, %max3A_376 : vector<16xi1>, vector<16xf32>
      %add3A_415 = arith.addf %get3A_412, %select_n3A_414 : vector<16xf32>
      %max3A_416 = arith.constant 0.000000e+00 : f32
      %max3A_417 = vector.broadcast %max3A_416 : f32 to vector<16xf32>
      %max3A_418 = arith.maximumf %add3A_415, %max3A_417 : vector<16xf32>
      %add3A_419 = arith.addf %add3A_408, %max3A_418 : vector<16xf32>
      %swap3A_420 = arith.index_cast %scan3A_25 : i32 to index
      %swap3A_421 = arith.constant 96 : index
      %swap3A_422 = tpu.vector_load %arg7[%swap3A_420, %swap3A_421] {strides = array<i32>} : memref<32x192xf32, #tpu.memory_space<vmem>>, vector<1x16xf32>,
      %swap3A_423 = vector.shape_cast %swap3A_422 : vector<1x16xf32> to vector<16xf32>
      %swap3A_424 = vector.shape_cast %add3A_419 : vector<16xf32> to vector<1x16xf32>
      tpu.vector_store %arg7[%swap3A_420, %swap3A_421], %swap3A_424 {strides = array<i32>} : memref<32x192xf32, #tpu.memory_space<vmem>>, vector<1x16xf32>,
      %get3A_425 = arith.index_cast %scan3A_25 : i32 to index
      %get3A_426 = arith.constant 48 : index
      %get3A_427 = tpu.vector_load %arg5[%get3A_425, %get3A_426] {strides = array<i32>} : memref<32x1088xf32, #tpu.memory_space<vmem>>, vector<1x16xf32>,
      %get3A_428 = vector.shape_cast %get3A_427 : vector<1x16xf32> to vector<16xf32>
      %get3A_429 = arith.index_cast %scan3A_25 : i32 to index
      %get3A_430 = arith.constant 112 : index
      %get3A_431 = tpu.vector_load %arg5[%get3A_429, %get3A_430] {strides = array<i32>} : memref<32x1088xf32, #tpu.memory_space<vmem>>, vector<1x16xf32>,
      %get3A_432 = vector.shape_cast %get3A_431 : vector<1x16xf32> to vector<16xf32>
      %get3A_433 = arith.index_cast %scan3A_25 : i32 to index
      %get3A_434 = arith.constant 176 : index
      %get3A_435 = tpu.vector_load %arg5[%get3A_433, %get3A_434] {strides = array<i32>} : memref<32x1088xf32, #tpu.memory_space<vmem>>, vector<1x16xf32>,
      %get3A_436 = vector.shape_cast %get3A_435 : vector<1x16xf32> to vector<16xf32>
      %get3A_437 = arith.index_cast %scan3A_25 : i32 to index
      %get3A_438 = arith.constant 240 : index
      %get3A_439 = tpu.vector_load %arg5[%get3A_437, %get3A_438] {strides = array<i32>} : memref<32x1088xf32, #tpu.memory_space<vmem>>, vector<1x16xf32>,
      %get3A_440 = vector.shape_cast %get3A_439 : vector<1x16xf32> to vector<16xf32>
      %get3A_441 = arith.index_cast %scan3A_25 : i32 to index
      %get3A_442 = arith.constant 304 : index
      %get3A_443 = tpu.vector_load %arg5[%get3A_441, %get3A_442] {strides = array<i32>} : memref<32x1088xf32, #tpu.memory_space<vmem>>, vector<1x16xf32>,
      %get3A_444 = vector.shape_cast %get3A_443 : vector<1x16xf32> to vector<16xf32>
      %get3A_445 = arith.index_cast %scan3A_25 : i32 to index
      %get3A_446 = arith.constant 368 : index
      %get3A_447 = tpu.vector_load %arg5[%get3A_445, %get3A_446] {strides = array<i32>} : memref<32x1088xf32, #tpu.memory_space<vmem>>, vector<1x16xf32>,
      %get3A_448 = vector.shape_cast %get3A_447 : vector<1x16xf32> to vector<16xf32>
      %get3A_449 = arith.index_cast %scan3A_25 : i32 to index
      %get3A_450 = arith.constant 432 : index
      %get3A_451 = tpu.vector_load %arg5[%get3A_449, %get3A_450] {strides = array<i32>} : memref<32x1088xf32, #tpu.memory_space<vmem>>, vector<1x16xf32>,
      %get3A_452 = vector.shape_cast %get3A_451 : vector<1x16xf32> to vector<16xf32>
      %get3A_453 = arith.index_cast %scan3A_25 : i32 to index
      %get3A_454 = arith.constant 496 : index
      %get3A_455 = tpu.vector_load %arg5[%get3A_453, %get3A_454] {strides = array<i32>} : memref<32x1088xf32, #tpu.memory_space<vmem>>, vector<1x16xf32>,
      %get3A_456 = vector.shape_cast %get3A_455 : vector<1x16xf32> to vector<16xf32>
      %get3A_457 = arith.index_cast %scan3A_25 : i32 to index
      %get3A_458 = arith.constant 560 : index
      %get3A_459 = tpu.vector_load %arg5[%get3A_457, %get3A_458] {strides = array<i32>} : memref<32x1088xf32, #tpu.memory_space<vmem>>, vector<1x16xf32>,
      %get3A_460 = vector.shape_cast %get3A_459 : vector<1x16xf32> to vector<16xf32>
      %get3A_461 = arith.index_cast %scan3A_25 : i32 to index
      %get3A_462 = arith.constant 624 : index
      %get3A_463 = tpu.vector_load %arg5[%get3A_461, %get3A_462] {strides = array<i32>} : memref<32x1088xf32, #tpu.memory_space<vmem>>, vector<1x16xf32>,
      %get3A_464 = vector.shape_cast %get3A_463 : vector<1x16xf32> to vector<16xf32>
      %get3A_465 = arith.index_cast %scan3A_25 : i32 to index
      %get3A_466 = arith.constant 688 : index
      %get3A_467 = tpu.vector_load %arg5[%get3A_465, %get3A_466] {strides = array<i32>} : memref<32x1088xf32, #tpu.memory_space<vmem>>, vector<1x16xf32>,
      %get3A_468 = vector.shape_cast %get3A_467 : vector<1x16xf32> to vector<16xf32>
      %get3A_469 = arith.index_cast %scan3A_25 : i32 to index
      %get3A_470 = arith.constant 752 : index
      %get3A_471 = tpu.vector_load %arg5[%get3A_469, %get3A_470] {strides = array<i32>} : memref<32x1088xf32, #tpu.memory_space<vmem>>, vector<1x16xf32>,
      %get3A_472 = vector.shape_cast %get3A_471 : vector<1x16xf32> to vector<16xf32>
      %get3A_473 = arith.index_cast %scan3A_25 : i32 to index
      %get3A_474 = arith.constant 816 : index
      %get3A_475 = tpu.vector_load %arg5[%get3A_473, %get3A_474] {strides = array<i32>} : memref<32x1088xf32, #tpu.memory_space<vmem>>, vector<1x16xf32>,
      %get3A_476 = vector.shape_cast %get3A_475 : vector<1x16xf32> to vector<16xf32>
      %max3A_477 = arith.maximumf %get3A_428, %get3A_432 : vector<16xf32>
      %min3A_478 = arith.minimumf %get3A_428, %get3A_432 : vector<16xf32>
      %min3A_479 = arith.minimumf %max3A_477, %get3A_436 : vector<16xf32>
      %max3A_480 = arith.maximumf %min3A_478, %min3A_479 : vector<16xf32>
      %max3A_481 = arith.maximumf %max3A_477, %get3A_436 : vector<16xf32>
      %min3A_482 = arith.minimumf %max3A_481, %get3A_440 : vector<16xf32>
      %max3A_483 = arith.maximumf %max3A_480, %min3A_482 : vector<16xf32>
      %max3A_484 = arith.maximumf %max3A_481, %get3A_440 : vector<16xf32>
      %min3A_485 = arith.minimumf %max3A_484, %get3A_444 : vector<16xf32>
      %max3A_486 = arith.maximumf %max3A_483, %min3A_485 : vector<16xf32>
      %max3A_487 = arith.maximumf %max3A_484, %get3A_444 : vector<16xf32>
      %min3A_488 = arith.minimumf %max3A_487, %get3A_448 : vector<16xf32>
      %max3A_489 = arith.maximumf %max3A_486, %min3A_488 : vector<16xf32>
      %max3A_490 = arith.maximumf %max3A_487, %get3A_448 : vector<16xf32>
      %min3A_491 = arith.minimumf %max3A_490, %get3A_452 : vector<16xf32>
      %max3A_492 = arith.maximumf %max3A_489, %min3A_491 : vector<16xf32>
      %max3A_493 = arith.maximumf %max3A_490, %get3A_452 : vector<16xf32>
      %min3A_494 = arith.minimumf %max3A_493, %get3A_456 : vector<16xf32>
      %max3A_495 = arith.maximumf %max3A_492, %min3A_494 : vector<16xf32>
      %max3A_496 = arith.maximumf %max3A_493, %get3A_456 : vector<16xf32>
      %min3A_497 = arith.minimumf %max3A_496, %get3A_460 : vector<16xf32>
      %max3A_498 = arith.maximumf %max3A_495, %min3A_497 : vector<16xf32>
      %max3A_499 = arith.maximumf %max3A_496, %get3A_460 : vector<16xf32>
      %min3A_500 = arith.minimumf %max3A_499, %get3A_464 : vector<16xf32>
      %max3A_501 = arith.maximumf %max3A_498, %min3A_500 : vector<16xf32>
      %max3A_502 = arith.maximumf %max3A_499, %get3A_464 : vector<16xf32>
      %min3A_503 = arith.minimumf %max3A_502, %get3A_468 : vector<16xf32>
      %max3A_504 = arith.maximumf %max3A_501, %min3A_503 : vector<16xf32>
      %max3A_505 = arith.maximumf %max3A_502, %get3A_468 : vector<16xf32>
      %min3A_506 = arith.minimumf %max3A_505, %get3A_472 : vector<16xf32>
      %max3A_507 = arith.maximumf %max3A_504, %min3A_506 : vector<16xf32>
      %max3A_508 = arith.maximumf %max3A_505, %get3A_472 : vector<16xf32>
      %min3A_509 = arith.minimumf %max3A_508, %get3A_476 : vector<16xf32>
      %max3A_510 = arith.maximumf %max3A_507, %min3A_509 : vector<16xf32>
      %max3A_511 = arith.maximumf %max3A_508, %get3A_476 : vector<16xf32>
      %get3A_512 = arith.index_cast %scan3A_25 : i32 to index
      %get3A_513 = arith.constant 48 : index
      %get3A_514 = tpu.vector_load %arg6[%get3A_512, %get3A_513] {strides = array<i32>} : memref<32x320xf32, #tpu.memory_space<vmem>>, vector<1x16xf32>,
      %get3A_515 = vector.shape_cast %get3A_514 : vector<1x16xf32> to vector<16xf32>
      %eq3A_516 = arith.cmpf oeq, %get3A_440, %max3A_511 : vector<16xf32>
      %select_n3A_517 = arith.select %eq3A_516, %max3A_510, %max3A_511 : vector<16xi1>, vector<16xf32>
      %add3A_518 = arith.addf %get3A_515, %select_n3A_517 : vector<16xf32>
      %max3A_519 = arith.constant 0.000000e+00 : f32
      %max3A_520 = vector.broadcast %max3A_519 : f32 to vector<16xf32>
      %max3A_521 = arith.maximumf %add3A_518, %max3A_520 : vector<16xf32>
      %get3A_522 = arith.index_cast %scan3A_25 : i32 to index
      %get3A_523 = arith.constant 112 : index
      %get3A_524 = tpu.vector_load %arg6[%get3A_522, %get3A_523] {strides = array<i32>} : memref<32x320xf32, #tpu.memory_space<vmem>>, vector<1x16xf32>,
      %get3A_525 = vector.shape_cast %get3A_524 : vector<1x16xf32> to vector<16xf32>
      %eq3A_526 = arith.cmpf oeq, %get3A_444, %max3A_511 : vector<16xf32>
      %select_n3A_527 = arith.select %eq3A_526, %max3A_510, %max3A_511 : vector<16xi1>, vector<16xf32>
      %add3A_528 = arith.addf %get3A_525, %select_n3A_527 : vector<16xf32>
      %max3A_529 = arith.constant 0.000000e+00 : f32
      %max3A_530 = vector.broadcast %max3A_529 : f32 to vector<16xf32>
      %max3A_531 = arith.maximumf %add3A_528, %max3A_530 : vector<16xf32>
      %add3A_532 = arith.addf %max3A_521, %max3A_531 : vector<16xf32>
      %get3A_533 = arith.index_cast %scan3A_25 : i32 to index
      %get3A_534 = arith.constant 176 : index
      %get3A_535 = tpu.vector_load %arg6[%get3A_533, %get3A_534] {strides = array<i32>} : memref<32x320xf32, #tpu.memory_space<vmem>>, vector<1x16xf32>,
      %get3A_536 = vector.shape_cast %get3A_535 : vector<1x16xf32> to vector<16xf32>
      %eq3A_537 = arith.cmpf oeq, %get3A_464, %max3A_511 : vector<16xf32>
      %select_n3A_538 = arith.select %eq3A_537, %max3A_510, %max3A_511 : vector<16xi1>, vector<16xf32>
      %add3A_539 = arith.addf %get3A_536, %select_n3A_538 : vector<16xf32>
      %max3A_540 = arith.constant 0.000000e+00 : f32
      %max3A_541 = vector.broadcast %max3A_540 : f32 to vector<16xf32>
      %max3A_542 = arith.maximumf %add3A_539, %max3A_541 : vector<16xf32>
      %add3A_543 = arith.addf %add3A_532, %max3A_542 : vector<16xf32>
      %get3A_544 = arith.index_cast %scan3A_25 : i32 to index
      %get3A_545 = arith.constant 240 : index
      %get3A_546 = tpu.vector_load %arg6[%get3A_544, %get3A_545] {strides = array<i32>} : memref<32x320xf32, #tpu.memory_space<vmem>>, vector<1x16xf32>,
      %get3A_547 = vector.shape_cast %get3A_546 : vector<1x16xf32> to vector<16xf32>
      %eq3A_548 = arith.cmpf oeq, %get3A_468, %max3A_511 : vector<16xf32>
      %select_n3A_549 = arith.select %eq3A_548, %max3A_510, %max3A_511 : vector<16xi1>, vector<16xf32>
      %add3A_550 = arith.addf %get3A_547, %select_n3A_549 : vector<16xf32>
      %max3A_551 = arith.constant 0.000000e+00 : f32
      %max3A_552 = vector.broadcast %max3A_551 : f32 to vector<16xf32>
      %max3A_553 = arith.maximumf %add3A_550, %max3A_552 : vector<16xf32>
      %add3A_554 = arith.addf %add3A_543, %max3A_553 : vector<16xf32>
      %swap3A_555 = arith.index_cast %scan3A_25 : i32 to index
      %swap3A_556 = arith.constant 112 : index
      %swap3A_557 = tpu.vector_load %arg7[%swap3A_555, %swap3A_556] {strides = array<i32>} : memref<32x192xf32, #tpu.memory_space<vmem>>, vector<1x16xf32>,
      %swap3A_558 = vector.shape_cast %swap3A_557 : vector<1x16xf32> to vector<16xf32>
      %swap3A_559 = vector.shape_cast %add3A_554 : vector<16xf32> to vector<1x16xf32>
      tpu.vector_store %arg7[%swap3A_555, %swap3A_556], %swap3A_559 {strides = array<i32>} : memref<32x192xf32, #tpu.memory_space<vmem>>, vector<1x16xf32>,
    }
    %scan3A_16 = arith.constant 32 : i32
    %run_scoped3A_17 = arith.constant 2 : i32
    "tpu.region"() ({
      %run_scoped3A_25 = tpu.sem_alloc : memref<!tpu.dma_semaphore, #tpu.memory_space<semaphore_mem>>
      %dma_start3A = arith.constant 0 : i32
      %dma_start3A_26 = tpu.memref_slice %arg2[%run_scoped3A_17, %mul3A_2, %dma_start3A] : memref<3x1024x1088xf32, #tpu.memory_space<hbm>> -> memref<1x32x1088xf32, #tpu.memory_space<hbm>>
      %dma_start3A_27 = tpu.memref_squeeze %dma_start3A_26 : memref<1x32x1088xf32, #tpu.memory_space<hbm>> -> memref<32x1088xf32, #tpu.memory_space<hbm>>
      %dma_start3A_28 = arith.constant 0 : i32
      %dma_start3A_29 = tpu.memref_slice %arg2[%run_scoped3A_17, %mul3A_2, %dma_start3A_28] : memref<3x1024x1088xf32, #tpu.memory_space<hbm>> -> memref<1x32x1088xf32, #tpu.memory_space<hbm>>
      %dma_start3A_30 = tpu.memref_squeeze %dma_start3A_29 : memref<1x32x1088xf32, #tpu.memory_space<hbm>> -> memref<32x1088xf32, #tpu.memory_space<hbm>>
      tpu.enqueue_dma source(%dma_start3A_30 : memref<32x1088xf32, #tpu.memory_space<hbm>>) target(%arg5 : memref<32x1088xf32, #tpu.memory_space<vmem>>) target_semaphore(%run_scoped3A_25 : memref<!tpu.dma_semaphore, #tpu.memory_space<semaphore_mem>>)
      %dma_wait3A = arith.constant 0 : i32
      %dma_wait3A_31 = tpu.memref_slice %arg2[%run_scoped3A_17, %mul3A_2, %dma_wait3A] : memref<3x1024x1088xf32, #tpu.memory_space<hbm>> -> memref<1x32x1088xf32, #tpu.memory_space<hbm>>
      %dma_wait3A_32 = tpu.memref_squeeze %dma_wait3A_31 : memref<1x32x1088xf32, #tpu.memory_space<hbm>> -> memref<32x1088xf32, #tpu.memory_space<hbm>>
      %dma_wait3A_33 = arith.constant 0 : i32
      %dma_wait3A_34 = tpu.memref_slice %arg2[%run_scoped3A_17, %mul3A_2, %dma_wait3A_33] : memref<3x1024x1088xf32, #tpu.memory_space<hbm>> -> memref<1x32x1088xf32, #tpu.memory_space<hbm>>
      %dma_wait3A_35 = tpu.memref_squeeze %dma_wait3A_34 : memref<1x32x1088xf32, #tpu.memory_space<hbm>> -> memref<32x1088xf32, #tpu.memory_space<hbm>>
      tpu.wait_dma2 semaphore(%run_scoped3A_25 : memref<!tpu.dma_semaphore, #tpu.memory_space<semaphore_mem>>) src(%dma_wait3A_35 : memref<32x1088xf32, #tpu.memory_space<hbm>>) dst(%arg5 : memref<32x1088xf32, #tpu.memory_space<vmem>>)
      tpu.yield
    }) : () -> ()
    %run_scoped3A_18 = arith.constant 2 : i32
    "tpu.region"() ({
      %run_scoped3A_25 = tpu.sem_alloc : memref<!tpu.dma_semaphore, #tpu.memory_space<semaphore_mem>>
      %dma_start3A = arith.constant 0 : i32
      %dma_start3A_26 = tpu.memref_slice %arg3[%run_scoped3A_18, %mul3A_2, %dma_start3A] : memref<3x1024x320xf32, #tpu.memory_space<hbm>> -> memref<1x32x320xf32, #tpu.memory_space<hbm>>
      %dma_start3A_27 = tpu.memref_squeeze %dma_start3A_26 : memref<1x32x320xf32, #tpu.memory_space<hbm>> -> memref<32x320xf32, #tpu.memory_space<hbm>>
      %dma_start3A_28 = arith.constant 0 : i32
      %dma_start3A_29 = tpu.memref_slice %arg3[%run_scoped3A_18, %mul3A_2, %dma_start3A_28] : memref<3x1024x320xf32, #tpu.memory_space<hbm>> -> memref<1x32x320xf32, #tpu.memory_space<hbm>>
      %dma_start3A_30 = tpu.memref_squeeze %dma_start3A_29 : memref<1x32x320xf32, #tpu.memory_space<hbm>> -> memref<32x320xf32, #tpu.memory_space<hbm>>
      tpu.enqueue_dma source(%dma_start3A_30 : memref<32x320xf32, #tpu.memory_space<hbm>>) target(%arg6 : memref<32x320xf32, #tpu.memory_space<vmem>>) target_semaphore(%run_scoped3A_25 : memref<!tpu.dma_semaphore, #tpu.memory_space<semaphore_mem>>)
      %dma_wait3A = arith.constant 0 : i32
      %dma_wait3A_31 = tpu.memref_slice %arg3[%run_scoped3A_18, %mul3A_2, %dma_wait3A] : memref<3x1024x320xf32, #tpu.memory_space<hbm>> -> memref<1x32x320xf32, #tpu.memory_space<hbm>>
      %dma_wait3A_32 = tpu.memref_squeeze %dma_wait3A_31 : memref<1x32x320xf32, #tpu.memory_space<hbm>> -> memref<32x320xf32, #tpu.memory_space<hbm>>
      %dma_wait3A_33 = arith.constant 0 : i32
      %dma_wait3A_34 = tpu.memref_slice %arg3[%run_scoped3A_18, %mul3A_2, %dma_wait3A_33] : memref<3x1024x320xf32, #tpu.memory_space<hbm>> -> memref<1x32x320xf32, #tpu.memory_space<hbm>>
      %dma_wait3A_35 = tpu.memref_squeeze %dma_wait3A_34 : memref<1x32x320xf32, #tpu.memory_space<hbm>> -> memref<32x320xf32, #tpu.memory_space<hbm>>
      tpu.wait_dma2 semaphore(%run_scoped3A_25 : memref<!tpu.dma_semaphore, #tpu.memory_space<semaphore_mem>>) src(%dma_wait3A_35 : memref<32x320xf32, #tpu.memory_space<hbm>>) dst(%arg6 : memref<32x320xf32, #tpu.memory_space<vmem>>)
      tpu.yield
    }) : () -> ()
    %scan3A_19 = arith.constant 0 : i32
    %scan3A_20 = arith.constant 0 : i32
    %scan3A_21 = arith.constant 32 : i32
    %scan3A_22 = arith.addi %scan3A_20, %scan3A_21 : i32
    %scan3A_23 = arith.constant 1 : i32
    scf.for %scan3A_25 = %scan3A_20 to %scan3A_22 step %scan3A_23  : i32 {
      %get3A = arith.index_cast %scan3A_25 : i32 to index
      %get3A_26 = arith.constant 0 : index
      %get3A_27 = tpu.vector_load %arg5[%get3A, %get3A_26] {strides = array<i32>} : memref<32x1088xf32, #tpu.memory_space<vmem>>, vector<1x16xf32>,
      %get3A_28 = vector.shape_cast %get3A_27 : vector<1x16xf32> to vector<16xf32>
      %get3A_29 = arith.index_cast %scan3A_25 : i32 to index
      %get3A_30 = arith.constant 64 : index
      %get3A_31 = tpu.vector_load %arg5[%get3A_29, %get3A_30] {strides = array<i32>} : memref<32x1088xf32, #tpu.memory_space<vmem>>, vector<1x16xf32>,
      %get3A_32 = vector.shape_cast %get3A_31 : vector<1x16xf32> to vector<16xf32>
      %get3A_33 = arith.index_cast %scan3A_25 : i32 to index
      %get3A_34 = arith.constant 128 : index
      %get3A_35 = tpu.vector_load %arg5[%get3A_33, %get3A_34] {strides = array<i32>} : memref<32x1088xf32, #tpu.memory_space<vmem>>, vector<1x16xf32>,
      %get3A_36 = vector.shape_cast %get3A_35 : vector<1x16xf32> to vector<16xf32>
      %get3A_37 = arith.index_cast %scan3A_25 : i32 to index
      %get3A_38 = arith.constant 192 : index
      %get3A_39 = tpu.vector_load %arg5[%get3A_37, %get3A_38] {strides = array<i32>} : memref<32x1088xf32, #tpu.memory_space<vmem>>, vector<1x16xf32>,
      %get3A_40 = vector.shape_cast %get3A_39 : vector<1x16xf32> to vector<16xf32>
      %get3A_41 = arith.index_cast %scan3A_25 : i32 to index
      %get3A_42 = arith.constant 256 : index
      %get3A_43 = tpu.vector_load %arg5[%get3A_41, %get3A_42] {strides = array<i32>} : memref<32x1088xf32, #tpu.memory_space<vmem>>, vector<1x16xf32>,
      %get3A_44 = vector.shape_cast %get3A_43 : vector<1x16xf32> to vector<16xf32>
      %get3A_45 = arith.index_cast %scan3A_25 : i32 to index
      %get3A_46 = arith.constant 320 : index
      %get3A_47 = tpu.vector_load %arg5[%get3A_45, %get3A_46] {strides = array<i32>} : memref<32x1088xf32, #tpu.memory_space<vmem>>, vector<1x16xf32>,
      %get3A_48 = vector.shape_cast %get3A_47 : vector<1x16xf32> to vector<16xf32>
      %get3A_49 = arith.index_cast %scan3A_25 : i32 to index
      %get3A_50 = arith.constant 384 : index
      %get3A_51 = tpu.vector_load %arg5[%get3A_49, %get3A_50] {strides = array<i32>} : memref<32x1088xf32, #tpu.memory_space<vmem>>, vector<1x16xf32>,
      %get3A_52 = vector.shape_cast %get3A_51 : vector<1x16xf32> to vector<16xf32>
      %get3A_53 = arith.index_cast %scan3A_25 : i32 to index
      %get3A_54 = arith.constant 448 : index
      %get3A_55 = tpu.vector_load %arg5[%get3A_53, %get3A_54] {strides = array<i32>} : memref<32x1088xf32, #tpu.memory_space<vmem>>, vector<1x16xf32>,
      %get3A_56 = vector.shape_cast %get3A_55 : vector<1x16xf32> to vector<16xf32>
      %max3A = arith.maximumf %get3A_28, %get3A_32 : vector<16xf32>
      %min3A = arith.minimumf %get3A_28, %get3A_32 : vector<16xf32>
      %min3A_57 = arith.minimumf %max3A, %get3A_36 : vector<16xf32>
      %max3A_58 = arith.maximumf %min3A, %min3A_57 : vector<16xf32>
      %max3A_59 = arith.maximumf %max3A, %get3A_36 : vector<16xf32>
      %min3A_60 = arith.minimumf %max3A_59, %get3A_40 : vector<16xf32>
      %max3A_61 = arith.maximumf %max3A_58, %min3A_60 : vector<16xf32>
      %max3A_62 = arith.maximumf %max3A_59, %get3A_40 : vector<16xf32>
      %min3A_63 = arith.minimumf %max3A_62, %get3A_44 : vector<16xf32>
      %max3A_64 = arith.maximumf %max3A_61, %min3A_63 : vector<16xf32>
      %max3A_65 = arith.maximumf %max3A_62, %get3A_44 : vector<16xf32>
      %min3A_66 = arith.minimumf %max3A_65, %get3A_48 : vector<16xf32>
      %max3A_67 = arith.maximumf %max3A_64, %min3A_66 : vector<16xf32>
      %max3A_68 = arith.maximumf %max3A_65, %get3A_48 : vector<16xf32>
      %min3A_69 = arith.minimumf %max3A_68, %get3A_52 : vector<16xf32>
      %max3A_70 = arith.maximumf %max3A_67, %min3A_69 : vector<16xf32>
      %max3A_71 = arith.maximumf %max3A_68, %get3A_52 : vector<16xf32>
      %min3A_72 = arith.minimumf %max3A_71, %get3A_56 : vector<16xf32>
      %max3A_73 = arith.maximumf %max3A_70, %min3A_72 : vector<16xf32>
      %max3A_74 = arith.maximumf %max3A_71, %get3A_56 : vector<16xf32>
      %get3A_75 = arith.index_cast %scan3A_25 : i32 to index
      %get3A_76 = arith.constant 0 : index
      %get3A_77 = tpu.vector_load %arg6[%get3A_75, %get3A_76] {strides = array<i32>} : memref<32x320xf32, #tpu.memory_space<vmem>>, vector<1x16xf32>,
      %get3A_78 = vector.shape_cast %get3A_77 : vector<1x16xf32> to vector<16xf32>
      %eq3A = arith.cmpf oeq, %get3A_36, %max3A_74 : vector<16xf32>
      %select_n3A = arith.select %eq3A, %max3A_73, %max3A_74 : vector<16xi1>, vector<16xf32>
      %add3A_79 = arith.addf %get3A_78, %select_n3A : vector<16xf32>
      %max3A_80 = arith.constant 0.000000e+00 : f32
      %max3A_81 = vector.broadcast %max3A_80 : f32 to vector<16xf32>
      %max3A_82 = arith.maximumf %add3A_79, %max3A_81 : vector<16xf32>
      %get3A_83 = arith.index_cast %scan3A_25 : i32 to index
      %get3A_84 = arith.constant 64 : index
      %get3A_85 = tpu.vector_load %arg6[%get3A_83, %get3A_84] {strides = array<i32>} : memref<32x320xf32, #tpu.memory_space<vmem>>, vector<1x16xf32>,
      %get3A_86 = vector.shape_cast %get3A_85 : vector<1x16xf32> to vector<16xf32>
      %eq3A_87 = arith.cmpf oeq, %get3A_40, %max3A_74 : vector<16xf32>
      %select_n3A_88 = arith.select %eq3A_87, %max3A_73, %max3A_74 : vector<16xi1>, vector<16xf32>
      %add3A_89 = arith.addf %get3A_86, %select_n3A_88 : vector<16xf32>
      %max3A_90 = arith.constant 0.000000e+00 : f32
      %max3A_91 = vector.broadcast %max3A_90 : f32 to vector<16xf32>
      %max3A_92 = arith.maximumf %add3A_89, %max3A_91 : vector<16xf32>
      %add3A_93 = arith.addf %max3A_82, %max3A_92 : vector<16xf32>
      %get3A_94 = arith.index_cast %scan3A_25 : i32 to index
      %get3A_95 = arith.constant 128 : index
      %get3A_96 = tpu.vector_load %arg6[%get3A_94, %get3A_95] {strides = array<i32>} : memref<32x320xf32, #tpu.memory_space<vmem>>, vector<1x16xf32>,
      %get3A_97 = vector.shape_cast %get3A_96 : vector<1x16xf32> to vector<16xf32>
      %eq3A_98 = arith.cmpf oeq, %get3A_52, %max3A_74 : vector<16xf32>
      %select_n3A_99 = arith.select %eq3A_98, %max3A_73, %max3A_74 : vector<16xi1>, vector<16xf32>
      %add3A_100 = arith.addf %get3A_97, %select_n3A_99 : vector<16xf32>
      %max3A_101 = arith.constant 0.000000e+00 : f32
      %max3A_102 = vector.broadcast %max3A_101 : f32 to vector<16xf32>
      %max3A_103 = arith.maximumf %add3A_100, %max3A_102 : vector<16xf32>
      %add3A_104 = arith.addf %add3A_93, %max3A_103 : vector<16xf32>
      %get3A_105 = arith.index_cast %scan3A_25 : i32 to index
      %get3A_106 = arith.constant 192 : index
      %get3A_107 = tpu.vector_load %arg6[%get3A_105, %get3A_106] {strides = array<i32>} : memref<32x320xf32, #tpu.memory_space<vmem>>, vector<1x16xf32>,
      %get3A_108 = vector.shape_cast %get3A_107 : vector<1x16xf32> to vector<16xf32>
      %eq3A_109 = arith.cmpf oeq, %get3A_56, %max3A_74 : vector<16xf32>
      %select_n3A_110 = arith.select %eq3A_109, %max3A_73, %max3A_74 : vector<16xi1>, vector<16xf32>
      %add3A_111 = arith.addf %get3A_108, %select_n3A_110 : vector<16xf32>
      %max3A_112 = arith.constant 0.000000e+00 : f32
      %max3A_113 = vector.broadcast %max3A_112 : f32 to vector<16xf32>
      %max3A_114 = arith.maximumf %add3A_111, %max3A_113 : vector<16xf32>
      %add3A_115 = arith.addf %add3A_104, %max3A_114 : vector<16xf32>
      %swap3A = arith.index_cast %scan3A_25 : i32 to index
      %swap3A_116 = arith.constant 128 : index
      %swap3A_117 = tpu.vector_load %arg7[%swap3A, %swap3A_116] {strides = array<i32>} : memref<32x192xf32, #tpu.memory_space<vmem>>, vector<1x16xf32>,
      %swap3A_118 = vector.shape_cast %swap3A_117 : vector<1x16xf32> to vector<16xf32>
      %swap3A_119 = vector.shape_cast %add3A_115 : vector<16xf32> to vector<1x16xf32>
      tpu.vector_store %arg7[%swap3A, %swap3A_116], %swap3A_119 {strides = array<i32>} : memref<32x192xf32, #tpu.memory_space<vmem>>, vector<1x16xf32>,
      %get3A_120 = arith.index_cast %scan3A_25 : i32 to index
      %get3A_121 = arith.constant 16 : index
      %get3A_122 = tpu.vector_load %arg5[%get3A_120, %get3A_121] {strides = array<i32>} : memref<32x1088xf32, #tpu.memory_space<vmem>>, vector<1x16xf32>,
      %get3A_123 = vector.shape_cast %get3A_122 : vector<1x16xf32> to vector<16xf32>
      %get3A_124 = arith.index_cast %scan3A_25 : i32 to index
      %get3A_125 = arith.constant 80 : index
      %get3A_126 = tpu.vector_load %arg5[%get3A_124, %get3A_125] {strides = array<i32>} : memref<32x1088xf32, #tpu.memory_space<vmem>>, vector<1x16xf32>,
      %get3A_127 = vector.shape_cast %get3A_126 : vector<1x16xf32> to vector<16xf32>
      %get3A_128 = arith.index_cast %scan3A_25 : i32 to index
      %get3A_129 = arith.constant 144 : index
      %get3A_130 = tpu.vector_load %arg5[%get3A_128, %get3A_129] {strides = array<i32>} : memref<32x1088xf32, #tpu.memory_space<vmem>>, vector<1x16xf32>,
      %get3A_131 = vector.shape_cast %get3A_130 : vector<1x16xf32> to vector<16xf32>
      %get3A_132 = arith.index_cast %scan3A_25 : i32 to index
      %get3A_133 = arith.constant 208 : index
      %get3A_134 = tpu.vector_load %arg5[%get3A_132, %get3A_133] {strides = array<i32>} : memref<32x1088xf32, #tpu.memory_space<vmem>>, vector<1x16xf32>,
      %get3A_135 = vector.shape_cast %get3A_134 : vector<1x16xf32> to vector<16xf32>
      %get3A_136 = arith.index_cast %scan3A_25 : i32 to index
      %get3A_137 = arith.constant 272 : index
      %get3A_138 = tpu.vector_load %arg5[%get3A_136, %get3A_137] {strides = array<i32>} : memref<32x1088xf32, #tpu.memory_space<vmem>>, vector<1x16xf32>,
      %get3A_139 = vector.shape_cast %get3A_138 : vector<1x16xf32> to vector<16xf32>
      %get3A_140 = arith.index_cast %scan3A_25 : i32 to index
      %get3A_141 = arith.constant 336 : index
      %get3A_142 = tpu.vector_load %arg5[%get3A_140, %get3A_141] {strides = array<i32>} : memref<32x1088xf32, #tpu.memory_space<vmem>>, vector<1x16xf32>,
      %get3A_143 = vector.shape_cast %get3A_142 : vector<1x16xf32> to vector<16xf32>
      %get3A_144 = arith.index_cast %scan3A_25 : i32 to index
      %get3A_145 = arith.constant 400 : index
      %get3A_146 = tpu.vector_load %arg5[%get3A_144, %get3A_145] {strides = array<i32>} : memref<32x1088xf32, #tpu.memory_space<vmem>>, vector<1x16xf32>,
      %get3A_147 = vector.shape_cast %get3A_146 : vector<1x16xf32> to vector<16xf32>
      %get3A_148 = arith.index_cast %scan3A_25 : i32 to index
      %get3A_149 = arith.constant 464 : index
      %get3A_150 = tpu.vector_load %arg5[%get3A_148, %get3A_149] {strides = array<i32>} : memref<32x1088xf32, #tpu.memory_space<vmem>>, vector<1x16xf32>,
      %get3A_151 = vector.shape_cast %get3A_150 : vector<1x16xf32> to vector<16xf32>
      %max3A_152 = arith.maximumf %get3A_123, %get3A_127 : vector<16xf32>
      %min3A_153 = arith.minimumf %get3A_123, %get3A_127 : vector<16xf32>
      %min3A_154 = arith.minimumf %max3A_152, %get3A_131 : vector<16xf32>
      %max3A_155 = arith.maximumf %min3A_153, %min3A_154 : vector<16xf32>
      %max3A_156 = arith.maximumf %max3A_152, %get3A_131 : vector<16xf32>
      %min3A_157 = arith.minimumf %max3A_156, %get3A_135 : vector<16xf32>
      %max3A_158 = arith.maximumf %max3A_155, %min3A_157 : vector<16xf32>
      %max3A_159 = arith.maximumf %max3A_156, %get3A_135 : vector<16xf32>
      %min3A_160 = arith.minimumf %max3A_159, %get3A_139 : vector<16xf32>
      %max3A_161 = arith.maximumf %max3A_158, %min3A_160 : vector<16xf32>
      %max3A_162 = arith.maximumf %max3A_159, %get3A_139 : vector<16xf32>
      %min3A_163 = arith.minimumf %max3A_162, %get3A_143 : vector<16xf32>
      %max3A_164 = arith.maximumf %max3A_161, %min3A_163 : vector<16xf32>
      %max3A_165 = arith.maximumf %max3A_162, %get3A_143 : vector<16xf32>
      %min3A_166 = arith.minimumf %max3A_165, %get3A_147 : vector<16xf32>
      %max3A_167 = arith.maximumf %max3A_164, %min3A_166 : vector<16xf32>
      %max3A_168 = arith.maximumf %max3A_165, %get3A_147 : vector<16xf32>
      %min3A_169 = arith.minimumf %max3A_168, %get3A_151 : vector<16xf32>
      %max3A_170 = arith.maximumf %max3A_167, %min3A_169 : vector<16xf32>
      %max3A_171 = arith.maximumf %max3A_168, %get3A_151 : vector<16xf32>
      %get3A_172 = arith.index_cast %scan3A_25 : i32 to index
      %get3A_173 = arith.constant 16 : index
      %get3A_174 = tpu.vector_load %arg6[%get3A_172, %get3A_173] {strides = array<i32>} : memref<32x320xf32, #tpu.memory_space<vmem>>, vector<1x16xf32>,
      %get3A_175 = vector.shape_cast %get3A_174 : vector<1x16xf32> to vector<16xf32>
      %eq3A_176 = arith.cmpf oeq, %get3A_131, %max3A_171 : vector<16xf32>
      %select_n3A_177 = arith.select %eq3A_176, %max3A_170, %max3A_171 : vector<16xi1>, vector<16xf32>
      %add3A_178 = arith.addf %get3A_175, %select_n3A_177 : vector<16xf32>
      %max3A_179 = arith.constant 0.000000e+00 : f32
      %max3A_180 = vector.broadcast %max3A_179 : f32 to vector<16xf32>
      %max3A_181 = arith.maximumf %add3A_178, %max3A_180 : vector<16xf32>
      %get3A_182 = arith.index_cast %scan3A_25 : i32 to index
      %get3A_183 = arith.constant 80 : index
      %get3A_184 = tpu.vector_load %arg6[%get3A_182, %get3A_183] {strides = array<i32>} : memref<32x320xf32, #tpu.memory_space<vmem>>, vector<1x16xf32>,
      %get3A_185 = vector.shape_cast %get3A_184 : vector<1x16xf32> to vector<16xf32>
      %eq3A_186 = arith.cmpf oeq, %get3A_135, %max3A_171 : vector<16xf32>
      %select_n3A_187 = arith.select %eq3A_186, %max3A_170, %max3A_171 : vector<16xi1>, vector<16xf32>
      %add3A_188 = arith.addf %get3A_185, %select_n3A_187 : vector<16xf32>
      %max3A_189 = arith.constant 0.000000e+00 : f32
      %max3A_190 = vector.broadcast %max3A_189 : f32 to vector<16xf32>
      %max3A_191 = arith.maximumf %add3A_188, %max3A_190 : vector<16xf32>
      %add3A_192 = arith.addf %max3A_181, %max3A_191 : vector<16xf32>
      %get3A_193 = arith.index_cast %scan3A_25 : i32 to index
      %get3A_194 = arith.constant 144 : index
      %get3A_195 = tpu.vector_load %arg6[%get3A_193, %get3A_194] {strides = array<i32>} : memref<32x320xf32, #tpu.memory_space<vmem>>, vector<1x16xf32>,
      %get3A_196 = vector.shape_cast %get3A_195 : vector<1x16xf32> to vector<16xf32>
      %eq3A_197 = arith.cmpf oeq, %get3A_147, %max3A_171 : vector<16xf32>
      %select_n3A_198 = arith.select %eq3A_197, %max3A_170, %max3A_171 : vector<16xi1>, vector<16xf32>
      %add3A_199 = arith.addf %get3A_196, %select_n3A_198 : vector<16xf32>
      %max3A_200 = arith.constant 0.000000e+00 : f32
      %max3A_201 = vector.broadcast %max3A_200 : f32 to vector<16xf32>
      %max3A_202 = arith.maximumf %add3A_199, %max3A_201 : vector<16xf32>
      %add3A_203 = arith.addf %add3A_192, %max3A_202 : vector<16xf32>
      %get3A_204 = arith.index_cast %scan3A_25 : i32 to index
      %get3A_205 = arith.constant 208 : index
      %get3A_206 = tpu.vector_load %arg6[%get3A_204, %get3A_205] {strides = array<i32>} : memref<32x320xf32, #tpu.memory_space<vmem>>, vector<1x16xf32>,
      %get3A_207 = vector.shape_cast %get3A_206 : vector<1x16xf32> to vector<16xf32>
      %eq3A_208 = arith.cmpf oeq, %get3A_151, %max3A_171 : vector<16xf32>
      %select_n3A_209 = arith.select %eq3A_208, %max3A_170, %max3A_171 : vector<16xi1>, vector<16xf32>
      %add3A_210 = arith.addf %get3A_207, %select_n3A_209 : vector<16xf32>
      %max3A_211 = arith.constant 0.000000e+00 : f32
      %max3A_212 = vector.broadcast %max3A_211 : f32 to vector<16xf32>
      %max3A_213 = arith.maximumf %add3A_210, %max3A_212 : vector<16xf32>
      %add3A_214 = arith.addf %add3A_203, %max3A_213 : vector<16xf32>
      %swap3A_215 = arith.index_cast %scan3A_25 : i32 to index
      %swap3A_216 = arith.constant 144 : index
      %swap3A_217 = tpu.vector_load %arg7[%swap3A_215, %swap3A_216] {strides = array<i32>} : memref<32x192xf32, #tpu.memory_space<vmem>>, vector<1x16xf32>,
      %swap3A_218 = vector.shape_cast %swap3A_217 : vector<1x16xf32> to vector<16xf32>
      %swap3A_219 = vector.shape_cast %add3A_214 : vector<16xf32> to vector<1x16xf32>
      tpu.vector_store %arg7[%swap3A_215, %swap3A_216], %swap3A_219 {strides = array<i32>} : memref<32x192xf32, #tpu.memory_space<vmem>>, vector<1x16xf32>,
      %get3A_220 = arith.index_cast %scan3A_25 : i32 to index
      %get3A_221 = arith.constant 32 : index
      %get3A_222 = tpu.vector_load %arg5[%get3A_220, %get3A_221] {strides = array<i32>} : memref<32x1088xf32, #tpu.memory_space<vmem>>, vector<1x16xf32>,
      %get3A_223 = vector.shape_cast %get3A_222 : vector<1x16xf32> to vector<16xf32>
      %get3A_224 = arith.index_cast %scan3A_25 : i32 to index
      %get3A_225 = arith.constant 96 : index
      %get3A_226 = tpu.vector_load %arg5[%get3A_224, %get3A_225] {strides = array<i32>} : memref<32x1088xf32, #tpu.memory_space<vmem>>, vector<1x16xf32>,
      %get3A_227 = vector.shape_cast %get3A_226 : vector<1x16xf32> to vector<16xf32>
      %get3A_228 = arith.index_cast %scan3A_25 : i32 to index
      %get3A_229 = arith.constant 160 : index
      %get3A_230 = tpu.vector_load %arg5[%get3A_228, %get3A_229] {strides = array<i32>} : memref<32x1088xf32, #tpu.memory_space<vmem>>, vector<1x16xf32>,
      %get3A_231 = vector.shape_cast %get3A_230 : vector<1x16xf32> to vector<16xf32>
      %get3A_232 = arith.index_cast %scan3A_25 : i32 to index
      %get3A_233 = arith.constant 224 : index
      %get3A_234 = tpu.vector_load %arg5[%get3A_232, %get3A_233] {strides = array<i32>} : memref<32x1088xf32, #tpu.memory_space<vmem>>, vector<1x16xf32>,
      %get3A_235 = vector.shape_cast %get3A_234 : vector<1x16xf32> to vector<16xf32>
      %get3A_236 = arith.index_cast %scan3A_25 : i32 to index
      %get3A_237 = arith.constant 288 : index
      %get3A_238 = tpu.vector_load %arg5[%get3A_236, %get3A_237] {strides = array<i32>} : memref<32x1088xf32, #tpu.memory_space<vmem>>, vector<1x16xf32>,
      %get3A_239 = vector.shape_cast %get3A_238 : vector<1x16xf32> to vector<16xf32>
      %get3A_240 = arith.index_cast %scan3A_25 : i32 to index
      %get3A_241 = arith.constant 352 : index
      %get3A_242 = tpu.vector_load %arg5[%get3A_240, %get3A_241] {strides = array<i32>} : memref<32x1088xf32, #tpu.memory_space<vmem>>, vector<1x16xf32>,
      %get3A_243 = vector.shape_cast %get3A_242 : vector<1x16xf32> to vector<16xf32>
      %get3A_244 = arith.index_cast %scan3A_25 : i32 to index
      %get3A_245 = arith.constant 416 : index
      %get3A_246 = tpu.vector_load %arg5[%get3A_244, %get3A_245] {strides = array<i32>} : memref<32x1088xf32, #tpu.memory_space<vmem>>, vector<1x16xf32>,
      %get3A_247 = vector.shape_cast %get3A_246 : vector<1x16xf32> to vector<16xf32>
      %get3A_248 = arith.index_cast %scan3A_25 : i32 to index
      %get3A_249 = arith.constant 480 : index
      %get3A_250 = tpu.vector_load %arg5[%get3A_248, %get3A_249] {strides = array<i32>} : memref<32x1088xf32, #tpu.memory_space<vmem>>, vector<1x16xf32>,
      %get3A_251 = vector.shape_cast %get3A_250 : vector<1x16xf32> to vector<16xf32>
      %max3A_252 = arith.maximumf %get3A_223, %get3A_227 : vector<16xf32>
      %min3A_253 = arith.minimumf %get3A_223, %get3A_227 : vector<16xf32>
      %min3A_254 = arith.minimumf %max3A_252, %get3A_231 : vector<16xf32>
      %max3A_255 = arith.maximumf %min3A_253, %min3A_254 : vector<16xf32>
      %max3A_256 = arith.maximumf %max3A_252, %get3A_231 : vector<16xf32>
      %min3A_257 = arith.minimumf %max3A_256, %get3A_235 : vector<16xf32>
      %max3A_258 = arith.maximumf %max3A_255, %min3A_257 : vector<16xf32>
      %max3A_259 = arith.maximumf %max3A_256, %get3A_235 : vector<16xf32>
      %min3A_260 = arith.minimumf %max3A_259, %get3A_239 : vector<16xf32>
      %max3A_261 = arith.maximumf %max3A_258, %min3A_260 : vector<16xf32>
      %max3A_262 = arith.maximumf %max3A_259, %get3A_239 : vector<16xf32>
      %min3A_263 = arith.minimumf %max3A_262, %get3A_243 : vector<16xf32>
      %max3A_264 = arith.maximumf %max3A_261, %min3A_263 : vector<16xf32>
      %max3A_265 = arith.maximumf %max3A_262, %get3A_243 : vector<16xf32>
      %min3A_266 = arith.minimumf %max3A_265, %get3A_247 : vector<16xf32>
      %max3A_267 = arith.maximumf %max3A_264, %min3A_266 : vector<16xf32>
      %max3A_268 = arith.maximumf %max3A_265, %get3A_247 : vector<16xf32>
      %min3A_269 = arith.minimumf %max3A_268, %get3A_251 : vector<16xf32>
      %max3A_270 = arith.maximumf %max3A_267, %min3A_269 : vector<16xf32>
      %max3A_271 = arith.maximumf %max3A_268, %get3A_251 : vector<16xf32>
      %get3A_272 = arith.index_cast %scan3A_25 : i32 to index
      %get3A_273 = arith.constant 32 : index
      %get3A_274 = tpu.vector_load %arg6[%get3A_272, %get3A_273] {strides = array<i32>} : memref<32x320xf32, #tpu.memory_space<vmem>>, vector<1x16xf32>,
      %get3A_275 = vector.shape_cast %get3A_274 : vector<1x16xf32> to vector<16xf32>
      %eq3A_276 = arith.cmpf oeq, %get3A_231, %max3A_271 : vector<16xf32>
      %select_n3A_277 = arith.select %eq3A_276, %max3A_270, %max3A_271 : vector<16xi1>, vector<16xf32>
      %add3A_278 = arith.addf %get3A_275, %select_n3A_277 : vector<16xf32>
      %max3A_279 = arith.constant 0.000000e+00 : f32
      %max3A_280 = vector.broadcast %max3A_279 : f32 to vector<16xf32>
      %max3A_281 = arith.maximumf %add3A_278, %max3A_280 : vector<16xf32>
      %get3A_282 = arith.index_cast %scan3A_25 : i32 to index
      %get3A_283 = arith.constant 96 : index
      %get3A_284 = tpu.vector_load %arg6[%get3A_282, %get3A_283] {strides = array<i32>} : memref<32x320xf32, #tpu.memory_space<vmem>>, vector<1x16xf32>,
      %get3A_285 = vector.shape_cast %get3A_284 : vector<1x16xf32> to vector<16xf32>
      %eq3A_286 = arith.cmpf oeq, %get3A_235, %max3A_271 : vector<16xf32>
      %select_n3A_287 = arith.select %eq3A_286, %max3A_270, %max3A_271 : vector<16xi1>, vector<16xf32>
      %add3A_288 = arith.addf %get3A_285, %select_n3A_287 : vector<16xf32>
      %max3A_289 = arith.constant 0.000000e+00 : f32
      %max3A_290 = vector.broadcast %max3A_289 : f32 to vector<16xf32>
      %max3A_291 = arith.maximumf %add3A_288, %max3A_290 : vector<16xf32>
      %add3A_292 = arith.addf %max3A_281, %max3A_291 : vector<16xf32>
      %get3A_293 = arith.index_cast %scan3A_25 : i32 to index
      %get3A_294 = arith.constant 160 : index
      %get3A_295 = tpu.vector_load %arg6[%get3A_293, %get3A_294] {strides = array<i32>} : memref<32x320xf32, #tpu.memory_space<vmem>>, vector<1x16xf32>,
      %get3A_296 = vector.shape_cast %get3A_295 : vector<1x16xf32> to vector<16xf32>
      %eq3A_297 = arith.cmpf oeq, %get3A_247, %max3A_271 : vector<16xf32>
      %select_n3A_298 = arith.select %eq3A_297, %max3A_270, %max3A_271 : vector<16xi1>, vector<16xf32>
      %add3A_299 = arith.addf %get3A_296, %select_n3A_298 : vector<16xf32>
      %max3A_300 = arith.constant 0.000000e+00 : f32
      %max3A_301 = vector.broadcast %max3A_300 : f32 to vector<16xf32>
      %max3A_302 = arith.maximumf %add3A_299, %max3A_301 : vector<16xf32>
      %add3A_303 = arith.addf %add3A_292, %max3A_302 : vector<16xf32>
      %get3A_304 = arith.index_cast %scan3A_25 : i32 to index
      %get3A_305 = arith.constant 224 : index
      %get3A_306 = tpu.vector_load %arg6[%get3A_304, %get3A_305] {strides = array<i32>} : memref<32x320xf32, #tpu.memory_space<vmem>>, vector<1x16xf32>,
      %get3A_307 = vector.shape_cast %get3A_306 : vector<1x16xf32> to vector<16xf32>
      %eq3A_308 = arith.cmpf oeq, %get3A_251, %max3A_271 : vector<16xf32>
      %select_n3A_309 = arith.select %eq3A_308, %max3A_270, %max3A_271 : vector<16xi1>, vector<16xf32>
      %add3A_310 = arith.addf %get3A_307, %select_n3A_309 : vector<16xf32>
      %max3A_311 = arith.constant 0.000000e+00 : f32
      %max3A_312 = vector.broadcast %max3A_311 : f32 to vector<16xf32>
      %max3A_313 = arith.maximumf %add3A_310, %max3A_312 : vector<16xf32>
      %add3A_314 = arith.addf %add3A_303, %max3A_313 : vector<16xf32>
      %swap3A_315 = arith.index_cast %scan3A_25 : i32 to index
      %swap3A_316 = arith.constant 160 : index
      %swap3A_317 = tpu.vector_load %arg7[%swap3A_315, %swap3A_316] {strides = array<i32>} : memref<32x192xf32, #tpu.memory_space<vmem>>, vector<1x16xf32>,
      %swap3A_318 = vector.shape_cast %swap3A_317 : vector<1x16xf32> to vector<16xf32>
      %swap3A_319 = vector.shape_cast %add3A_314 : vector<16xf32> to vector<1x16xf32>
      tpu.vector_store %arg7[%swap3A_315, %swap3A_316], %swap3A_319 {strides = array<i32>} : memref<32x192xf32, #tpu.memory_space<vmem>>, vector<1x16xf32>,
      %get3A_320 = arith.index_cast %scan3A_25 : i32 to index
      %get3A_321 = arith.constant 48 : index
      %get3A_322 = tpu.vector_load %arg5[%get3A_320, %get3A_321] {strides = array<i32>} : memref<32x1088xf32, #tpu.memory_space<vmem>>, vector<1x16xf32>,
      %get3A_323 = vector.shape_cast %get3A_322 : vector<1x16xf32> to vector<16xf32>
      %get3A_324 = arith.index_cast %scan3A_25 : i32 to index
      %get3A_325 = arith.constant 112 : index
      %get3A_326 = tpu.vector_load %arg5[%get3A_324, %get3A_325] {strides = array<i32>} : memref<32x1088xf32, #tpu.memory_space<vmem>>, vector<1x16xf32>,
      %get3A_327 = vector.shape_cast %get3A_326 : vector<1x16xf32> to vector<16xf32>
      %get3A_328 = arith.index_cast %scan3A_25 : i32 to index
      %get3A_329 = arith.constant 176 : index
      %get3A_330 = tpu.vector_load %arg5[%get3A_328, %get3A_329] {strides = array<i32>} : memref<32x1088xf32, #tpu.memory_space<vmem>>, vector<1x16xf32>,
      %get3A_331 = vector.shape_cast %get3A_330 : vector<1x16xf32> to vector<16xf32>
      %get3A_332 = arith.index_cast %scan3A_25 : i32 to index
      %get3A_333 = arith.constant 240 : index
      %get3A_334 = tpu.vector_load %arg5[%get3A_332, %get3A_333] {strides = array<i32>} : memref<32x1088xf32, #tpu.memory_space<vmem>>, vector<1x16xf32>,
      %get3A_335 = vector.shape_cast %get3A_334 : vector<1x16xf32> to vector<16xf32>
      %get3A_336 = arith.index_cast %scan3A_25 : i32 to index
      %get3A_337 = arith.constant 304 : index
      %get3A_338 = tpu.vector_load %arg5[%get3A_336, %get3A_337] {strides = array<i32>} : memref<32x1088xf32, #tpu.memory_space<vmem>>, vector<1x16xf32>,
      %get3A_339 = vector.shape_cast %get3A_338 : vector<1x16xf32> to vector<16xf32>
      %get3A_340 = arith.index_cast %scan3A_25 : i32 to index
      %get3A_341 = arith.constant 368 : index
      %get3A_342 = tpu.vector_load %arg5[%get3A_340, %get3A_341] {strides = array<i32>} : memref<32x1088xf32, #tpu.memory_space<vmem>>, vector<1x16xf32>,
      %get3A_343 = vector.shape_cast %get3A_342 : vector<1x16xf32> to vector<16xf32>
      %get3A_344 = arith.index_cast %scan3A_25 : i32 to index
      %get3A_345 = arith.constant 432 : index
      %get3A_346 = tpu.vector_load %arg5[%get3A_344, %get3A_345] {strides = array<i32>} : memref<32x1088xf32, #tpu.memory_space<vmem>>, vector<1x16xf32>,
      %get3A_347 = vector.shape_cast %get3A_346 : vector<1x16xf32> to vector<16xf32>
      %get3A_348 = arith.index_cast %scan3A_25 : i32 to index
      %get3A_349 = arith.constant 496 : index
      %get3A_350 = tpu.vector_load %arg5[%get3A_348, %get3A_349] {strides = array<i32>} : memref<32x1088xf32, #tpu.memory_space<vmem>>, vector<1x16xf32>,
      %get3A_351 = vector.shape_cast %get3A_350 : vector<1x16xf32> to vector<16xf32>
      %max3A_352 = arith.maximumf %get3A_323, %get3A_327 : vector<16xf32>
      %min3A_353 = arith.minimumf %get3A_323, %get3A_327 : vector<16xf32>
      %min3A_354 = arith.minimumf %max3A_352, %get3A_331 : vector<16xf32>
      %max3A_355 = arith.maximumf %min3A_353, %min3A_354 : vector<16xf32>
      %max3A_356 = arith.maximumf %max3A_352, %get3A_331 : vector<16xf32>
      %min3A_357 = arith.minimumf %max3A_356, %get3A_335 : vector<16xf32>
      %max3A_358 = arith.maximumf %max3A_355, %min3A_357 : vector<16xf32>
      %max3A_359 = arith.maximumf %max3A_356, %get3A_335 : vector<16xf32>
      %min3A_360 = arith.minimumf %max3A_359, %get3A_339 : vector<16xf32>
      %max3A_361 = arith.maximumf %max3A_358, %min3A_360 : vector<16xf32>
      %max3A_362 = arith.maximumf %max3A_359, %get3A_339 : vector<16xf32>
      %min3A_363 = arith.minimumf %max3A_362, %get3A_343 : vector<16xf32>
      %max3A_364 = arith.maximumf %max3A_361, %min3A_363 : vector<16xf32>
      %max3A_365 = arith.maximumf %max3A_362, %get3A_343 : vector<16xf32>
      %min3A_366 = arith.minimumf %max3A_365, %get3A_347 : vector<16xf32>
      %max3A_367 = arith.maximumf %max3A_364, %min3A_366 : vector<16xf32>
      %max3A_368 = arith.maximumf %max3A_365, %get3A_347 : vector<16xf32>
      %min3A_369 = arith.minimumf %max3A_368, %get3A_351 : vector<16xf32>
      %max3A_370 = arith.maximumf %max3A_367, %min3A_369 : vector<16xf32>
      %max3A_371 = arith.maximumf %max3A_368, %get3A_351 : vector<16xf32>
      %get3A_372 = arith.index_cast %scan3A_25 : i32 to index
      %get3A_373 = arith.constant 48 : index
      %get3A_374 = tpu.vector_load %arg6[%get3A_372, %get3A_373] {strides = array<i32>} : memref<32x320xf32, #tpu.memory_space<vmem>>, vector<1x16xf32>,
      %get3A_375 = vector.shape_cast %get3A_374 : vector<1x16xf32> to vector<16xf32>
      %eq3A_376 = arith.cmpf oeq, %get3A_331, %max3A_371 : vector<16xf32>
      %select_n3A_377 = arith.select %eq3A_376, %max3A_370, %max3A_371 : vector<16xi1>, vector<16xf32>
      %add3A_378 = arith.addf %get3A_375, %select_n3A_377 : vector<16xf32>
      %max3A_379 = arith.constant 0.000000e+00 : f32
      %max3A_380 = vector.broadcast %max3A_379 : f32 to vector<16xf32>
      %max3A_381 = arith.maximumf %add3A_378, %max3A_380 : vector<16xf32>
      %get3A_382 = arith.index_cast %scan3A_25 : i32 to index
      %get3A_383 = arith.constant 112 : index
      %get3A_384 = tpu.vector_load %arg6[%get3A_382, %get3A_383] {strides = array<i32>} : memref<32x320xf32, #tpu.memory_space<vmem>>, vector<1x16xf32>,
      %get3A_385 = vector.shape_cast %get3A_384 : vector<1x16xf32> to vector<16xf32>
      %eq3A_386 = arith.cmpf oeq, %get3A_335, %max3A_371 : vector<16xf32>
      %select_n3A_387 = arith.select %eq3A_386, %max3A_370, %max3A_371 : vector<16xi1>, vector<16xf32>
      %add3A_388 = arith.addf %get3A_385, %select_n3A_387 : vector<16xf32>
      %max3A_389 = arith.constant 0.000000e+00 : f32
      %max3A_390 = vector.broadcast %max3A_389 : f32 to vector<16xf32>
      %max3A_391 = arith.maximumf %add3A_388, %max3A_390 : vector<16xf32>
      %add3A_392 = arith.addf %max3A_381, %max3A_391 : vector<16xf32>
      %get3A_393 = arith.index_cast %scan3A_25 : i32 to index
      %get3A_394 = arith.constant 176 : index
      %get3A_395 = tpu.vector_load %arg6[%get3A_393, %get3A_394] {strides = array<i32>} : memref<32x320xf32, #tpu.memory_space<vmem>>, vector<1x16xf32>,
      %get3A_396 = vector.shape_cast %get3A_395 : vector<1x16xf32> to vector<16xf32>
      %eq3A_397 = arith.cmpf oeq, %get3A_347, %max3A_371 : vector<16xf32>
      %select_n3A_398 = arith.select %eq3A_397, %max3A_370, %max3A_371 : vector<16xi1>, vector<16xf32>
      %add3A_399 = arith.addf %get3A_396, %select_n3A_398 : vector<16xf32>
      %max3A_400 = arith.constant 0.000000e+00 : f32
      %max3A_401 = vector.broadcast %max3A_400 : f32 to vector<16xf32>
      %max3A_402 = arith.maximumf %add3A_399, %max3A_401 : vector<16xf32>
      %add3A_403 = arith.addf %add3A_392, %max3A_402 : vector<16xf32>
      %get3A_404 = arith.index_cast %scan3A_25 : i32 to index
      %get3A_405 = arith.constant 240 : index
      %get3A_406 = tpu.vector_load %arg6[%get3A_404, %get3A_405] {strides = array<i32>} : memref<32x320xf32, #tpu.memory_space<vmem>>, vector<1x16xf32>,
      %get3A_407 = vector.shape_cast %get3A_406 : vector<1x16xf32> to vector<16xf32>
      %eq3A_408 = arith.cmpf oeq, %get3A_351, %max3A_371 : vector<16xf32>
      %select_n3A_409 = arith.select %eq3A_408, %max3A_370, %max3A_371 : vector<16xi1>, vector<16xf32>
      %add3A_410 = arith.addf %get3A_407, %select_n3A_409 : vector<16xf32>
      %max3A_411 = arith.constant 0.000000e+00 : f32
      %max3A_412 = vector.broadcast %max3A_411 : f32 to vector<16xf32>
      %max3A_413 = arith.maximumf %add3A_410, %max3A_412 : vector<16xf32>
      %add3A_414 = arith.addf %add3A_403, %max3A_413 : vector<16xf32>
      %swap3A_415 = arith.index_cast %scan3A_25 : i32 to index
      %swap3A_416 = arith.constant 176 : index
      %swap3A_417 = tpu.vector_load %arg7[%swap3A_415, %swap3A_416] {strides = array<i32>} : memref<32x192xf32, #tpu.memory_space<vmem>>, vector<1x16xf32>,
      %swap3A_418 = vector.shape_cast %swap3A_417 : vector<1x16xf32> to vector<16xf32>
      %swap3A_419 = vector.shape_cast %add3A_414 : vector<16xf32> to vector<1x16xf32>
      tpu.vector_store %arg7[%swap3A_415, %swap3A_416], %swap3A_419 {strides = array<i32>} : memref<32x192xf32, #tpu.memory_space<vmem>>, vector<1x16xf32>,
    }
    %scan3A_24 = arith.constant 32 : i32
    "tpu.region"() ({
      %run_scoped3A_25 = tpu.sem_alloc : memref<!tpu.dma_semaphore, #tpu.memory_space<semaphore_mem>>
      %dma_start3A = arith.constant 0 : i32
      %dma_start3A_26 = tpu.memref_slice %arg4[%mul3A_2, %dma_start3A] : memref<1024x192xf32, #tpu.memory_space<hbm>> -> memref<32x192xf32, #tpu.memory_space<hbm>>
      %dma_start3A_27 = arith.constant 0 : i32
      %dma_start3A_28 = tpu.memref_slice %arg4[%mul3A_2, %dma_start3A_27] : memref<1024x192xf32, #tpu.memory_space<hbm>> -> memref<32x192xf32, #tpu.memory_space<hbm>>
      tpu.enqueue_dma source(%arg7 : memref<32x192xf32, #tpu.memory_space<vmem>>) target(%dma_start3A_28 : memref<32x192xf32, #tpu.memory_space<hbm>>) target_semaphore(%run_scoped3A_25 : memref<!tpu.dma_semaphore, #tpu.memory_space<semaphore_mem>>)
      %dma_wait3A = arith.constant 0 : i32
      %dma_wait3A_29 = tpu.memref_slice %arg4[%mul3A_2, %dma_wait3A] : memref<1024x192xf32, #tpu.memory_space<hbm>> -> memref<32x192xf32, #tpu.memory_space<hbm>>
      %dma_wait3A_30 = arith.constant 0 : i32
      %dma_wait3A_31 = tpu.memref_slice %arg4[%mul3A_2, %dma_wait3A_30] : memref<1024x192xf32, #tpu.memory_space<hbm>> -> memref<32x192xf32, #tpu.memory_space<hbm>>
      tpu.wait_dma2 semaphore(%run_scoped3A_25 : memref<!tpu.dma_semaphore, #tpu.memory_space<semaphore_mem>>) src(%arg7 : memref<32x192xf32, #tpu.memory_space<vmem>>) dst(%dma_wait3A_31 : memref<32x192xf32, #tpu.memory_space<hbm>>)
      tpu.yield
    }) : () -> ()
    return
  }
}

module attributes {stable_mosaic.version = 14 : i64} {
  func.func @_tc1_body(%arg0: memref<34x1024xf32, #tpu.memory_space<vmem>>, %arg1: memref<17x1024xf32, #tpu.memory_space<vmem>>, %arg2: memref<64x4xf32, #tpu.memory_space<vmem>>, %arg3: memref<64x4xf32, #tpu.memory_space<vmem>>, %arg4: memref<64x4xf32, #tpu.memory_space<vmem>>, %arg5: memref<64x128xf32, #tpu.memory_space<vmem>>, %arg6: memref<64x1xf32, #tpu.memory_space<vmem>>, %arg7: memref<3x1024x1088xf32, #tpu.memory_space<vmem>>, %arg8: memref<3x1024x320xf32, #tpu.memory_space<vmem>>, %arg9: memref<192x1024xf32, #tpu.memory_space<vmem>>) attributes {dimension_semantics = [], scalar_prefetch = 0 : i64, scratch_operands = 0 : i64, tpu.core_type = #tpu.core_type<tc>} {
    %get3A = arith.constant 0 : index
    %get3A_0 = arith.constant 0 : index
    %get3A_1 = vector.load %arg0[%get3A, %get3A_0] : memref<34x1024xf32, #tpu.memory_space<vmem>>, vector<34x1024xf32>
    %get3A_2 = arith.constant 0 : index
    %get3A_3 = arith.constant 0 : index
    %get3A_4 = vector.load %arg1[%get3A_2, %get3A_3] : memref<17x1024xf32, #tpu.memory_space<vmem>>, vector<17x1024xf32>
    %iota3A = tpu.iota {dimensions = array<i32: 0>} : vector<34x1024xi32>
    %jit3A = arith.constant 2 : i32
    %eq3A = arith.constant 0 : i32
    %eq3A_5 = arith.cmpi eq, %jit3A, %eq3A : i32
    %jit3A_6 = arith.constant 1 : i32
    %select_n3A = arith.select %eq3A_5, %jit3A_6, %jit3A : i32
    %rem3A = vector.broadcast %select_n3A : i32 to vector<34x1024xi32>
    %rem3A_7 = arith.remsi %iota3A, %rem3A : vector<34x1024xi32>
    %ne3A = arith.constant 0 : i32
    %ne3A_8 = vector.broadcast %ne3A : i32 to vector<34x1024xi32>
    %ne3A_9 = arith.cmpi ne, %rem3A_7, %ne3A_8 : vector<34x1024xi32>
    %lt3A = arith.constant 0 : i32
    %lt3A_10 = vector.broadcast %lt3A : i32 to vector<34x1024xi32>
    %lt3A_11 = arith.cmpi slt, %rem3A_7, %lt3A_10 : vector<34x1024xi32>
    %lt3A_12 = arith.constant 0 : i32
    %lt3A_13 = arith.cmpi slt, %select_n3A, %lt3A_12 : i32
    %ne3A_14 = vector.broadcast %lt3A_13 : i1 to vector<34x1024xi1>
    %ne3A_15 = vector.broadcast %ne3A_14 : vector<34x1024xi1> to vector<34x1024xi1>
    %ne3A_16 = arith.xori %lt3A_11, %ne3A_15 : vector<34x1024xi1>
    %and3A = arith.andi %ne3A_16, %ne3A_9 : vector<34x1024xi1>
    %add3A = vector.broadcast %select_n3A : i32 to vector<34x1024xi32>
    %add3A_17 = arith.addi %rem3A_7, %add3A : vector<34x1024xi32>
    %select_n3A_18 = arith.select %and3A, %add3A_17, %rem3A_7 : vector<34x1024xi1>, vector<34x1024xi32>
    %eq3A_19 = arith.constant 0 : i32
    %eq3A_20 = vector.broadcast %eq3A_19 : i32 to vector<34x1024xi32>
    %eq3A_21 = arith.cmpi eq, %select_n3A_18, %eq3A_20 : vector<34x1024xi32>
    %jit3A_22 = arith.constant 1.000000e+30 : f32
    %broadcast_in_dim3A = vector.broadcast %jit3A_22 : f32 to vector<34x1024xf32>
    %select_n3A_23 = arith.select %eq3A_21, %get3A_1, %broadcast_in_dim3A : vector<34x1024xi1>, vector<34x1024xf32>
    %reduce_min3A = arith.constant dense<0x7F800000> : vector<1024xf32>
    %reduce_min3A_24 = vector.multi_reduction <minimumf>, %select_n3A_23, %reduce_min3A [0] : vector<34x1024xf32> to vector<1024xf32>
    %broadcast_in_dim3A_25 = vector.shape_cast %reduce_min3A_24 : vector<1024xf32> to vector<1x1024xf32>
    %jit3A_26 = arith.constant 1.000000e+30 : f32
    %broadcast_in_dim3A_27 = vector.broadcast %jit3A_26 : f32 to vector<34x1024xf32>
    %select_n3A_28 = arith.select %eq3A_21, %broadcast_in_dim3A_27, %get3A_1 : vector<34x1024xi1>, vector<34x1024xf32>
    %reduce_min3A_29 = arith.constant dense<0x7F800000> : vector<1024xf32>
    %reduce_min3A_30 = vector.multi_reduction <minimumf>, %select_n3A_28, %reduce_min3A_29 [0] : vector<34x1024xf32> to vector<1024xf32>
    %broadcast_in_dim3A_31 = vector.shape_cast %reduce_min3A_30 : vector<1024xf32> to vector<1x1024xf32>
    %neg3A = arith.constant 0.000000e+00 : f32
    %neg3A_32 = arith.constant 1.000000e+30 : f32
    %neg3A_33 = arith.subf %neg3A, %neg3A_32 : f32
    %broadcast_in_dim3A_34 = vector.broadcast %neg3A_33 : f32 to vector<34x1024xf32>
    %select_n3A_35 = arith.select %eq3A_21, %get3A_1, %broadcast_in_dim3A_34 : vector<34x1024xi1>, vector<34x1024xf32>
    %reduce_max3A = arith.constant dense<0xFF800000> : vector<1024xf32>
    %reduce_max3A_36 = vector.multi_reduction <maximumf>, %select_n3A_35, %reduce_max3A [0] : vector<34x1024xf32> to vector<1024xf32>
    %broadcast_in_dim3A_37 = vector.shape_cast %reduce_max3A_36 : vector<1024xf32> to vector<1x1024xf32>
    %neg3A_38 = arith.constant 0.000000e+00 : f32
    %neg3A_39 = arith.constant 1.000000e+30 : f32
    %neg3A_40 = arith.subf %neg3A_38, %neg3A_39 : f32
    %broadcast_in_dim3A_41 = vector.broadcast %neg3A_40 : f32 to vector<34x1024xf32>
    %select_n3A_42 = arith.select %eq3A_21, %broadcast_in_dim3A_41, %get3A_1 : vector<34x1024xi1>, vector<34x1024xf32>
    %reduce_max3A_43 = arith.constant dense<0xFF800000> : vector<1024xf32>
    %reduce_max3A_44 = vector.multi_reduction <maximumf>, %select_n3A_42, %reduce_max3A_43 [0] : vector<34x1024xf32> to vector<1024xf32>
    %broadcast_in_dim3A_45 = vector.shape_cast %reduce_max3A_44 : vector<1024xf32> to vector<1x1024xf32>
    %broadcast_in_dim3A_46 = vector.shape_cast %broadcast_in_dim3A_25 : vector<1x1024xf32> to vector<1x1024xf32>
    %broadcast_in_dim3A_47 = vector.broadcast %broadcast_in_dim3A_46 : vector<1x1024xf32> to vector<34x1024xf32>
    %broadcast_in_dim3A_48 = vector.shape_cast %broadcast_in_dim3A_31 : vector<1x1024xf32> to vector<1x1024xf32>
    %broadcast_in_dim3A_49 = vector.broadcast %broadcast_in_dim3A_48 : vector<1x1024xf32> to vector<34x1024xf32>
    %select_n3A_50 = arith.select %eq3A_21, %broadcast_in_dim3A_47, %broadcast_in_dim3A_49 : vector<34x1024xi1>, vector<34x1024xf32>
    %sub3A = arith.subf %broadcast_in_dim3A_37, %broadcast_in_dim3A_25 : vector<1x1024xf32>
    %add3A_51 = arith.constant 9.99999997E-7 : f32
    %add3A_52 = vector.broadcast %add3A_51 : f32 to vector<1x1024xf32>
    %add3A_53 = arith.addf %sub3A, %add3A_52 : vector<1x1024xf32>
    %div3A = arith.constant 1.000000e+00 : f32
    %div3A_54 = vector.broadcast %div3A : f32 to vector<1x1024xf32>
    %div3A_55 = arith.divf %div3A_54, %add3A_53 : vector<1x1024xf32>
    %sub3A_56 = arith.subf %broadcast_in_dim3A_45, %broadcast_in_dim3A_31 : vector<1x1024xf32>
    %add3A_57 = arith.constant 9.99999997E-7 : f32
    %add3A_58 = vector.broadcast %add3A_57 : f32 to vector<1x1024xf32>
    %add3A_59 = arith.addf %sub3A_56, %add3A_58 : vector<1x1024xf32>
    %div3A_60 = arith.constant 1.000000e+00 : f32
    %div3A_61 = vector.broadcast %div3A_60 : f32 to vector<1x1024xf32>
    %div3A_62 = arith.divf %div3A_61, %add3A_59 : vector<1x1024xf32>
    %broadcast_in_dim3A_63 = vector.shape_cast %div3A_55 : vector<1x1024xf32> to vector<1x1024xf32>
    %broadcast_in_dim3A_64 = vector.broadcast %broadcast_in_dim3A_63 : vector<1x1024xf32> to vector<34x1024xf32>
    %broadcast_in_dim3A_65 = vector.shape_cast %div3A_62 : vector<1x1024xf32> to vector<1x1024xf32>
    %broadcast_in_dim3A_66 = vector.broadcast %broadcast_in_dim3A_65 : vector<1x1024xf32> to vector<34x1024xf32>
    %select_n3A_67 = arith.select %eq3A_21, %broadcast_in_dim3A_64, %broadcast_in_dim3A_66 : vector<34x1024xi1>, vector<34x1024xf32>
    %sub3A_68 = arith.subf %get3A_1, %select_n3A_50 : vector<34x1024xf32>
    %mul3A = arith.mulf %sub3A_68, %select_n3A_67 : vector<34x1024xf32>
    %slice3A = vector.extract_strided_slice %mul3A {offsets = [0, 0], sizes = [1, 1024], strides = [1, 1]} : vector<34x1024xf32> to vector<1x1024xf32>
    %slice3A_69 = vector.extract_strided_slice %mul3A {offsets = [2, 0], sizes = [1, 1024], strides = [1, 1]} : vector<34x1024xf32> to vector<1x1024xf32>
    %slice3A_70 = vector.extract_strided_slice %mul3A {offsets = [4, 0], sizes = [1, 1024], strides = [1, 1]} : vector<34x1024xf32> to vector<1x1024xf32>
    %slice3A_71 = vector.extract_strided_slice %mul3A {offsets = [6, 0], sizes = [1, 1024], strides = [1, 1]} : vector<34x1024xf32> to vector<1x1024xf32>
    %slice3A_72 = vector.extract_strided_slice %mul3A {offsets = [8, 0], sizes = [1, 1024], strides = [1, 1]} : vector<34x1024xf32> to vector<1x1024xf32>
    %slice3A_73 = vector.extract_strided_slice %mul3A {offsets = [10, 0], sizes = [1, 1024], strides = [1, 1]} : vector<34x1024xf32> to vector<1x1024xf32>
    %slice3A_74 = vector.extract_strided_slice %mul3A {offsets = [12, 0], sizes = [1, 1024], strides = [1, 1]} : vector<34x1024xf32> to vector<1x1024xf32>
    %slice3A_75 = vector.extract_strided_slice %mul3A {offsets = [14, 0], sizes = [1, 1024], strides = [1, 1]} : vector<34x1024xf32> to vector<1x1024xf32>
    %slice3A_76 = vector.extract_strided_slice %mul3A {offsets = [16, 0], sizes = [1, 1024], strides = [1, 1]} : vector<34x1024xf32> to vector<1x1024xf32>
    %slice3A_77 = vector.extract_strided_slice %mul3A {offsets = [18, 0], sizes = [1, 1024], strides = [1, 1]} : vector<34x1024xf32> to vector<1x1024xf32>
    %slice3A_78 = vector.extract_strided_slice %mul3A {offsets = [20, 0], sizes = [1, 1024], strides = [1, 1]} : vector<34x1024xf32> to vector<1x1024xf32>
    %slice3A_79 = vector.extract_strided_slice %mul3A {offsets = [22, 0], sizes = [1, 1024], strides = [1, 1]} : vector<34x1024xf32> to vector<1x1024xf32>
    %slice3A_80 = vector.extract_strided_slice %mul3A {offsets = [24, 0], sizes = [1, 1024], strides = [1, 1]} : vector<34x1024xf32> to vector<1x1024xf32>
    %slice3A_81 = vector.extract_strided_slice %mul3A {offsets = [26, 0], sizes = [1, 1024], strides = [1, 1]} : vector<34x1024xf32> to vector<1x1024xf32>
    %slice3A_82 = vector.extract_strided_slice %mul3A {offsets = [28, 0], sizes = [1, 1024], strides = [1, 1]} : vector<34x1024xf32> to vector<1x1024xf32>
    %slice3A_83 = vector.extract_strided_slice %mul3A {offsets = [30, 0], sizes = [1, 1024], strides = [1, 1]} : vector<34x1024xf32> to vector<1x1024xf32>
    %slice3A_84 = vector.extract_strided_slice %mul3A {offsets = [32, 0], sizes = [1, 1024], strides = [1, 1]} : vector<34x1024xf32> to vector<1x1024xf32>
    %concatenate3A = tpu.concatenate %slice3A, %slice3A_69, %slice3A_70, %slice3A_71, %slice3A_72, %slice3A_73, %slice3A_74, %slice3A_75, %slice3A_76, %slice3A_77, %slice3A_78, %slice3A_79, %slice3A_80, %slice3A_81, %slice3A_82, %slice3A_83, %slice3A_84 in 1 : vector<1x1024xf32>, vector<1x1024xf32>, vector<1x1024xf32>, vector<1x1024xf32>, vector<1x1024xf32>, vector<1x1024xf32>, vector<1x1024xf32>, vector<1x1024xf32>, vector<1x1024xf32>, vector<1x1024xf32>, vector<1x1024xf32>, vector<1x1024xf32>, vector<1x1024xf32>, vector<1x1024xf32>, vector<1x1024xf32>, vector<1x1024xf32>, vector<1x1024xf32> -> vector<1x17408xf32>
    %slice3A_85 = vector.extract_strided_slice %mul3A {offsets = [1, 0], sizes = [1, 1024], strides = [1, 1]} : vector<34x1024xf32> to vector<1x1024xf32>
    %slice3A_86 = vector.extract_strided_slice %mul3A {offsets = [3, 0], sizes = [1, 1024], strides = [1, 1]} : vector<34x1024xf32> to vector<1x1024xf32>
    %slice3A_87 = vector.extract_strided_slice %mul3A {offsets = [5, 0], sizes = [1, 1024], strides = [1, 1]} : vector<34x1024xf32> to vector<1x1024xf32>
    %slice3A_88 = vector.extract_strided_slice %mul3A {offsets = [7, 0], sizes = [1, 1024], strides = [1, 1]} : vector<34x1024xf32> to vector<1x1024xf32>
    %slice3A_89 = vector.extract_strided_slice %mul3A {offsets = [9, 0], sizes = [1, 1024], strides = [1, 1]} : vector<34x1024xf32> to vector<1x1024xf32>
    %slice3A_90 = vector.extract_strided_slice %mul3A {offsets = [11, 0], sizes = [1, 1024], strides = [1, 1]} : vector<34x1024xf32> to vector<1x1024xf32>
    %slice3A_91 = vector.extract_strided_slice %mul3A {offsets = [13, 0], sizes = [1, 1024], strides = [1, 1]} : vector<34x1024xf32> to vector<1x1024xf32>
    %slice3A_92 = vector.extract_strided_slice %mul3A {offsets = [15, 0], sizes = [1, 1024], strides = [1, 1]} : vector<34x1024xf32> to vector<1x1024xf32>
    %slice3A_93 = vector.extract_strided_slice %mul3A {offsets = [17, 0], sizes = [1, 1024], strides = [1, 1]} : vector<34x1024xf32> to vector<1x1024xf32>
    %slice3A_94 = vector.extract_strided_slice %mul3A {offsets = [19, 0], sizes = [1, 1024], strides = [1, 1]} : vector<34x1024xf32> to vector<1x1024xf32>
    %slice3A_95 = vector.extract_strided_slice %mul3A {offsets = [21, 0], sizes = [1, 1024], strides = [1, 1]} : vector<34x1024xf32> to vector<1x1024xf32>
    %slice3A_96 = vector.extract_strided_slice %mul3A {offsets = [23, 0], sizes = [1, 1024], strides = [1, 1]} : vector<34x1024xf32> to vector<1x1024xf32>
    %slice3A_97 = vector.extract_strided_slice %mul3A {offsets = [25, 0], sizes = [1, 1024], strides = [1, 1]} : vector<34x1024xf32> to vector<1x1024xf32>
    %slice3A_98 = vector.extract_strided_slice %mul3A {offsets = [27, 0], sizes = [1, 1024], strides = [1, 1]} : vector<34x1024xf32> to vector<1x1024xf32>
    %slice3A_99 = vector.extract_strided_slice %mul3A {offsets = [29, 0], sizes = [1, 1024], strides = [1, 1]} : vector<34x1024xf32> to vector<1x1024xf32>
    %slice3A_100 = vector.extract_strided_slice %mul3A {offsets = [31, 0], sizes = [1, 1024], strides = [1, 1]} : vector<34x1024xf32> to vector<1x1024xf32>
    %slice3A_101 = vector.extract_strided_slice %mul3A {offsets = [33, 0], sizes = [1, 1024], strides = [1, 1]} : vector<34x1024xf32> to vector<1x1024xf32>
    %concatenate3A_102 = tpu.concatenate %slice3A_85, %slice3A_86, %slice3A_87, %slice3A_88, %slice3A_89, %slice3A_90, %slice3A_91, %slice3A_92, %slice3A_93, %slice3A_94, %slice3A_95, %slice3A_96, %slice3A_97, %slice3A_98, %slice3A_99, %slice3A_100, %slice3A_101 in 1 : vector<1x1024xf32>, vector<1x1024xf32>, vector<1x1024xf32>, vector<1x1024xf32>, vector<1x1024xf32>, vector<1x1024xf32>, vector<1x1024xf32>, vector<1x1024xf32>, vector<1x1024xf32>, vector<1x1024xf32>, vector<1x1024xf32>, vector<1x1024xf32>, vector<1x1024xf32>, vector<1x1024xf32>, vector<1x1024xf32>, vector<1x1024xf32>, vector<1x1024xf32> -> vector<1x17408xf32>
    %slice3A_103 = vector.extract_strided_slice %get3A_4 {offsets = [0, 0], sizes = [1, 1024], strides = [1, 1]} : vector<17x1024xf32> to vector<1x1024xf32>
    %slice3A_104 = vector.extract_strided_slice %get3A_4 {offsets = [1, 0], sizes = [1, 1024], strides = [1, 1]} : vector<17x1024xf32> to vector<1x1024xf32>
    %slice3A_105 = vector.extract_strided_slice %get3A_4 {offsets = [2, 0], sizes = [1, 1024], strides = [1, 1]} : vector<17x1024xf32> to vector<1x1024xf32>
    %slice3A_106 = vector.extract_strided_slice %get3A_4 {offsets = [3, 0], sizes = [1, 1024], strides = [1, 1]} : vector<17x1024xf32> to vector<1x1024xf32>
    %slice3A_107 = vector.extract_strided_slice %get3A_4 {offsets = [4, 0], sizes = [1, 1024], strides = [1, 1]} : vector<17x1024xf32> to vector<1x1024xf32>
    %slice3A_108 = vector.extract_strided_slice %get3A_4 {offsets = [5, 0], sizes = [1, 1024], strides = [1, 1]} : vector<17x1024xf32> to vector<1x1024xf32>
    %slice3A_109 = vector.extract_strided_slice %get3A_4 {offsets = [6, 0], sizes = [1, 1024], strides = [1, 1]} : vector<17x1024xf32> to vector<1x1024xf32>
    %slice3A_110 = vector.extract_strided_slice %get3A_4 {offsets = [7, 0], sizes = [1, 1024], strides = [1, 1]} : vector<17x1024xf32> to vector<1x1024xf32>
    %slice3A_111 = vector.extract_strided_slice %get3A_4 {offsets = [8, 0], sizes = [1, 1024], strides = [1, 1]} : vector<17x1024xf32> to vector<1x1024xf32>
    %slice3A_112 = vector.extract_strided_slice %get3A_4 {offsets = [9, 0], sizes = [1, 1024], strides = [1, 1]} : vector<17x1024xf32> to vector<1x1024xf32>
    %slice3A_113 = vector.extract_strided_slice %get3A_4 {offsets = [10, 0], sizes = [1, 1024], strides = [1, 1]} : vector<17x1024xf32> to vector<1x1024xf32>
    %slice3A_114 = vector.extract_strided_slice %get3A_4 {offsets = [11, 0], sizes = [1, 1024], strides = [1, 1]} : vector<17x1024xf32> to vector<1x1024xf32>
    %slice3A_115 = vector.extract_strided_slice %get3A_4 {offsets = [12, 0], sizes = [1, 1024], strides = [1, 1]} : vector<17x1024xf32> to vector<1x1024xf32>
    %slice3A_116 = vector.extract_strided_slice %get3A_4 {offsets = [13, 0], sizes = [1, 1024], strides = [1, 1]} : vector<17x1024xf32> to vector<1x1024xf32>
    %slice3A_117 = vector.extract_strided_slice %get3A_4 {offsets = [14, 0], sizes = [1, 1024], strides = [1, 1]} : vector<17x1024xf32> to vector<1x1024xf32>
    %slice3A_118 = vector.extract_strided_slice %get3A_4 {offsets = [15, 0], sizes = [1, 1024], strides = [1, 1]} : vector<17x1024xf32> to vector<1x1024xf32>
    %slice3A_119 = vector.extract_strided_slice %get3A_4 {offsets = [16, 0], sizes = [1, 1024], strides = [1, 1]} : vector<17x1024xf32> to vector<1x1024xf32>
    %concatenate3A_120 = tpu.concatenate %slice3A_103, %slice3A_104, %slice3A_105, %slice3A_106, %slice3A_107, %slice3A_108, %slice3A_109, %slice3A_110, %slice3A_111, %slice3A_112, %slice3A_113, %slice3A_114, %slice3A_115, %slice3A_116, %slice3A_117, %slice3A_118, %slice3A_119 in 1 : vector<1x1024xf32>, vector<1x1024xf32>, vector<1x1024xf32>, vector<1x1024xf32>, vector<1x1024xf32>, vector<1x1024xf32>, vector<1x1024xf32>, vector<1x1024xf32>, vector<1x1024xf32>, vector<1x1024xf32>, vector<1x1024xf32>, vector<1x1024xf32>, vector<1x1024xf32>, vector<1x1024xf32>, vector<1x1024xf32>, vector<1x1024xf32>, vector<1x1024xf32> -> vector<1x17408xf32>
    %broadcast_in_dim3A_121 = arith.constant 1.000000e+00 : f32
    %broadcast_in_dim3A_122 = vector.broadcast %broadcast_in_dim3A_121 : f32 to vector<1x17408xf32>
    %concatenate3A_123 = tpu.concatenate %concatenate3A, %concatenate3A_102, %concatenate3A_120, %broadcast_in_dim3A_122 in 0 : vector<1x17408xf32>, vector<1x17408xf32>, vector<1x17408xf32>, vector<1x17408xf32> -> vector<4x17408xf32>
    %get3A_124 = arith.constant 0 : index
    %get3A_125 = arith.constant 0 : index
    %get3A_126 = vector.load %arg5[%get3A_124, %get3A_125] : memref<64x128xf32, #tpu.memory_space<vmem>>, vector<64x128xf32>
    %slice3A_127 = vector.extract_strided_slice %get3A_126 {offsets = [0, 64], sizes = [64, 64], strides = [1, 1]} : vector<64x128xf32> to vector<64x64xf32>
    %slice3A_128 = vector.extract_strided_slice %get3A_126 {offsets = [0, 0], sizes = [64, 64], strides = [1, 1]} : vector<64x128xf32> to vector<64x64xf32>
    %sub3A_129 = arith.subf %slice3A_128, %slice3A_127 : vector<64x64xf32>
    %get3A_130 = arith.constant 0 : index
    %get3A_131 = arith.constant 0 : index
    %get3A_132 = vector.load %arg6[%get3A_130, %get3A_131] : memref<64x1xf32, #tpu.memory_space<vmem>>, vector<64x1xf32>
    %concatenate3A_133 = tpu.concatenate %sub3A_129, %get3A_132 in 1 : vector<64x64xf32>, vector<64x1xf32> -> vector<64x65xf32>
    %get3A_134 = arith.constant 0 : index
    %get3A_135 = arith.constant 0 : index
    %get3A_136 = vector.load %arg2[%get3A_134, %get3A_135] : memref<64x4xf32, #tpu.memory_space<vmem>>, vector<64x4xf32>
    %dot_general3A = arith.constant dense<0.000000e+00> : vector<64x17408xf32>
    %dot_general3A_137 = tpu.matmul %get3A_136, %concatenate3A_123, %dot_general3A {dimension_numbers = #tpu.dot_dimension_numbers<[1], [0], [0], [1], [0, 0, 1, 1], [], []>, transpose_lhs_hint = false} : vector<64x4xf32>, vector<4x17408xf32>, vector<64x17408xf32> -> vector<64x17408xf32>
    %max3A = arith.constant 0.000000e+00 : f32
    %max3A_138 = vector.broadcast %max3A : f32 to vector<64x17408xf32>
    %max3A_139 = arith.maximumf %dot_general3A_137, %max3A_138 : vector<64x17408xf32>
    %mul3A_140 = vector.broadcast %concatenate3A_120 : vector<1x17408xf32> to vector<64x17408xf32>
    %mul3A_141 = arith.mulf %max3A_139, %mul3A_140 : vector<64x17408xf32>
    %slice3A_142 = vector.extract_strided_slice %mul3A_141 {offsets = [0, 0], sizes = [64, 1024], strides = [1, 1]} : vector<64x17408xf32> to vector<64x1024xf32>
    %slice3A_143 = vector.extract_strided_slice %mul3A_141 {offsets = [0, 5120], sizes = [64, 1024], strides = [1, 1]} : vector<64x17408xf32> to vector<64x1024xf32>
    %slice3A_144 = vector.extract_strided_slice %mul3A_141 {offsets = [0, 6144], sizes = [64, 1024], strides = [1, 1]} : vector<64x17408xf32> to vector<64x1024xf32>
    %slice3A_145 = vector.extract_strided_slice %mul3A_141 {offsets = [0, 11264], sizes = [64, 1024], strides = [1, 1]} : vector<64x17408xf32> to vector<64x1024xf32>
    %slice3A_146 = vector.extract_strided_slice %mul3A_141 {offsets = [0, 12288], sizes = [64, 1024], strides = [1, 1]} : vector<64x17408xf32> to vector<64x1024xf32>
    %add3A_147 = arith.addf %slice3A_142, %slice3A_143 : vector<64x1024xf32>
    %add3A_148 = arith.addf %add3A_147, %slice3A_144 : vector<64x1024xf32>
    %add3A_149 = arith.addf %add3A_148, %slice3A_145 : vector<64x1024xf32>
    %add3A_150 = arith.addf %add3A_149, %slice3A_146 : vector<64x1024xf32>
    %concatenate3A_151 = tpu.concatenate %mul3A_141, %broadcast_in_dim3A_122 in 0 : vector<64x17408xf32>, vector<1x17408xf32> -> vector<65x17408xf32>
    %dot_general3A_152 = arith.constant dense<0.000000e+00> : vector<64x17408xf32>
    %dot_general3A_153 = tpu.matmul %slice3A_127, %mul3A_141, %dot_general3A_152 {dimension_numbers = #tpu.dot_dimension_numbers<[1], [0], [0], [1], [0, 0, 1, 1], [], []>, transpose_lhs_hint = false} : vector<64x64xf32>, vector<64x17408xf32>, vector<64x17408xf32> -> vector<64x17408xf32>
    %dot_general3A_154 = arith.constant dense<0.000000e+00> : vector<64x17408xf32>
    %dot_general3A_155 = tpu.matmul %concatenate3A_133, %concatenate3A_151, %dot_general3A_154 {dimension_numbers = #tpu.dot_dimension_numbers<[1], [0], [0], [1], [0, 0, 1, 1], [], []>, transpose_lhs_hint = false} : vector<64x65xf32>, vector<65x17408xf32>, vector<64x17408xf32> -> vector<64x17408xf32>
    %slice3A_156 = vector.extract_strided_slice %dot_general3A_153 {offsets = [0, 0], sizes = [64, 1024], strides = [1, 1]} : vector<64x17408xf32> to vector<64x1024xf32>
    %transpose3A = tpu.transpose %slice3A_156, [1, 0] : vector<64x1024xf32> -> vector<1024x64xf32>
    %slice3A_157 = vector.extract_strided_slice %dot_general3A_153 {offsets = [0, 5120], sizes = [64, 1024], strides = [1, 1]} : vector<64x17408xf32> to vector<64x1024xf32>
    %transpose3A_158 = tpu.transpose %slice3A_157, [1, 0] : vector<64x1024xf32> -> vector<1024x64xf32>
    %slice3A_159 = vector.extract_strided_slice %dot_general3A_153 {offsets = [0, 6144], sizes = [64, 1024], strides = [1, 1]} : vector<64x17408xf32> to vector<64x1024xf32>
    %transpose3A_160 = tpu.transpose %slice3A_159, [1, 0] : vector<64x1024xf32> -> vector<1024x64xf32>
    %slice3A_161 = vector.extract_strided_slice %dot_general3A_153 {offsets = [0, 7168], sizes = [64, 1024], strides = [1, 1]} : vector<64x17408xf32> to vector<64x1024xf32>
    %transpose3A_162 = tpu.transpose %slice3A_161, [1, 0] : vector<64x1024xf32> -> vector<1024x64xf32>
    %slice3A_163 = vector.extract_strided_slice %dot_general3A_153 {offsets = [0, 8192], sizes = [64, 1024], strides = [1, 1]} : vector<64x17408xf32> to vector<64x1024xf32>
    %transpose3A_164 = tpu.transpose %slice3A_163, [1, 0] : vector<64x1024xf32> -> vector<1024x64xf32>
    %slice3A_165 = vector.extract_strided_slice %dot_general3A_153 {offsets = [0, 11264], sizes = [64, 1024], strides = [1, 1]} : vector<64x17408xf32> to vector<64x1024xf32>
    %transpose3A_166 = tpu.transpose %slice3A_165, [1, 0] : vector<64x1024xf32> -> vector<1024x64xf32>
    %slice3A_167 = vector.extract_strided_slice %dot_general3A_153 {offsets = [0, 12288], sizes = [64, 1024], strides = [1, 1]} : vector<64x17408xf32> to vector<64x1024xf32>
    %transpose3A_168 = tpu.transpose %slice3A_167, [1, 0] : vector<64x1024xf32> -> vector<1024x64xf32>
    %slice3A_169 = vector.extract_strided_slice %dot_general3A_153 {offsets = [0, 13312], sizes = [64, 1024], strides = [1, 1]} : vector<64x17408xf32> to vector<64x1024xf32>
    %transpose3A_170 = tpu.transpose %slice3A_169, [1, 0] : vector<64x1024xf32> -> vector<1024x64xf32>
    %slice3A_171 = vector.extract_strided_slice %dot_general3A_153 {offsets = [0, 14336], sizes = [64, 1024], strides = [1, 1]} : vector<64x17408xf32> to vector<64x1024xf32>
    %transpose3A_172 = tpu.transpose %slice3A_171, [1, 0] : vector<64x1024xf32> -> vector<1024x64xf32>
    %concatenate3A_173 = tpu.concatenate %transpose3A, %transpose3A_158, %transpose3A_160, %transpose3A_162, %transpose3A_164, %transpose3A_166, %transpose3A_168, %transpose3A_170, %transpose3A_172 in 1 : vector<1024x64xf32>, vector<1024x64xf32>, vector<1024x64xf32>, vector<1024x64xf32>, vector<1024x64xf32>, vector<1024x64xf32>, vector<1024x64xf32>, vector<1024x64xf32>, vector<1024x64xf32> -> vector<1024x576xf32>
    %swap3A = arith.constant 0 : index
    %swap3A_174 = arith.constant 0 : index
    %swap3A_175 = arith.constant 0 : index
    %swap3A_176 = vector.load %arg7[%swap3A, %swap3A_174, %swap3A_175] : memref<3x1024x1088xf32, #tpu.memory_space<vmem>>, vector<1x1024x576xf32>
    %swap3A_177 = vector.shape_cast %swap3A_176 : vector<1x1024x576xf32> to vector<1024x576xf32>
    %swap3A_178 = vector.shape_cast %concatenate3A_173 : vector<1024x576xf32> to vector<1x1024x576xf32>
    tpu.vector_store %arg7[%swap3A, %swap3A_174, %swap3A_175], %swap3A_178 {strides = array<i32>} : memref<3x1024x1088xf32, #tpu.memory_space<vmem>>, vector<1x1024x576xf32>,
    %slice3A_179 = vector.extract_strided_slice %dot_general3A_155 {offsets = [0, 0], sizes = [64, 1024], strides = [1, 1]} : vector<64x17408xf32> to vector<64x1024xf32>
    %transpose3A_180 = tpu.transpose %slice3A_179, [1, 0] : vector<64x1024xf32> -> vector<1024x64xf32>
    %slice3A_181 = vector.extract_strided_slice %dot_general3A_155 {offsets = [0, 5120], sizes = [64, 1024], strides = [1, 1]} : vector<64x17408xf32> to vector<64x1024xf32>
    %transpose3A_182 = tpu.transpose %slice3A_181, [1, 0] : vector<64x1024xf32> -> vector<1024x64xf32>
    %slice3A_183 = vector.extract_strided_slice %dot_general3A_155 {offsets = [0, 6144], sizes = [64, 1024], strides = [1, 1]} : vector<64x17408xf32> to vector<64x1024xf32>
    %transpose3A_184 = tpu.transpose %slice3A_183, [1, 0] : vector<64x1024xf32> -> vector<1024x64xf32>
    %slice3A_185 = vector.extract_strided_slice %dot_general3A_155 {offsets = [0, 11264], sizes = [64, 1024], strides = [1, 1]} : vector<64x17408xf32> to vector<64x1024xf32>
    %transpose3A_186 = tpu.transpose %slice3A_185, [1, 0] : vector<64x1024xf32> -> vector<1024x64xf32>
    %slice3A_187 = vector.extract_strided_slice %dot_general3A_155 {offsets = [0, 12288], sizes = [64, 1024], strides = [1, 1]} : vector<64x17408xf32> to vector<64x1024xf32>
    %transpose3A_188 = tpu.transpose %slice3A_187, [1, 0] : vector<64x1024xf32> -> vector<1024x64xf32>
    %concatenate3A_189 = tpu.concatenate %transpose3A_180, %transpose3A_182, %transpose3A_184, %transpose3A_186, %transpose3A_188 in 1 : vector<1024x64xf32>, vector<1024x64xf32>, vector<1024x64xf32>, vector<1024x64xf32>, vector<1024x64xf32> -> vector<1024x320xf32>
    %swap3A_190 = arith.constant 0 : index
    %swap3A_191 = arith.constant 0 : index
    %swap3A_192 = arith.constant 0 : index
    %swap3A_193 = vector.load %arg8[%swap3A_190, %swap3A_191, %swap3A_192] : memref<3x1024x320xf32, #tpu.memory_space<vmem>>, vector<1x1024x320xf32>
    %swap3A_194 = vector.shape_cast %swap3A_193 : vector<1x1024x320xf32> to vector<1024x320xf32>
    %swap3A_195 = vector.shape_cast %concatenate3A_189 : vector<1024x320xf32> to vector<1x1024x320xf32>
    tpu.vector_store %arg8[%swap3A_190, %swap3A_191, %swap3A_192], %swap3A_195 {strides = array<i32>} : memref<3x1024x320xf32, #tpu.memory_space<vmem>>, vector<1x1024x320xf32>,
    %swap3A_196 = arith.constant 0 : index
    %swap3A_197 = arith.constant 0 : index
    %swap3A_198 = vector.load %arg9[%swap3A_196, %swap3A_197] : memref<192x1024xf32, #tpu.memory_space<vmem>>, vector<64x1024xf32>
    tpu.vector_store %arg9[%swap3A_196, %swap3A_197], %add3A_150 {strides = array<i32>} : memref<192x1024xf32, #tpu.memory_space<vmem>>, vector<64x1024xf32>,
    %get3A_199 = arith.constant 0 : index
    %get3A_200 = arith.constant 0 : index
    %get3A_201 = vector.load %arg3[%get3A_199, %get3A_200] : memref<64x4xf32, #tpu.memory_space<vmem>>, vector<64x4xf32>
    %dot_general3A_202 = arith.constant dense<0.000000e+00> : vector<64x17408xf32>
    %dot_general3A_203 = tpu.matmul %get3A_201, %concatenate3A_123, %dot_general3A_202 {dimension_numbers = #tpu.dot_dimension_numbers<[1], [0], [0], [1], [0, 0, 1, 1], [], []>, transpose_lhs_hint = false} : vector<64x4xf32>, vector<4x17408xf32>, vector<64x17408xf32> -> vector<64x17408xf32>
    %max3A_204 = arith.constant 0.000000e+00 : f32
    %max3A_205 = vector.broadcast %max3A_204 : f32 to vector<64x17408xf32>
    %max3A_206 = arith.maximumf %dot_general3A_203, %max3A_205 : vector<64x17408xf32>
    %mul3A_207 = vector.broadcast %concatenate3A_120 : vector<1x17408xf32> to vector<64x17408xf32>
    %mul3A_208 = arith.mulf %max3A_206, %mul3A_207 : vector<64x17408xf32>
    %slice3A_209 = vector.extract_strided_slice %mul3A_208 {offsets = [0, 7168], sizes = [64, 1024], strides = [1, 1]} : vector<64x17408xf32> to vector<64x1024xf32>
    %slice3A_210 = vector.extract_strided_slice %mul3A_208 {offsets = [0, 8192], sizes = [64, 1024], strides = [1, 1]} : vector<64x17408xf32> to vector<64x1024xf32>
    %slice3A_211 = vector.extract_strided_slice %mul3A_208 {offsets = [0, 13312], sizes = [64, 1024], strides = [1, 1]} : vector<64x17408xf32> to vector<64x1024xf32>
    %slice3A_212 = vector.extract_strided_slice %mul3A_208 {offsets = [0, 14336], sizes = [64, 1024], strides = [1, 1]} : vector<64x17408xf32> to vector<64x1024xf32>
    %add3A_213 = arith.addf %slice3A_209, %slice3A_210 : vector<64x1024xf32>
    %add3A_214 = arith.addf %add3A_213, %slice3A_211 : vector<64x1024xf32>
    %add3A_215 = arith.addf %add3A_214, %slice3A_212 : vector<64x1024xf32>
    %concatenate3A_216 = tpu.concatenate %mul3A_208, %broadcast_in_dim3A_122 in 0 : vector<64x17408xf32>, vector<1x17408xf32> -> vector<65x17408xf32>
    %dot_general3A_217 = arith.constant dense<0.000000e+00> : vector<64x17408xf32>
    %dot_general3A_218 = tpu.matmul %slice3A_127, %mul3A_208, %dot_general3A_217 {dimension_numbers = #tpu.dot_dimension_numbers<[1], [0], [0], [1], [0, 0, 1, 1], [], []>, transpose_lhs_hint = false} : vector<64x64xf32>, vector<64x17408xf32>, vector<64x17408xf32> -> vector<64x17408xf32>
    %dot_general3A_219 = arith.constant dense<0.000000e+00> : vector<64x17408xf32>
    %dot_general3A_220 = tpu.matmul %concatenate3A_133, %concatenate3A_216, %dot_general3A_219 {dimension_numbers = #tpu.dot_dimension_numbers<[1], [0], [0], [1], [0, 0, 1, 1], [], []>, transpose_lhs_hint = false} : vector<64x65xf32>, vector<65x17408xf32>, vector<64x17408xf32> -> vector<64x17408xf32>
    %slice3A_221 = vector.extract_strided_slice %dot_general3A_218 {offsets = [0, 0], sizes = [64, 1024], strides = [1, 1]} : vector<64x17408xf32> to vector<64x1024xf32>
    %transpose3A_222 = tpu.transpose %slice3A_221, [1, 0] : vector<64x1024xf32> -> vector<1024x64xf32>
    %slice3A_223 = vector.extract_strided_slice %dot_general3A_218 {offsets = [0, 5120], sizes = [64, 1024], strides = [1, 1]} : vector<64x17408xf32> to vector<64x1024xf32>
    %transpose3A_224 = tpu.transpose %slice3A_223, [1, 0] : vector<64x1024xf32> -> vector<1024x64xf32>
    %slice3A_225 = vector.extract_strided_slice %dot_general3A_218 {offsets = [0, 6144], sizes = [64, 1024], strides = [1, 1]} : vector<64x17408xf32> to vector<64x1024xf32>
    %transpose3A_226 = tpu.transpose %slice3A_225, [1, 0] : vector<64x1024xf32> -> vector<1024x64xf32>
    %slice3A_227 = vector.extract_strided_slice %dot_general3A_218 {offsets = [0, 7168], sizes = [64, 1024], strides = [1, 1]} : vector<64x17408xf32> to vector<64x1024xf32>
    %transpose3A_228 = tpu.transpose %slice3A_227, [1, 0] : vector<64x1024xf32> -> vector<1024x64xf32>
    %slice3A_229 = vector.extract_strided_slice %dot_general3A_218 {offsets = [0, 8192], sizes = [64, 1024], strides = [1, 1]} : vector<64x17408xf32> to vector<64x1024xf32>
    %transpose3A_230 = tpu.transpose %slice3A_229, [1, 0] : vector<64x1024xf32> -> vector<1024x64xf32>
    %slice3A_231 = vector.extract_strided_slice %dot_general3A_218 {offsets = [0, 9216], sizes = [64, 1024], strides = [1, 1]} : vector<64x17408xf32> to vector<64x1024xf32>
    %transpose3A_232 = tpu.transpose %slice3A_231, [1, 0] : vector<64x1024xf32> -> vector<1024x64xf32>
    %slice3A_233 = vector.extract_strided_slice %dot_general3A_218 {offsets = [0, 10240], sizes = [64, 1024], strides = [1, 1]} : vector<64x17408xf32> to vector<64x1024xf32>
    %transpose3A_234 = tpu.transpose %slice3A_233, [1, 0] : vector<64x1024xf32> -> vector<1024x64xf32>
    %slice3A_235 = vector.extract_strided_slice %dot_general3A_218 {offsets = [0, 11264], sizes = [64, 1024], strides = [1, 1]} : vector<64x17408xf32> to vector<64x1024xf32>
    %transpose3A_236 = tpu.transpose %slice3A_235, [1, 0] : vector<64x1024xf32> -> vector<1024x64xf32>
    %slice3A_237 = vector.extract_strided_slice %dot_general3A_218 {offsets = [0, 12288], sizes = [64, 1024], strides = [1, 1]} : vector<64x17408xf32> to vector<64x1024xf32>
    %transpose3A_238 = tpu.transpose %slice3A_237, [1, 0] : vector<64x1024xf32> -> vector<1024x64xf32>
    %slice3A_239 = vector.extract_strided_slice %dot_general3A_218 {offsets = [0, 13312], sizes = [64, 1024], strides = [1, 1]} : vector<64x17408xf32> to vector<64x1024xf32>
    %transpose3A_240 = tpu.transpose %slice3A_239, [1, 0] : vector<64x1024xf32> -> vector<1024x64xf32>
    %slice3A_241 = vector.extract_strided_slice %dot_general3A_218 {offsets = [0, 14336], sizes = [64, 1024], strides = [1, 1]} : vector<64x17408xf32> to vector<64x1024xf32>
    %transpose3A_242 = tpu.transpose %slice3A_241, [1, 0] : vector<64x1024xf32> -> vector<1024x64xf32>
    %slice3A_243 = vector.extract_strided_slice %dot_general3A_218 {offsets = [0, 15360], sizes = [64, 1024], strides = [1, 1]} : vector<64x17408xf32> to vector<64x1024xf32>
    %transpose3A_244 = tpu.transpose %slice3A_243, [1, 0] : vector<64x1024xf32> -> vector<1024x64xf32>
    %slice3A_245 = vector.extract_strided_slice %dot_general3A_218 {offsets = [0, 16384], sizes = [64, 1024], strides = [1, 1]} : vector<64x17408xf32> to vector<64x1024xf32>
    %transpose3A_246 = tpu.transpose %slice3A_245, [1, 0] : vector<64x1024xf32> -> vector<1024x64xf32>
    %concatenate3A_247 = tpu.concatenate %transpose3A_222, %transpose3A_224, %transpose3A_226, %transpose3A_228, %transpose3A_230, %transpose3A_232, %transpose3A_234, %transpose3A_236, %transpose3A_238, %transpose3A_240, %transpose3A_242, %transpose3A_244, %transpose3A_246 in 1 : vector<1024x64xf32>, vector<1024x64xf32>, vector<1024x64xf32>, vector<1024x64xf32>, vector<1024x64xf32>, vector<1024x64xf32>, vector<1024x64xf32>, vector<1024x64xf32>, vector<1024x64xf32>, vector<1024x64xf32>, vector<1024x64xf32>, vector<1024x64xf32>, vector<1024x64xf32> -> vector<1024x832xf32>
    %swap3A_248 = arith.constant 1 : index
    %swap3A_249 = arith.constant 0 : index
    %swap3A_250 = arith.constant 0 : index
    %swap3A_251 = vector.load %arg7[%swap3A_248, %swap3A_249, %swap3A_250] : memref<3x1024x1088xf32, #tpu.memory_space<vmem>>, vector<1x1024x832xf32>
    %swap3A_252 = vector.shape_cast %swap3A_251 : vector<1x1024x832xf32> to vector<1024x832xf32>
    %swap3A_253 = vector.shape_cast %concatenate3A_247 : vector<1024x832xf32> to vector<1x1024x832xf32>
    tpu.vector_store %arg7[%swap3A_248, %swap3A_249, %swap3A_250], %swap3A_253 {strides = array<i32>} : memref<3x1024x1088xf32, #tpu.memory_space<vmem>>, vector<1x1024x832xf32>,
    %slice3A_254 = vector.extract_strided_slice %dot_general3A_220 {offsets = [0, 7168], sizes = [64, 1024], strides = [1, 1]} : vector<64x17408xf32> to vector<64x1024xf32>
    %transpose3A_255 = tpu.transpose %slice3A_254, [1, 0] : vector<64x1024xf32> -> vector<1024x64xf32>
    %slice3A_256 = vector.extract_strided_slice %dot_general3A_220 {offsets = [0, 8192], sizes = [64, 1024], strides = [1, 1]} : vector<64x17408xf32> to vector<64x1024xf32>
    %transpose3A_257 = tpu.transpose %slice3A_256, [1, 0] : vector<64x1024xf32> -> vector<1024x64xf32>
    %slice3A_258 = vector.extract_strided_slice %dot_general3A_220 {offsets = [0, 13312], sizes = [64, 1024], strides = [1, 1]} : vector<64x17408xf32> to vector<64x1024xf32>
    %transpose3A_259 = tpu.transpose %slice3A_258, [1, 0] : vector<64x1024xf32> -> vector<1024x64xf32>
    %slice3A_260 = vector.extract_strided_slice %dot_general3A_220 {offsets = [0, 14336], sizes = [64, 1024], strides = [1, 1]} : vector<64x17408xf32> to vector<64x1024xf32>
    %transpose3A_261 = tpu.transpose %slice3A_260, [1, 0] : vector<64x1024xf32> -> vector<1024x64xf32>
    %concatenate3A_262 = tpu.concatenate %transpose3A_255, %transpose3A_257, %transpose3A_259, %transpose3A_261 in 1 : vector<1024x64xf32>, vector<1024x64xf32>, vector<1024x64xf32>, vector<1024x64xf32> -> vector<1024x256xf32>
    %swap3A_263 = arith.constant 1 : index
    %swap3A_264 = arith.constant 0 : index
    %swap3A_265 = arith.constant 0 : index
    %swap3A_266 = vector.load %arg8[%swap3A_263, %swap3A_264, %swap3A_265] : memref<3x1024x320xf32, #tpu.memory_space<vmem>>, vector<1x1024x256xf32>
    %swap3A_267 = vector.shape_cast %swap3A_266 : vector<1x1024x256xf32> to vector<1024x256xf32>
    %swap3A_268 = vector.shape_cast %concatenate3A_262 : vector<1024x256xf32> to vector<1x1024x256xf32>
    tpu.vector_store %arg8[%swap3A_263, %swap3A_264, %swap3A_265], %swap3A_268 {strides = array<i32>} : memref<3x1024x320xf32, #tpu.memory_space<vmem>>, vector<1x1024x256xf32>,
    %swap3A_269 = arith.constant 64 : index
    %swap3A_270 = arith.constant 0 : index
    %swap3A_271 = vector.load %arg9[%swap3A_269, %swap3A_270] : memref<192x1024xf32, #tpu.memory_space<vmem>>, vector<64x1024xf32>
    tpu.vector_store %arg9[%swap3A_269, %swap3A_270], %add3A_215 {strides = array<i32>} : memref<192x1024xf32, #tpu.memory_space<vmem>>, vector<64x1024xf32>,
    %get3A_272 = arith.constant 0 : index
    %get3A_273 = arith.constant 0 : index
    %get3A_274 = vector.load %arg4[%get3A_272, %get3A_273] : memref<64x4xf32, #tpu.memory_space<vmem>>, vector<64x4xf32>
    %dot_general3A_275 = arith.constant dense<0.000000e+00> : vector<64x17408xf32>
    %dot_general3A_276 = tpu.matmul %get3A_274, %concatenate3A_123, %dot_general3A_275 {dimension_numbers = #tpu.dot_dimension_numbers<[1], [0], [0], [1], [0, 0, 1, 1], [], []>, transpose_lhs_hint = false} : vector<64x4xf32>, vector<4x17408xf32>, vector<64x17408xf32> -> vector<64x17408xf32>
    %max3A_277 = arith.constant 0.000000e+00 : f32
    %max3A_278 = vector.broadcast %max3A_277 : f32 to vector<64x17408xf32>
    %max3A_279 = arith.maximumf %dot_general3A_276, %max3A_278 : vector<64x17408xf32>
    %mul3A_280 = vector.broadcast %concatenate3A_120 : vector<1x17408xf32> to vector<64x17408xf32>
    %mul3A_281 = arith.mulf %max3A_279, %mul3A_280 : vector<64x17408xf32>
    %slice3A_282 = vector.extract_strided_slice %mul3A_281 {offsets = [0, 9216], sizes = [64, 1024], strides = [1, 1]} : vector<64x17408xf32> to vector<64x1024xf32>
    %slice3A_283 = vector.extract_strided_slice %mul3A_281 {offsets = [0, 10240], sizes = [64, 1024], strides = [1, 1]} : vector<64x17408xf32> to vector<64x1024xf32>
    %slice3A_284 = vector.extract_strided_slice %mul3A_281 {offsets = [0, 15360], sizes = [64, 1024], strides = [1, 1]} : vector<64x17408xf32> to vector<64x1024xf32>
    %slice3A_285 = vector.extract_strided_slice %mul3A_281 {offsets = [0, 16384], sizes = [64, 1024], strides = [1, 1]} : vector<64x17408xf32> to vector<64x1024xf32>
    %add3A_286 = arith.addf %slice3A_282, %slice3A_283 : vector<64x1024xf32>
    %add3A_287 = arith.addf %add3A_286, %slice3A_284 : vector<64x1024xf32>
    %add3A_288 = arith.addf %add3A_287, %slice3A_285 : vector<64x1024xf32>
    %concatenate3A_289 = tpu.concatenate %mul3A_281, %broadcast_in_dim3A_122 in 0 : vector<64x17408xf32>, vector<1x17408xf32> -> vector<65x17408xf32>
    %dot_general3A_290 = arith.constant dense<0.000000e+00> : vector<64x17408xf32>
    %dot_general3A_291 = tpu.matmul %slice3A_127, %mul3A_281, %dot_general3A_290 {dimension_numbers = #tpu.dot_dimension_numbers<[1], [0], [0], [1], [0, 0, 1, 1], [], []>, transpose_lhs_hint = false} : vector<64x64xf32>, vector<64x17408xf32>, vector<64x17408xf32> -> vector<64x17408xf32>
    %dot_general3A_292 = arith.constant dense<0.000000e+00> : vector<64x17408xf32>
    %dot_general3A_293 = tpu.matmul %concatenate3A_133, %concatenate3A_289, %dot_general3A_292 {dimension_numbers = #tpu.dot_dimension_numbers<[1], [0], [0], [1], [0, 0, 1, 1], [], []>, transpose_lhs_hint = false} : vector<64x65xf32>, vector<65x17408xf32>, vector<64x17408xf32> -> vector<64x17408xf32>
    %slice3A_294 = vector.extract_strided_slice %dot_general3A_291 {offsets = [0, 7168], sizes = [64, 1024], strides = [1, 1]} : vector<64x17408xf32> to vector<64x1024xf32>
    %transpose3A_295 = tpu.transpose %slice3A_294, [1, 0] : vector<64x1024xf32> -> vector<1024x64xf32>
    %slice3A_296 = vector.extract_strided_slice %dot_general3A_291 {offsets = [0, 8192], sizes = [64, 1024], strides = [1, 1]} : vector<64x17408xf32> to vector<64x1024xf32>
    %transpose3A_297 = tpu.transpose %slice3A_296, [1, 0] : vector<64x1024xf32> -> vector<1024x64xf32>
    %slice3A_298 = vector.extract_strided_slice %dot_general3A_291 {offsets = [0, 9216], sizes = [64, 1024], strides = [1, 1]} : vector<64x17408xf32> to vector<64x1024xf32>
    %transpose3A_299 = tpu.transpose %slice3A_298, [1, 0] : vector<64x1024xf32> -> vector<1024x64xf32>
    %slice3A_300 = vector.extract_strided_slice %dot_general3A_291 {offsets = [0, 10240], sizes = [64, 1024], strides = [1, 1]} : vector<64x17408xf32> to vector<64x1024xf32>
    %transpose3A_301 = tpu.transpose %slice3A_300, [1, 0] : vector<64x1024xf32> -> vector<1024x64xf32>
    %slice3A_302 = vector.extract_strided_slice %dot_general3A_291 {offsets = [0, 13312], sizes = [64, 1024], strides = [1, 1]} : vector<64x17408xf32> to vector<64x1024xf32>
    %transpose3A_303 = tpu.transpose %slice3A_302, [1, 0] : vector<64x1024xf32> -> vector<1024x64xf32>
    %slice3A_304 = vector.extract_strided_slice %dot_general3A_291 {offsets = [0, 14336], sizes = [64, 1024], strides = [1, 1]} : vector<64x17408xf32> to vector<64x1024xf32>
    %transpose3A_305 = tpu.transpose %slice3A_304, [1, 0] : vector<64x1024xf32> -> vector<1024x64xf32>
    %slice3A_306 = vector.extract_strided_slice %dot_general3A_291 {offsets = [0, 15360], sizes = [64, 1024], strides = [1, 1]} : vector<64x17408xf32> to vector<64x1024xf32>
    %transpose3A_307 = tpu.transpose %slice3A_306, [1, 0] : vector<64x1024xf32> -> vector<1024x64xf32>
    %slice3A_308 = vector.extract_strided_slice %dot_general3A_291 {offsets = [0, 16384], sizes = [64, 1024], strides = [1, 1]} : vector<64x17408xf32> to vector<64x1024xf32>
    %transpose3A_309 = tpu.transpose %slice3A_308, [1, 0] : vector<64x1024xf32> -> vector<1024x64xf32>
    %concatenate3A_310 = tpu.concatenate %transpose3A_295, %transpose3A_297, %transpose3A_299, %transpose3A_301, %transpose3A_303, %transpose3A_305, %transpose3A_307, %transpose3A_309 in 1 : vector<1024x64xf32>, vector<1024x64xf32>, vector<1024x64xf32>, vector<1024x64xf32>, vector<1024x64xf32>, vector<1024x64xf32>, vector<1024x64xf32>, vector<1024x64xf32> -> vector<1024x512xf32>
    %swap3A_311 = arith.constant 2 : index
    %swap3A_312 = arith.constant 0 : index
    %swap3A_313 = arith.constant 0 : index
    %swap3A_314 = vector.load %arg7[%swap3A_311, %swap3A_312, %swap3A_313] : memref<3x1024x1088xf32, #tpu.memory_space<vmem>>, vector<1x1024x512xf32>
    %swap3A_315 = vector.shape_cast %swap3A_314 : vector<1x1024x512xf32> to vector<1024x512xf32>
    %swap3A_316 = vector.shape_cast %concatenate3A_310 : vector<1024x512xf32> to vector<1x1024x512xf32>
    tpu.vector_store %arg7[%swap3A_311, %swap3A_312, %swap3A_313], %swap3A_316 {strides = array<i32>} : memref<3x1024x1088xf32, #tpu.memory_space<vmem>>, vector<1x1024x512xf32>,
    %slice3A_317 = vector.extract_strided_slice %dot_general3A_293 {offsets = [0, 9216], sizes = [64, 1024], strides = [1, 1]} : vector<64x17408xf32> to vector<64x1024xf32>
    %transpose3A_318 = tpu.transpose %slice3A_317, [1, 0] : vector<64x1024xf32> -> vector<1024x64xf32>
    %slice3A_319 = vector.extract_strided_slice %dot_general3A_293 {offsets = [0, 10240], sizes = [64, 1024], strides = [1, 1]} : vector<64x17408xf32> to vector<64x1024xf32>
    %transpose3A_320 = tpu.transpose %slice3A_319, [1, 0] : vector<64x1024xf32> -> vector<1024x64xf32>
    %slice3A_321 = vector.extract_strided_slice %dot_general3A_293 {offsets = [0, 15360], sizes = [64, 1024], strides = [1, 1]} : vector<64x17408xf32> to vector<64x1024xf32>
    %transpose3A_322 = tpu.transpose %slice3A_321, [1, 0] : vector<64x1024xf32> -> vector<1024x64xf32>
    %slice3A_323 = vector.extract_strided_slice %dot_general3A_293 {offsets = [0, 16384], sizes = [64, 1024], strides = [1, 1]} : vector<64x17408xf32> to vector<64x1024xf32>
    %transpose3A_324 = tpu.transpose %slice3A_323, [1, 0] : vector<64x1024xf32> -> vector<1024x64xf32>
    %concatenate3A_325 = tpu.concatenate %transpose3A_318, %transpose3A_320, %transpose3A_322, %transpose3A_324 in 1 : vector<1024x64xf32>, vector<1024x64xf32>, vector<1024x64xf32>, vector<1024x64xf32> -> vector<1024x256xf32>
    %swap3A_326 = arith.constant 2 : index
    %swap3A_327 = arith.constant 0 : index
    %swap3A_328 = arith.constant 0 : index
    %swap3A_329 = vector.load %arg8[%swap3A_326, %swap3A_327, %swap3A_328] : memref<3x1024x320xf32, #tpu.memory_space<vmem>>, vector<1x1024x256xf32>
    %swap3A_330 = vector.shape_cast %swap3A_329 : vector<1x1024x256xf32> to vector<1024x256xf32>
    %swap3A_331 = vector.shape_cast %concatenate3A_325 : vector<1024x256xf32> to vector<1x1024x256xf32>
    tpu.vector_store %arg8[%swap3A_326, %swap3A_327, %swap3A_328], %swap3A_331 {strides = array<i32>} : memref<3x1024x320xf32, #tpu.memory_space<vmem>>, vector<1x1024x256xf32>,
    %swap3A_332 = arith.constant 128 : index
    %swap3A_333 = arith.constant 0 : index
    %swap3A_334 = vector.load %arg9[%swap3A_332, %swap3A_333] : memref<192x1024xf32, #tpu.memory_space<vmem>>, vector<64x1024xf32>
    tpu.vector_store %arg9[%swap3A_332, %swap3A_333], %add3A_288 {strides = array<i32>} : memref<192x1024xf32, #tpu.memory_space<vmem>>, vector<64x1024xf32>,
    return
  }
}

module attributes {stable_mosaic.version = 14 : i64} {
  func.func @_tc2_body(%arg0: memref<192x1024xf32, #tpu.memory_space<vmem>>, %arg1: memref<1024x192xf32, #tpu.memory_space<vmem>>, %arg2: memref<128x384xf32, #tpu.memory_space<vmem>>, %arg3: memref<128x1xf32, #tpu.memory_space<vmem>>, %arg4: memref<1024x128xf32, #tpu.memory_space<vmem>>) attributes {dimension_semantics = [], scalar_prefetch = 0 : i64, scratch_operands = 0 : i64, tpu.core_type = #tpu.core_type<tc>} {
    %get3A = arith.constant 0 : index
    %get3A_0 = arith.constant 0 : index
    %get3A_1 = vector.load %arg2[%get3A, %get3A_0] : memref<128x384xf32, #tpu.memory_space<vmem>>, vector<128x384xf32>
    %get3A_2 = arith.constant 0 : index
    %get3A_3 = arith.constant 0 : index
    %get3A_4 = vector.load %arg1[%get3A_2, %get3A_3] : memref<1024x192xf32, #tpu.memory_space<vmem>>, vector<1024x192xf32>
    %get3A_5 = arith.constant 0 : index
    %get3A_6 = arith.constant 0 : index
    %get3A_7 = vector.load %arg3[%get3A_5, %get3A_6] : memref<128x1xf32, #tpu.memory_space<vmem>>, vector<128x1xf32>
    %broadcast_in_dim3A = vector.shape_cast %get3A_7 : vector<128x1xf32> to vector<128x1xf32>
    %broadcast_in_dim3A_8 = vector.broadcast %broadcast_in_dim3A : vector<128x1xf32> to vector<128x1024xf32>
    %get3A_9 = arith.constant 0 : index
    %get3A_10 = arith.constant 0 : index
    %get3A_11 = vector.load %arg0[%get3A_9, %get3A_10] : memref<192x1024xf32, #tpu.memory_space<vmem>>, vector<64x1024xf32>
    %slice3A = vector.extract_strided_slice %get3A_4 {offsets = [0, 0], sizes = [1024, 64], strides = [1, 1]} : vector<1024x192xf32> to vector<1024x64xf32>
    %mul3A = arith.constant 2.000000e-01 : f32
    %mul3A_12 = vector.broadcast %mul3A : f32 to vector<1024x64xf32>
    %mul3A_13 = arith.mulf %slice3A, %mul3A_12 : vector<1024x64xf32>
    %slice3A_14 = vector.extract_strided_slice %get3A_1 {offsets = [0, 0], sizes = [128, 64], strides = [1, 1]} : vector<128x384xf32> to vector<128x64xf32>
    %dot_general3A = arith.constant dense<0.000000e+00> : vector<128x1024xf32>
    %dot_general3A_15 = tpu.matmul %slice3A_14, %get3A_11, %dot_general3A {dimension_numbers = #tpu.dot_dimension_numbers<[1], [0], [0], [1], [0, 0, 1, 1], [], []>, transpose_lhs_hint = false} : vector<128x64xf32>, vector<64x1024xf32>, vector<128x1024xf32> -> vector<128x1024xf32>
    %add3A = arith.addf %broadcast_in_dim3A_8, %dot_general3A_15 : vector<128x1024xf32>
    %slice3A_16 = vector.extract_strided_slice %get3A_1 {offsets = [0, 64], sizes = [128, 64], strides = [1, 1]} : vector<128x384xf32> to vector<128x64xf32>
    %dot_general3A_17 = arith.constant dense<0.000000e+00> : vector<128x1024xf32>
    %dot_general3A_18 = tpu.matmul %slice3A_16, %mul3A_13, %dot_general3A_17 {dimension_numbers = #tpu.dot_dimension_numbers<[1], [1], [0], [0], [0, 0, 1, 0], [], []>, transpose_lhs_hint = false} : vector<128x64xf32>, vector<1024x64xf32>, vector<128x1024xf32> -> vector<128x1024xf32>
    %add3A_19 = arith.addf %add3A, %dot_general3A_18 : vector<128x1024xf32>
    %get3A_20 = arith.constant 64 : index
    %get3A_21 = arith.constant 0 : index
    %get3A_22 = vector.load %arg0[%get3A_20, %get3A_21] : memref<192x1024xf32, #tpu.memory_space<vmem>>, vector<64x1024xf32>
    %slice3A_23 = vector.extract_strided_slice %get3A_4 {offsets = [0, 64], sizes = [1024, 64], strides = [1, 1]} : vector<1024x192xf32> to vector<1024x64xf32>
    %mul3A_24 = arith.constant 2.500000e-01 : f32
    %mul3A_25 = vector.broadcast %mul3A_24 : f32 to vector<1024x64xf32>
    %mul3A_26 = arith.mulf %slice3A_23, %mul3A_25 : vector<1024x64xf32>
    %slice3A_27 = vector.extract_strided_slice %get3A_1 {offsets = [0, 128], sizes = [128, 64], strides = [1, 1]} : vector<128x384xf32> to vector<128x64xf32>
    %dot_general3A_28 = arith.constant dense<0.000000e+00> : vector<128x1024xf32>
    %dot_general3A_29 = tpu.matmul %slice3A_27, %get3A_22, %dot_general3A_28 {dimension_numbers = #tpu.dot_dimension_numbers<[1], [0], [0], [1], [0, 0, 1, 1], [], []>, transpose_lhs_hint = false} : vector<128x64xf32>, vector<64x1024xf32>, vector<128x1024xf32> -> vector<128x1024xf32>
    %add3A_30 = arith.addf %add3A_19, %dot_general3A_29 : vector<128x1024xf32>
    %slice3A_31 = vector.extract_strided_slice %get3A_1 {offsets = [0, 192], sizes = [128, 64], strides = [1, 1]} : vector<128x384xf32> to vector<128x64xf32>
    %dot_general3A_32 = arith.constant dense<0.000000e+00> : vector<128x1024xf32>
    %dot_general3A_33 = tpu.matmul %slice3A_31, %mul3A_26, %dot_general3A_32 {dimension_numbers = #tpu.dot_dimension_numbers<[1], [1], [0], [0], [0, 0, 1, 0], [], []>, transpose_lhs_hint = false} : vector<128x64xf32>, vector<1024x64xf32>, vector<128x1024xf32> -> vector<128x1024xf32>
    %add3A_34 = arith.addf %add3A_30, %dot_general3A_33 : vector<128x1024xf32>
    %get3A_35 = arith.constant 128 : index
    %get3A_36 = arith.constant 0 : index
    %get3A_37 = vector.load %arg0[%get3A_35, %get3A_36] : memref<192x1024xf32, #tpu.memory_space<vmem>>, vector<64x1024xf32>
    %slice3A_38 = vector.extract_strided_slice %get3A_4 {offsets = [0, 128], sizes = [1024, 64], strides = [1, 1]} : vector<1024x192xf32> to vector<1024x64xf32>
    %mul3A_39 = arith.constant 2.500000e-01 : f32
    %mul3A_40 = vector.broadcast %mul3A_39 : f32 to vector<1024x64xf32>
    %mul3A_41 = arith.mulf %slice3A_38, %mul3A_40 : vector<1024x64xf32>
    %slice3A_42 = vector.extract_strided_slice %get3A_1 {offsets = [0, 256], sizes = [128, 64], strides = [1, 1]} : vector<128x384xf32> to vector<128x64xf32>
    %dot_general3A_43 = arith.constant dense<0.000000e+00> : vector<128x1024xf32>
    %dot_general3A_44 = tpu.matmul %slice3A_42, %get3A_37, %dot_general3A_43 {dimension_numbers = #tpu.dot_dimension_numbers<[1], [0], [0], [1], [0, 0, 1, 1], [], []>, transpose_lhs_hint = false} : vector<128x64xf32>, vector<64x1024xf32>, vector<128x1024xf32> -> vector<128x1024xf32>
    %add3A_45 = arith.addf %add3A_34, %dot_general3A_44 : vector<128x1024xf32>
    %slice3A_46 = vector.extract_strided_slice %get3A_1 {offsets = [0, 320], sizes = [128, 64], strides = [1, 1]} : vector<128x384xf32> to vector<128x64xf32>
    %dot_general3A_47 = arith.constant dense<0.000000e+00> : vector<128x1024xf32>
    %dot_general3A_48 = tpu.matmul %slice3A_46, %mul3A_41, %dot_general3A_47 {dimension_numbers = #tpu.dot_dimension_numbers<[1], [1], [0], [0], [0, 0, 1, 0], [], []>, transpose_lhs_hint = false} : vector<128x64xf32>, vector<1024x64xf32>, vector<128x1024xf32> -> vector<128x1024xf32>
    %add3A_49 = arith.addf %add3A_45, %dot_general3A_48 : vector<128x1024xf32>
    %transpose3A = tpu.transpose %add3A_49, [1, 0] : vector<128x1024xf32> -> vector<1024x128xf32>
    %swap3A = arith.constant 0 : index
    %swap3A_50 = arith.constant 0 : index
    %swap3A_51 = vector.load %arg4[%swap3A, %swap3A_50] : memref<1024x128xf32, #tpu.memory_space<vmem>>, vector<1024x128xf32>
    tpu.vector_store %arg4[%swap3A, %swap3A_50], %transpose3A {strides = array<i32>} : memref<1024x128xf32, #tpu.memory_space<vmem>>, vector<1024x128xf32>,
    return
  }
}

</mosaic_0001>

<sc_bundles>
// kernel: kernel.5.cloned.1.call-start
scs
__scs_entry_jumppad:
0x0: {  	(pc) =	sbr.rel $0x88, $3  }
0x1: {  	(tag) =	ssettag $0x0;
	lr =	simm.s32 $0x1  }
0x2: {  	[smem:$0x3F95] =	sst lr;
	_ =	strace $0xD0000000  }
0x3: {  	_ = 	snop  }
0x4: {  	_ = 	snop  }
0x5: {  	_ = 	snop  }
0x6: {  	_ = 	snop  }
0x7: {  	_ = 	snop  }
__scs_overlays_trampoline_lowered:
0x8: {  	[smem:$0x3FA4] =	sst s0  }
0x9: {  	[smem:$0x3FA5] =	sst s1  }
0xa: {  	[smem:$0x3FA6] =	sst s2  }
0xb: {  	[smem:$0x3FA7] =	sst s3  }
0xc: {  	[smem:$0x3FA8] =	sst s4  }
0xd: {  	[smem:$0x3FA9] =	sst s5  }
0xe: {  	[smem:$0x3FAA] =	sst s6  }
0xf: {  	[smem:$0x3FAB] =	sst s7  }
0x10: {  	[smem:$0x3FAC] =	sst s8  }
0x11: {  	[smem:$0x3FAD] =	sst s9;
	s0 =	simm.s32 @!p0 $0x0  }
0x12: {  	s1 =	sld [smem:$0x3F93];
	s0 =	simm.s32 @p0 $0x1  }
0x13: {  	[smem:$0x3FAE] =	sst s0;
	s0 =	simm.s32 @!p1 $0x0  }
0x14: {  	s2 =	sld [smem:$0x3F92];
	s0 =	simm.s32 @p1 $0x1  }
0x15: {  	[smem:$0x3FAF] =	sst s0;
	s0 =	simm.s32 @!p2 $0x0  }
0x16: {  	s3 =	sld [smem:$0x3FDB];
	s0 =	simm.s32 @p2 $0x1  }
0x17: {  	s4 =	simm.s32 $0x1BF5;
	[smem:$0x3FB1] =	sst s0  }
0x18: {  	s0 =	sld [smem:$0x3F94];
	_ =	swait.ge [sflag:s4], $0x0  }
0x19: {  	s7 =	sld [smem:$0x3F95]  }
0x1a: {  	s8 =	sadd.s32 $0xFFFFE003, lr  }
0x1b: {  	s9 =	sadd.s32 $0xFFFFFEF7, lr;
	s5 =	simm.s32 $0xFFFFFFFF;
	p2 =	slt.u32 s8, $0xFFFFF086  }
0x1c: {  	p1 =	slt.u32 s9, $0xF7A;
	s5 =	simm.s32 @!p2 $0x0  }
0x1d: {  	s5 =	simm.s32 @p1 $0x1;
	p0 =	seq.s32 s7, s2  }
0x1e: {  	s7 =	smul.u32 @!p0 $0xF7A, s2;
	p2 =	seq.s32 @!p0 s5, $0x0  }
0x1f: {  	s9 =	smul.u32 $0xF7A, s1;
	s8 =	simm.s32 @!p0 $0x1BF5;
	p2 =	por !p2, p0  }
0x20: {  	[sflag:s8] =	ssyncset.s32 @!p0 $0xFFFFF086;
	s6 =	sadd.s32 @!p0 s3, s7;
	s7 =	simm.s32 @!p0 $0x108  }
0x21: {  	s3 =	sadd.s32 s3, s9;
	s6 =	sadd.s32 @!p0 $0x88, s6;
	s7 =	simm.s32 @p2 $0x1082  }
0x22: {  	[simem:s7], [sflag:s8] =	dma.local @!p0 [hbm:s6], $0xF7A  }
0x23: {  	s9 =	sor.u32 $0xD0000000, s2;
	s6 =	simm.s32 $0x108;
	_ =	swait.ge @!p0 [sflag:s8], $0x0  }
0x24: {  	s3 =	sadd.s32 $0x88, s3;
	s6 =	simm.s32 @!p1 $0x1082;
	[sflag:s4] =	ssyncset.s32 $0xFFFFF086  }
0x25: {  	[simem:s6], [sflag:s4] =	dma.local [hbm:s3], $0xF7A  }
0x26: {  	[smem:$0x3F95] =	sst s1;
	(tag) =	ssettag s2;
	_ =	strace s9  }
0x27: {  	s1 =	sld [smem:$0x3FA5]  }
0x28: {  	s2 =	sld [smem:$0x3FA6]  }
0x29: {  	s4 =	sld [smem:$0x3FA8]  }
0x2a: {  	p0 =	seq.s32 s5, $0x0;
	s5 =	sld [smem:$0x3FA9]  }
0x2b: {  	s6 =	sld [smem:$0x3FAA]  }
0x2c: {  	s7 =	sld [smem:$0x3FAB]  }
0x2d: {  	s3 =	simm.s32 $0x108;
	s8 =	sld [smem:$0x3FAC]  }
0x2e: {  	s3 =	simm.s32 @!p0 $0x1082;
	s9 =	sld [smem:$0x3FAD]  }
0x2f: {  	lr =	sadd.s32 s0, s3;
	s0 =	sld [smem:$0x3FA4]  }
0x30: {  	s3 =	sld [smem:$0x3FA7]  }
0x31: {  	[smem:$0x3FB0] =	sst s10  }
0x32: {  	s10 =	sld [smem:$0x3FAE];
	_ =	sdelay $0x3  }
0x33: {  	p0 =	seq.s32 s10, $0x1;
	s10 =	sld [smem:$0x3FB0];
	_ =	sdelay $0x3  }
0x34: {  	[smem:$0x3FB0] =	sst s10  }
0x35: {  	s10 =	sld [smem:$0x3FAF];
	_ =	sdelay $0x3  }
0x36: {  	p1 =	seq.s32 s10, $0x1;
	s10 =	sld [smem:$0x3FB0];
	_ =	sdelay $0x3  }
0x37: {  	[smem:$0x3FB0] =	sst s10  }
0x38: {  	s10 =	sld [smem:$0x3FB1]  }
0x39: {  	_ = 	snop;
	(pc) =	sbr.ind lr, $3  }
0x3a: {  	_ = 	snop  }
0x3b: {  	_ = 	snop  }
0x3c: {  	p2 =	seq.s32 s10, $0x1;
	s10 =	sld [smem:$0x3FB0]  }
0x3d: {  	_ =	shalt  }
0x3e: {  	_ =	shalt  }
0x3f: {  	_ =	shalt  }
0x40: {  	_ =	shalt  }
0x41: {  	_ =	shalt  }
0x42: {  	_ =	shalt  }
0x43: {  	_ =	shalt  }
0x44: {  	_ =	shalt  }
0x45: {  	_ =	shalt  }
0x46: {  	_ =	shalt  }
0x47: {  	_ =	shalt  }
0x48: {  	_ =	shalt  }
0x49: {  	_ =	shalt  }
0x4a: {  	_ =	shalt  }
0x4b: {  	_ =	shalt  }
0x4c: {  	_ =	shalt  }
0x4d: {  	_ =	shalt  }
0x4e: {  	_ =	shalt  }
0x4f: {  	_ =	shalt  }
0x50: {  	_ =	shalt  }
0x51: {  	_ =	shalt  }
0x52: {  	_ =	shalt  }
0x53: {  	_ =	shalt  }
0x54: {  	_ =	shalt  }
0x55: {  	_ =	shalt  }
0x56: {  	_ =	shalt  }
0x57: {  	_ =	shalt  }
0x58: {  	_ =	shalt  }
0x59: {  	_ =	shalt  }
0x5a: {  	_ =	shalt  }
0x5b: {  	_ =	shalt  }
0x5c: {  	_ =	shalt  }
0x5d: {  	_ =	shalt  }
0x5e: {  	_ =	shalt  }
0x5f: {  	_ =	shalt  }
0x60: {  	_ =	shalt  }
0x61: {  	_ =	shalt  }
0x62: {  	_ =	shalt  }
0x63: {  	_ =	shalt  }
0x64: {  	_ =	shalt  }
0x65: {  	_ =	shalt  }
0x66: {  	_ =	shalt  }
0x67: {  	_ =	shalt  }
0x68: {  	_ =	shalt  }
0x69: {  	_ =	shalt  }
0x6a: {  	_ =	shalt  }
0x6b: {  	_ =	shalt  }
0x6c: {  	_ =	shalt  }
0x6d: {  	_ =	shalt  }
0x6e: {  	_ =	shalt  }
0x6f: {  	_ =	shalt  }
0x70: {  	_ =	shalt  }
0x71: {  	_ =	shalt  }
0x72: {  	_ =	shalt  }
0x73: {  	_ =	shalt  }
0x74: {  	_ =	shalt  }
0x75: {  	_ =	shalt  }
0x76: {  	_ =	shalt  }
0x77: {  	_ =	shalt  }
0x78: {  	_ =	shalt  }
0x79: {  	_ =	shalt  }
0x7a: {  	_ =	shalt  }
0x7b: {  	_ =	shalt  }
0x7c: {  	_ =	shalt  }
0x7d: {  	_ =	shalt  }
0x7e: {  	_ =	shalt  }
0x7f: {  	_ =	shalt  }
0x80: {  	_ =	shalt  }
0x81: {  	_ =	shalt  }
0x82: {  	_ =	shalt  }
0x83: {  	_ =	shalt  }
0x84: {  	_ =	shalt  }
0x85: {  	_ =	shalt  }
0x86: {  	_ =	shalt  }
0x87: {  	_ =	shalt  }
.Lfunc_end0:
.L_simem_size_0:
called_computation_lowered:
.L_overlay_start_0:
0x88: {  	s2 =	sld [smem:$0x3FD9]  }
0x89: {  	s3 =	sld [smem:$0x3FFE];
	_ =	sdelay $0x1  }
0x8a: {  	s1 =	srdreg.scid  }
0x8b: {  	s0 =	sand.u32 $0x1, s1  }
0x8c: {  	s16 =	sshll.u32 s0, $0xA;
	s2 =	sadd.s32 s3, s2  }
0x8d: {  	s2 =	sadd.s32 s2, s16  }
0x8e: {  	[smem:$0x3FBC] =	sst s2  }
0x8f: {  	_ = 	snop  }
0x90: {  	(tm) =	ssettm $0x1  }
0x91: {  	s17 =	sld [smem:$0x3FFB];
	_ =	sdelay $0x3  }
0x92: {  	_ =	strace s17  }
0x93: {  	s2 =	sld [smem:$0x3FFC];
	_ =	sdelay $0x3  }
0x94: {  	_ =	strace s2  }
0x95: {  	s2 =	sld [smem:$0x3FFD];
	_ =	sdelay $0x3  }
0x96: {  	_ =	strace s2  }
0x97: {  	_ =	strace $0x8FFFFFFF  }
0x98: {  	s18 =	sld [smem:$0x3FDB];
	_ =	sdelay $0x1  }
0x99: {  	s19 =	simm.s32 $_scs_section_size  }
0x9a: {  	s4 =	simm.s32 $_size__tile_overlayer_lowered;
	s5 =	simm.s32 $_tile_overlayer_lowered  }
0x9b: {  	s22 =	simm.s32 $0x1BFF;
	s21 =	sshll.u32 s5, $0x1;
	s2 =	sadd.s32 s19, s18  }
0x9c: {  	s6 =	simm.s32 $0x0;
	s20 =	sshll.u32 s4, $0x1;
	s4 =	sadd.s32 s21, s2  }
0x9d: {  	[timem:s6], [sflag:s22] =	dma.local [hbm:s4], s20  }
0x9e: {  	_ =	swait.ge [sflag:s22], s20  }
0x9f: {  	s3 =	ssub.s32 $0x0, s20;
	[sflag:s22] =	ssyncset.done $0x0  }
0xa0: {  	[sflag:s22] =	ssyncadd.s32 s3;
	_ =	sdelay $0x1  }
0xa1: {  	s23 =	simm.s32 $0x1B8B  }
0xa2: {  	_ =	swait.ge [sflag:s23], $0x1  }
0xa3: {  	[sflag:s23] =	ssyncset.done $0x0  }
0xa4: {  	s25 =	simm.s32 $0x1B8E;
	s24 =	sld [smem:$0x3FFE];
	[sflag:s23] =	ssyncadd.s32 $0xFFFFFFFF  }
0xa5: {  	s26 =	simm.s32 $execute0_lowered;
	[smem:$0x3FD2] =	sst s25  }
0xa6: {  	s4 =	sshll.u32 s26, $0x1;
	_ =	strace $0x80000046;
	[dreg:$0x1] =	wrdreg $0xFFFFFFFF  }
0xa7: {  	s28 =	simm.s32 $_size_execute0_lowered;
	s2 =	sadd.s32 s2, s4;
	[dreg:$0x0] =	wrdreg $0x0  }
0xa8: {  	s4 =	sshll.u32 s28, $0x1;
	[dreg:$0x2] =	wrdreg s2  }
0xa9: {  	[dreg:$0x3] =	wrdreg s4  }
0xaa: {  	[dreg:$0x4] =	wrdreg $0xC0  }
0xab: {  	_ =	task [dreg:s6], $0x5FFFF  }
0xac: {  	[dreg:$0x1] =	wrdreg $0xFFFFFFFF  }
0xad: {  	[dreg:$0x0] =	wrdreg $0x60  }
0xae: {  	[dreg:$0x2] =	wrdreg s24  }
0xaf: {  	[dreg:$0x3] =	wrdreg $0x9  }
0xb0: {  	_ =	task.clear_ibuf [dreg:s6], $0x4FFFF;
	_ =	strace $0x90000046  }
0xb1: {  	s29 =	simm.s32 $0x9;
	_ =	strace $0x80000048  }
0xb2: {  	_ =	swait.ge [sflag:s29], $0x1  }
0xb3: {  	[sflag:s29] =	ssyncadd.s32 $0xFFFFFFFF  }
0xb4: {  	_ =	strace $0x90000048  }
0xb5: {  	_ =	sfence  }
0xb6: {  	s30 =	sld [smem:$0x0];
	_ =	sdelay $0x2  }
0xb7: {  	s31 =	sshll.u32 s1, $0xD;
	s1 =	sshrl.u32 s1, $0x2  }
0xb8: {  	s3 =	sand.u32 $0x4000, s31;
	s1 =	sadd.s32 s1, s30  }
0xb9: {  	s0 =	sor.u32 s3, s0;
	s1 =	sshll.u32 s1, $0x11  }
0xba: {  	s0 =	sor.u32 s1, s0  }
0xbb: {  	s0 =	sadd.s32 $0x8F2B, s0  }
0xbc: {  	[sflag:s0] =	ssyncadd.remote.s32 $0x1  }
0xbd: {  	_ =	sfence.sel $0xFFFF  }
0xbe: {  	[dreg:$0x0] =	wrdreg $0xFFFFFFFF;
	(pc) =	sbr.abs _section_cstart, $3  }
0xbf: {  	[dreg:$0x1] =	wrdreg $0xFFFFFFFF  }
0xc0: {  	_ =	task.clear_ibuf [dreg:s6], $0x2FFFF;
	_ =	strace $0x9FFFFFFF  }
0xc1: {  	(tm) =	ssettm $0x7FFFFFFF  }
tec
execute0_lowered:
.L_overlay_start_1:
0x0: {  	(tag) =	ssettag $0x1  }
0x1: {  	s1 =	srdreg.scid  }
0x2: {  	s0 =	stileid.u32;
	s3 =	sand.u32 $0x1, s1  }
0x3: {  	s31 =	sshll.u32 s0, $0x6;
	s2 =	sshll.u32 s3, $0x5  }
0x4: {  	s6 =	rddreg [dreg:$0x0];
	s12 =	simm.s32 $0x9000;
	s4 =	sor.u32 s2, s31  }
0x5: {  	s13 =	simm.s32 $0xC000;
	s14 =	simm.s32 $0x0;
	s5 =	sshrl.u32 s4, $0x3  }
0x6: {  	s1 =	rddreg [dreg:$0x1];
	s3 =	ssub.s32 $0x2, s3;
	s7 =	smul.u32 $0x2400, s5  }
0x7: {  	s2 =	simm.s32 $0x0;
	s8 =	sshrl.u32 s3, $0x1;
	s5 =	smul.u32 $0xC00, s5  }
0x8: {  	[smem:$0x7FF] =	sst s2;
	s4 =	sshll.u32 s4, $0x5;
	s11 =	ssub.s32 s3, s8  }
0x9: {  	_ =	strace $0x80000047;
	s7 =	sshrl.u32 s7, $0x3;
	s5 =	sshrl.u32 s5, $0x3  }
0xa: {  	s10 =	sadd.s32 s4, s6;
	s7 =	sadd.s32 s7, s6;
	s9 =	sadd.s32 s5, s6  }
0xb: {  	s3 =	sadd.s32 $0x1400, s7;
	s4 =	sadd.s32 $0x6D400, s9;
	s5 =	sadd.s32 $0x25400, s7  }
0xc: {  	s6 =	sadd.s32 $0x79400, s9;
	s7 =	sadd.s32 $0x49400, s7;
	s8 =	sadd.s32 $0x85400, s9  }
0xd: {  	s9 =	sadd.s32 $0x91400, s10;
	s10 =	smax.u32 s11, $0x1;
	s11 =	simm.s32 $0x1  }
.LBB2_1:
0xe: {  	[tilespmem:s2], [sflag:$0x1] =	stream.linear.gather [hbm4b:s3+s2], $0x9000, $0x38;
	[tilespmem:$0xE000] =	vst v63  }
0xf: {  	_ =	swait.ge [sflag:s11], $0x9000  }
0x10: {  	s17 =	simm.s32 $0x0;
	[sflag:s11] =	ssyncset.done $0x0  }
0x11: {  	s16 =	smul.u32 $0x9000, s17;
	[sflag:s11] =	ssyncadd.s32 $0xFFFF7000  }
0x12: {  	[tilespmem:s12], [sflag:$0x1] =	stream.linear.gather [hbm4b:s4+s2], $0x3000, $0x38;
	[tilespmem:$0xE000] =	vst v63  }
0x13: {  	_ =	swait.ge [sflag:s11], $0x3000  }
0x14: {  	s15 =	sand.u32 $0x380, s2;
	s16 =	sshra.s32 s16, $0x2;
	[sflag:s11] =	ssyncset.done $0x0  }
0x15: {  	s16 =	sor.u32 s15, s16;
	[sflag:s11] =	ssyncadd.s32 $0xFFFFD000  }
0x16: {  	v0 =	vld [tilespmem:s16+$0x0]  }
0x17: {  	v1 =	vld [tilespmem:s16+$0x40]  }
0x18: {  	v2 =	vld [tilespmem:s16+$0x400]  }
0x19: {  	v3 =	vld [tilespmem:s16+$0x440]  }
0x1a: {  	v4 =	vld [tilespmem:s16+$0x800]  }
0x1b: {  	v5 =	vld [tilespmem:s16+$0x840]  }
0x1c: {  	s17 =	smul.u32 $0x3000, s17;
	v6 =	vld [tilespmem:s16+$0xC00];
	v7 =	vmax.f32 v0, v1  }
0x1d: {  	v9 =	vld [tilespmem:s16+$0xC40];
	v8 =	vmin.f32 v0, v1;
	v10 =	vmin.f32 v7, v2;
	v7 =	vmax.f32 v7, v2  }
0x1e: {  	s17 =	sshra.s32 s17, $0x2;
	v11 =	vld [tilespmem:s16+$0x1000];
	v8 =	vmax.f32 v8, v10;
	v10 =	vmin.f32 v7, v3;
	v3 =	vmax.f32 v7, v3  }
0x1f: {  	s17 =	sor.u32 s15, s17;
	v7 =	vmax.f32 v8, v10;
	v8 =	vmin.f32 v3, v4;
	v3 =	vmax.f32 v3, v4  }
0x20: {  	v10 =	vld [tilespmem:s17+$0x9000];
	v4 =	vmax.f32 v7, v8;
	v7 =	vmin.f32 v3, v5;
	v3 =	vmax.f32 v3, v5  }
0x21: {  	v8 =	vld [tilespmem:s17+$0x9040];
	v4 =	vmax.f32 v4, v7;
	v7 =	vmin.f32 v3, v6;
	v3 =	vmax.f32 v3, v6  }
0x22: {  	v4 =	vmax.f32 v4, v7;
	v7 =	vmin.f32 v3, v9;
	v3 =	vmax.f32 v3, v9  }
0x23: {  	v9 =	vld [tilespmem:s17+$0x9400];
	v4 =	vmax.f32 v4, v7;
	v7 =	vmin.f32 v3, v11;
	v3 =	vmax.f32 v3, v11  }
0x24: {  	v4 =	vmax.f32 v4, v7;
	vm0 =	veq.f32 v0, v3;
	vm1 =	veq.f32 v1, v3  }
0x25: {  	v7 =	vld [tilespmem:s17+$0x9440];
	v0 =	vsel vm0, v4, v3;
	v1 =	vsel vm1, v4, v3  }
0x26: {  	vm0 =	veq.f32 v2, v3;
	v0 =	vadd.f32 v0, v10;
	v1 =	vadd.f32 v1, v8  }
0x27: {  	v2 =	vld [tilespmem:s17+$0x9800];
	v8 =	vsel vm0, v4, v3;
	vm0 =	veq.f32 v5, v3  }
0x28: {  	v5 =	vadd.f32 v8, v9;
	v0 =	vmax.f32 v0, $0.0e+00;
	v1 =	vmax.f32 v1, $0.0e+00  }
0x29: {  	v0 =	vadd.f32 v1, v0;
	v1 =	vsel vm0, v4, v3  }
0x2a: {  	vm0 =	veq.f32 v6, v3;
	v5 =	vmax.f32 v5, $0.0e+00;
	v1 =	vadd.f32 v7, v1  }
0x2b: {  	v3 =	vsel vm0, v4, v3;
	v0 =	vadd.f32 v0, v5  }
0x2c: {  	v2 =	vadd.f32 v2, v3;
	v1 =	vmax.f32 v1, $0.0e+00  }
0x2d: {  	v0 =	vadd.f32 v0, v1  }
0x2e: {  	s18 =	simm.s32 $0x0;
	v1 =	vmax.f32 v2, $0.0e+00  }
0x2f: {  	s18 =	sand.u32 $0x3FFFF800, s18;
	v0 =	vadd.f32 v0, v1  }
0x30: {  	s15 =	sor.u32 s15, s18  }
0x31: {  	[tilespmem:s15+$0xC000] =	vst v0  }
0x32: {  	v0 =	vld [tilespmem:s16+$0x10]  }
0x33: {  	v1 =	vld [tilespmem:s16+$0x50]  }
0x34: {  	v2 =	vld [tilespmem:s16+$0x410]  }
0x35: {  	v3 =	vld [tilespmem:s16+$0x450]  }
0x36: {  	v4 =	vld [tilespmem:s16+$0x810]  }
0x37: {  	v5 =	vld [tilespmem:s16+$0x850]  }
0x38: {  	v6 =	vld [tilespmem:s16+$0xC10];
	v7 =	vmax.f32 v0, v1  }
0x39: {  	v9 =	vld [tilespmem:s16+$0xC50];
	v8 =	vmin.f32 v0, v1;
	v10 =	vmin.f32 v7, v2;
	v7 =	vmax.f32 v7, v2  }
0x3a: {  	v11 =	vld [tilespmem:s16+$0x1010];
	v8 =	vmax.f32 v8, v10;
	v10 =	vmin.f32 v7, v3;
	v3 =	vmax.f32 v7, v3  }
0x3b: {  	v7 =	vmax.f32 v8, v10;
	v8 =	vmin.f32 v3, v4;
	v3 =	vmax.f32 v3, v4  }
0x3c: {  	v10 =	vld [tilespmem:s17+$0x9010];
	v4 =	vmax.f32 v7, v8;
	v7 =	vmin.f32 v3, v5;
	v3 =	vmax.f32 v3, v5  }
0x3d: {  	v8 =	vld [tilespmem:s17+$0x9050];
	v4 =	vmax.f32 v4, v7;
	v7 =	vmin.f32 v3, v6;
	v3 =	vmax.f32 v3, v6  }
0x3e: {  	v4 =	vmax.f32 v4, v7;
	v7 =	vmin.f32 v3, v9;
	v3 =	vmax.f32 v3, v9  }
0x3f: {  	v9 =	vld [tilespmem:s17+$0x9410];
	v4 =	vmax.f32 v4, v7;
	v7 =	vmin.f32 v3, v11;
	v3 =	vmax.f32 v3, v11  }
0x40: {  	v4 =	vmax.f32 v4, v7;
	vm0 =	veq.f32 v0, v3;
	vm1 =	veq.f32 v1, v3  }
0x41: {  	v0 =	vld [tilespmem:s17+$0x9450];
	v1 =	vsel vm0, v4, v3;
	v7 =	vsel vm1, v4, v3  }
0x42: {  	vm0 =	veq.f32 v2, v3;
	v1 =	vadd.f32 v1, v10;
	v2 =	vadd.f32 v7, v8  }
0x43: {  	v7 =	vsel vm0, v4, v3;
	v8 =	vld [tilespmem:s17+$0x9810];
	vm0 =	veq.f32 v5, v3  }
0x44: {  	v7 =	vadd.f32 v7, v9;
	v1 =	vmax.f32 v1, $0.0e+00;
	v2 =	vmax.f32 v2, $0.0e+00  }
0x45: {  	v5 =	vsel vm0, v4, v3;
	v1 =	vadd.f32 v2, v1  }
0x46: {  	vm0 =	veq.f32 v6, v3;
	v0 =	vadd.f32 v0, v5;
	v2 =	vmax.f32 v7, $0.0e+00  }
0x47: {  	v3 =	vsel vm0, v4, v3;
	v1 =	vadd.f32 v1, v2  }
0x48: {  	v2 =	vadd.f32 v8, v3;
	v0 =	vmax.f32 v0, $0.0e+00  }
0x49: {  	v0 =	vadd.f32 v1, v0  }
0x4a: {  	v1 =	vmax.f32 v2, $0.0e+00  }
0x4b: {  	v0 =	vadd.f32 v0, v1;
	_ =	sdelay $0x1  }
0x4c: {  	[tilespmem:s15+$0xC010] =	vst v0  }
0x4d: {  	v0 =	vld [tilespmem:s16+$0x20]  }
0x4e: {  	v1 =	vld [tilespmem:s16+$0x60]  }
0x4f: {  	v2 =	vld [tilespmem:s16+$0x420]  }
0x50: {  	v3 =	vld [tilespmem:s16+$0x460]  }
0x51: {  	v4 =	vld [tilespmem:s16+$0x820]  }
0x52: {  	v5 =	vld [tilespmem:s16+$0x860]  }
0x53: {  	v6 =	vld [tilespmem:s16+$0xC20];
	v7 =	vmax.f32 v0, v1  }
0x54: {  	v9 =	vld [tilespmem:s16+$0xC60];
	v8 =	vmin.f32 v0, v1;
	v10 =	vmin.f32 v7, v2;
	v7 =	vmax.f32 v7, v2  }
0x55: {  	v11 =	vld [tilespmem:s16+$0x1020];
	v8 =	vmax.f32 v8, v10;
	v10 =	vmin.f32 v7, v3;
	v3 =	vmax.f32 v7, v3  }
0x56: {  	v7 =	vmax.f32 v8, v10;
	v8 =	vmin.f32 v3, v4;
	v3 =	vmax.f32 v3, v4  }
0x57: {  	v10 =	vld [tilespmem:s17+$0x9020];
	v4 =	vmax.f32 v7, v8;
	v7 =	vmin.f32 v3, v5;
	v3 =	vmax.f32 v3, v5  }
0x58: {  	v8 =	vld [tilespmem:s17+$0x9060];
	v4 =	vmax.f32 v4, v7;
	v7 =	vmin.f32 v3, v6;
	v3 =	vmax.f32 v3, v6  }
0x59: {  	v4 =	vmax.f32 v4, v7;
	v7 =	vmin.f32 v3, v9;
	v3 =	vmax.f32 v3, v9  }
0x5a: {  	v9 =	vld [tilespmem:s17+$0x9420];
	v4 =	vmax.f32 v4, v7;
	v7 =	vmin.f32 v3, v11;
	v3 =	vmax.f32 v3, v11  }
0x5b: {  	v4 =	vmax.f32 v4, v7;
	vm0 =	veq.f32 v0, v3;
	vm1 =	veq.f32 v1, v3  }
0x5c: {  	v0 =	vld [tilespmem:s17+$0x9460];
	v1 =	vsel vm0, v4, v3;
	v7 =	vsel vm1, v4, v3  }
0x5d: {  	vm0 =	veq.f32 v2, v3;
	v1 =	vadd.f32 v1, v10;
	v2 =	vadd.f32 v7, v8  }
0x5e: {  	v7 =	vsel vm0, v4, v3;
	v8 =	vld [tilespmem:s17+$0x9820];
	vm0 =	veq.f32 v5, v3  }
0x5f: {  	v7 =	vadd.f32 v7, v9;
	v1 =	vmax.f32 v1, $0.0e+00;
	v2 =	vmax.f32 v2, $0.0e+00  }
0x60: {  	v5 =	vsel vm0, v4, v3;
	v1 =	vadd.f32 v2, v1  }
0x61: {  	vm0 =	veq.f32 v6, v3;
	v0 =	vadd.f32 v0, v5;
	v2 =	vmax.f32 v7, $0.0e+00  }
0x62: {  	v3 =	vsel vm0, v4, v3;
	v1 =	vadd.f32 v1, v2  }
0x63: {  	v2 =	vadd.f32 v8, v3;
	v0 =	vmax.f32 v0, $0.0e+00  }
0x64: {  	v0 =	vadd.f32 v1, v0  }
0x65: {  	v1 =	vmax.f32 v2, $0.0e+00  }
0x66: {  	v0 =	vadd.f32 v0, v1;
	_ =	sdelay $0x1  }
0x67: {  	[tilespmem:s15+$0xC020] =	vst v0  }
0x68: {  	v10 =	vld [tilespmem:s16+$0x30]  }
0x69: {  	v11 =	vld [tilespmem:s16+$0x70]  }
0x6a: {  	v2 =	vld [tilespmem:s16+$0x430]  }
0x6b: {  	v3 =	vld [tilespmem:s16+$0x470]  }
0x6c: {  	v4 =	vld [tilespmem:s16+$0x830]  }
0x6d: {  	v1 =	vld [tilespmem:s16+$0x870]  }
0x6e: {  	v0 =	vld [tilespmem:s16+$0xC30];
	v5 =	vmax.f32 v10, v11  }
0x6f: {  	v8 =	vld [tilespmem:s16+$0xC70];
	v6 =	vmin.f32 v10, v11;
	v7 =	vmin.f32 v5, v2;
	v5 =	vmax.f32 v5, v2  }
0x70: {  	v12 =	vld [tilespmem:s16+$0x1030];
	v6 =	vmax.f32 v6, v7;
	v7 =	vmin.f32 v5, v3;
	v3 =	vmax.f32 v5, v3  }
0x71: {  	v6 =	vmax.f32 v6, v7;
	v7 =	vmin.f32 v3, v4;
	v3 =	vmax.f32 v3, v4  }
0x72: {  	v9 =	vld [tilespmem:s17+$0x9430];
	v4 =	vmax.f32 v6, v7;
	v6 =	vmin.f32 v3, v1;
	v3 =	vmax.f32 v3, v1  }
0x73: {  	v5 =	vld [tilespmem:s17+$0x9030];
	v4 =	vmax.f32 v4, v6;
	v6 =	vmin.f32 v3, v0;
	v3 =	vmax.f32 v3, v0  }
0x74: {  	v7 =	vld [tilespmem:s17+$0x9070];
	v4 =	vmax.f32 v4, v6;
	v6 =	vmin.f32 v3, v8;
	v8 =	vmax.f32 v3, v8  }
0x75: {  	v3 =	vld [tilespmem:s17+$0x9470];
	v13 =	vmax.f32 v4, v6;
	v14 =	vmin.f32 v8, v12;
	v6 =	vmax.f32 v8, v12  }
0x76: {  	s19 =	simm.s32 $0x2;
	s16 =	simm.s32 $0x1;
	v4 =	vld [tilespmem:s17+$0x9830];
	s17 =	simm.s32 $0x0;
	v8 =	vmax.f32 v13, v14;
	vm0 =	veq.f32 v10, v6;
	vm1 =	veq.f32 v11, v6  }
.LBB2_2:
0x77: {  	s20 =	sshrl.u32 s16, $0x3  }
0x78: {  	v10 =	vsel vm0, v8, v6;
	v11 =	vsel vm1, v8, v6;
	vm0 =	veq.f32 v2, v6;
	s17 =	sadd.s32 $0x80, s17;
	s21 =	smov.u32 s19;
	s18 =	sadd.s32 $0x1, s19  }
0x79: {  	p0 =	sne.s32 s19, $0x1F;
	s19 =	smul.u32 $0x9000, s20;
	v2 =	vadd.f32 v10, v5;
	v5 =	vadd.f32 v11, v7;
	v7 =	vsel vm0, v8, v6  }
0x7a: {  	vm1 =	veq.f32 v0, v6;
	s20 =	smul.u32 $0x3000, s20;
	vm0 =	veq.f32 v1, v6;
	v7 =	vadd.f32 v7, v9  }
0x7b: {  	s22 =	sand.u32 $0x380, s17;
	s19 =	sshra.s32 s19, $0x2;
	v0 =	vmax.f32 v2, $0.0e+00;
	v1 =	vmax.f32 v5, $0.0e+00;
	v2 =	vsel vm0, v8, v6  }
0x7c: {  	s20 =	sshra.s32 s20, $0x2;
	s19 =	sor.u32 s22, s19;
	v0 =	vadd.f32 v1, v0;
	v1 =	vmax.f32 v7, $0.0e+00;
	v2 =	vadd.f32 v3, v2  }
0x7d: {  	v3 =	vsel vm1, v8, v6  }
0x7e: {  	v0 =	vadd.f32 v0, v1;
	v1 =	vmax.f32 v2, $0.0e+00;
	v2 =	vadd.f32 v4, v3;
	_ =	sdelay $0x1  }
0x7f: {  	v0 =	vadd.f32 v0, v1;
	v1 =	vmax.f32 v2, $0.0e+00;
	_ =	sdelay $0x1  }
0x80: {  	v0 =	vadd.f32 v0, v1;
	_ =	sdelay $0x1  }
0x81: {  	[tilespmem:s15+$0xC030] =	vst v0  }
0x82: {  	v0 =	vld [tilespmem:s19+$0x0]  }
0x83: {  	v1 =	vld [tilespmem:s19+$0x40]  }
0x84: {  	v2 =	vld [tilespmem:s19+$0x400]  }
0x85: {  	v3 =	vld [tilespmem:s19+$0x440]  }
0x86: {  	v4 =	vld [tilespmem:s19+$0x800]  }
0x87: {  	v5 =	vld [tilespmem:s19+$0x840]  }
0x88: {  	v6 =	vld [tilespmem:s19+$0xC00];
	v7 =	vmax.f32 v0, v1;
	v8 =	vmin.f32 v0, v1  }
0x89: {  	v9 =	vld [tilespmem:s19+$0xC40];
	v10 =	vmin.f32 v7, v2;
	v7 =	vmax.f32 v7, v2  }
0x8a: {  	v11 =	vld [tilespmem:s19+$0x1000];
	v8 =	vmax.f32 v8, v10;
	v10 =	vmin.f32 v7, v3;
	v3 =	vmax.f32 v7, v3  }
0x8b: {  	s20 =	sor.u32 s22, s20;
	v7 =	vmax.f32 v8, v10;
	v8 =	vmin.f32 v3, v4;
	v3 =	vmax.f32 v3, v4  }
0x8c: {  	v4 =	vmax.f32 v7, v8;
	v7 =	vmin.f32 v3, v5;
	v3 =	vmax.f32 v3, v5;
	v8 =	vld [tilespmem:s20+$0x9040]  }
0x8d: {  	v4 =	vmax.f32 v4, v7;
	v7 =	vmin.f32 v3, v6;
	v3 =	vmax.f32 v3, v6;
	v10 =	vld [tilespmem:s20+$0x9000]  }
0x8e: {  	v4 =	vmax.f32 v4, v7;
	v7 =	vmin.f32 v3, v9;
	v3 =	vmax.f32 v3, v9  }
0x8f: {  	v4 =	vmax.f32 v4, v7;
	v7 =	vmin.f32 v3, v11;
	v3 =	vmax.f32 v3, v11;
	v9 =	vld [tilespmem:s20+$0x9400]  }
0x90: {  	v4 =	vmax.f32 v4, v7;
	vm0 =	veq.f32 v0, v3;
	vm1 =	veq.f32 v1, v3;
	v0 =	vld [tilespmem:s20+$0x9800]  }
0x91: {  	v1 =	vsel vm0, v4, v3;
	v7 =	vsel vm1, v4, v3;
	vm0 =	veq.f32 v2, v3;
	v2 =	vld [tilespmem:s20+$0x9440]  }
0x92: {  	v1 =	vadd.f32 v1, v10;
	v7 =	vadd.f32 v7, v8;
	v8 =	vsel vm0, v4, v3  }
0x93: {  	vm1 =	veq.f32 v6, v3;
	vm0 =	veq.f32 v5, v3  }
0x94: {  	v1 =	vmax.f32 v1, $0.0e+00;
	v5 =	vmax.f32 v7, $0.0e+00;
	v6 =	vadd.f32 v8, v9  }
0x95: {  	v1 =	vadd.f32 v5, v1;
	v5 =	vsel vm0, v4, v3;
	v3 =	vsel vm1, v4, v3  }
0x96: {  	v4 =	vmax.f32 v6, $0.0e+00;
	v2 =	vadd.f32 v2, v5;
	v0 =	vadd.f32 v0, v3  }
0x97: {  	v1 =	vadd.f32 v1, v4  }
0x98: {  	v2 =	vmax.f32 v2, $0.0e+00  }
0x99: {  	v1 =	vadd.f32 v1, v2  }
0x9a: {  	s15 =	sshll.u32 s16, $0x8;
	s16 =	smov.u32 s21;
	v0 =	vmax.f32 v0, $0.0e+00  }
0x9b: {  	s15 =	sand.u32 $0x3FFFF800, s15;
	v0 =	vadd.f32 v1, v0  }
0x9c: {  	s15 =	sor.u32 s22, s15  }
0x9d: {  	[tilespmem:s15+$0xC000] =	vst v0  }
0x9e: {  	v0 =	vld [tilespmem:s19+$0x10]  }
0x9f: {  	v1 =	vld [tilespmem:s19+$0x50]  }
0xa0: {  	v2 =	vld [tilespmem:s19+$0x410]  }
0xa1: {  	v3 =	vld [tilespmem:s19+$0x450]  }
0xa2: {  	v4 =	vld [tilespmem:s19+$0x810]  }
0xa3: {  	v5 =	vld [tilespmem:s19+$0x850]  }
0xa4: {  	v6 =	vld [tilespmem:s19+$0xC10];
	v7 =	vmax.f32 v0, v1;
	v8 =	vmin.f32 v0, v1  }
0xa5: {  	v9 =	vld [tilespmem:s19+$0xC50];
	v10 =	vmin.f32 v7, v2;
	v7 =	vmax.f32 v7, v2  }
0xa6: {  	v11 =	vld [tilespmem:s19+$0x1010];
	v8 =	vmax.f32 v8, v10;
	v10 =	vmin.f32 v7, v3;
	v3 =	vmax.f32 v7, v3  }
0xa7: {  	v7 =	vmax.f32 v8, v10;
	v8 =	vmin.f32 v3, v4;
	v3 =	vmax.f32 v3, v4  }
0xa8: {  	v4 =	vmax.f32 v7, v8;
	v7 =	vmin.f32 v3, v5;
	v3 =	vmax.f32 v3, v5;
	v8 =	vld [tilespmem:s20+$0x9050]  }
0xa9: {  	v4 =	vmax.f32 v4, v7;
	v7 =	vmin.f32 v3, v6;
	v3 =	vmax.f32 v3, v6;
	v10 =	vld [tilespmem:s20+$0x9010]  }
0xaa: {  	v4 =	vmax.f32 v4, v7;
	v7 =	vmin.f32 v3, v9;
	v3 =	vmax.f32 v3, v9;
	v9 =	vld [tilespmem:s20+$0x9410]  }
0xab: {  	v4 =	vmax.f32 v4, v7;
	v7 =	vmin.f32 v3, v11;
	v3 =	vmax.f32 v3, v11  }
0xac: {  	v4 =	vmax.f32 v4, v7;
	vm0 =	veq.f32 v0, v3;
	vm1 =	veq.f32 v1, v3;
	v0 =	vld [tilespmem:s20+$0x9450]  }
0xad: {  	v1 =	vsel vm0, v4, v3;
	v7 =	vsel vm1, v4, v3;
	vm0 =	veq.f32 v2, v3;
	v2 =	vld [tilespmem:s20+$0x9810]  }
0xae: {  	v1 =	vadd.f32 v1, v10;
	v7 =	vadd.f32 v7, v8;
	v8 =	vsel vm0, v4, v3  }
0xaf: {  	vm1 =	veq.f32 v6, v3;
	vm0 =	veq.f32 v5, v3;
	v8 =	vadd.f32 v8, v9  }
0xb0: {  	v6 =	vsel vm0, v4, v3;
	v1 =	vmax.f32 v1, $0.0e+00;
	v5 =	vmax.f32 v7, $0.0e+00  }
0xb1: {  	v3 =	vsel vm1, v4, v3;
	v1 =	vadd.f32 v5, v1;
	v0 =	vadd.f32 v0, v6  }
0xb2: {  	v4 =	vmax.f32 v8, $0.0e+00;
	v2 =	vadd.f32 v2, v3  }
0xb3: {  	v1 =	vadd.f32 v1, v4  }
0xb4: {  	v0 =	vmax.f32 v0, $0.0e+00  }
0xb5: {  	v0 =	vadd.f32 v1, v0  }
0xb6: {  	v1 =	vmax.f32 v2, $0.0e+00  }
0xb7: {  	v0 =	vadd.f32 v0, v1;
	_ =	sdelay $0x1  }
0xb8: {  	[tilespmem:s15+$0xC010] =	vst v0  }
0xb9: {  	v0 =	vld [tilespmem:s19+$0x20]  }
0xba: {  	v1 =	vld [tilespmem:s19+$0x60]  }
0xbb: {  	v2 =	vld [tilespmem:s19+$0x420]  }
0xbc: {  	v3 =	vld [tilespmem:s19+$0x460]  }
0xbd: {  	v4 =	vld [tilespmem:s19+$0x820]  }
0xbe: {  	v5 =	vld [tilespmem:s19+$0x860]  }
0xbf: {  	v6 =	vld [tilespmem:s19+$0xC20];
	v7 =	vmax.f32 v0, v1;
	v8 =	vmin.f32 v0, v1  }
0xc0: {  	v9 =	vld [tilespmem:s19+$0xC60];
	v10 =	vmin.f32 v7, v2;
	v7 =	vmax.f32 v7, v2  }
0xc1: {  	v11 =	vld [tilespmem:s19+$0x1020];
	v8 =	vmax.f32 v8, v10;
	v10 =	vmin.f32 v7, v3;
	v3 =	vmax.f32 v7, v3  }
0xc2: {  	v7 =	vmax.f32 v8, v10;
	v8 =	vmin.f32 v3, v4;
	v3 =	vmax.f32 v3, v4  }
0xc3: {  	v4 =	vmax.f32 v7, v8;
	v7 =	vmin.f32 v3, v5;
	v3 =	vmax.f32 v3, v5;
	v8 =	vld [tilespmem:s20+$0x9060]  }
0xc4: {  	v4 =	vmax.f32 v4, v7;
	v7 =	vmin.f32 v3, v6;
	v3 =	vmax.f32 v3, v6;
	v10 =	vld [tilespmem:s20+$0x9020]  }
0xc5: {  	v4 =	vmax.f32 v4, v7;
	v7 =	vmin.f32 v3, v9;
	v3 =	vmax.f32 v3, v9;
	v9 =	vld [tilespmem:s20+$0x9420]  }
0xc6: {  	v4 =	vmax.f32 v4, v7;
	v7 =	vmin.f32 v3, v11;
	v3 =	vmax.f32 v3, v11  }
0xc7: {  	v4 =	vmax.f32 v4, v7;
	vm0 =	veq.f32 v0, v3;
	vm1 =	veq.f32 v1, v3;
	v0 =	vld [tilespmem:s20+$0x9460]  }
0xc8: {  	v1 =	vsel vm0, v4, v3;
	v7 =	vsel vm1, v4, v3;
	vm0 =	veq.f32 v2, v3;
	v2 =	vld [tilespmem:s20+$0x9820]  }
0xc9: {  	v1 =	vadd.f32 v1, v10;
	v7 =	vadd.f32 v7, v8;
	v8 =	vsel vm0, v4, v3  }
0xca: {  	vm1 =	veq.f32 v6, v3;
	vm0 =	veq.f32 v5, v3;
	v8 =	vadd.f32 v8, v9  }
0xcb: {  	v6 =	vsel vm0, v4, v3;
	v1 =	vmax.f32 v1, $0.0e+00;
	v5 =	vmax.f32 v7, $0.0e+00  }
0xcc: {  	v3 =	vsel vm1, v4, v3;
	v1 =	vadd.f32 v5, v1;
	v0 =	vadd.f32 v0, v6  }
0xcd: {  	v4 =	vmax.f32 v8, $0.0e+00;
	v2 =	vadd.f32 v2, v3  }
0xce: {  	v1 =	vadd.f32 v1, v4  }
0xcf: {  	v0 =	vmax.f32 v0, $0.0e+00  }
0xd0: {  	v0 =	vadd.f32 v1, v0  }
0xd1: {  	v1 =	vmax.f32 v2, $0.0e+00  }
0xd2: {  	v0 =	vadd.f32 v0, v1;
	_ =	sdelay $0x1  }
0xd3: {  	[tilespmem:s15+$0xC020] =	vst v0  }
0xd4: {  	v10 =	vld [tilespmem:s19+$0x30]  }
0xd5: {  	v11 =	vld [tilespmem:s19+$0x70]  }
0xd6: {  	v2 =	vld [tilespmem:s19+$0x430]  }
0xd7: {  	v3 =	vld [tilespmem:s19+$0x470]  }
0xd8: {  	v4 =	vld [tilespmem:s19+$0x830]  }
0xd9: {  	v1 =	vld [tilespmem:s19+$0x870]  }
0xda: {  	v0 =	vld [tilespmem:s19+$0xC30];
	v5 =	vmax.f32 v10, v11;
	v6 =	vmin.f32 v10, v11  }
0xdb: {  	v8 =	vld [tilespmem:s19+$0xC70];
	v7 =	vmin.f32 v5, v2;
	v5 =	vmax.f32 v5, v2  }
0xdc: {  	v12 =	vld [tilespmem:s19+$0x1030];
	v6 =	vmax.f32 v6, v7;
	v7 =	vmin.f32 v5, v3;
	v3 =	vmax.f32 v5, v3  }
0xdd: {  	v6 =	vmax.f32 v6, v7;
	v7 =	vmin.f32 v3, v4;
	v3 =	vmax.f32 v3, v4;
	v5 =	vld [tilespmem:s20+$0x9030]  }
.Ltmp0:
0xde: {  	v4 =	vmax.f32 v6, v7;
	v6 =	vmin.f32 v3, v1;
	v3 =	vmax.f32 v3, v1;
	v7 =	vld [tilespmem:s20+$0x9070];
	(pc) =	sbr.rel @p0 .LBB2_2-.Ltmp0, $4  }
0xdf: {  	v4 =	vmax.f32 v4, v6;
	v6 =	vmin.f32 v3, v0;
	v3 =	vmax.f32 v3, v0;
	v9 =	vld [tilespmem:s20+$0x9430]  }
0xe0: {  	v4 =	vmax.f32 v4, v6;
	v6 =	vmin.f32 v3, v8;
	v8 =	vmax.f32 v3, v8;
	v3 =	vld [tilespmem:s20+$0x9470]  }
0xe1: {  	v13 =	vmax.f32 v4, v6;
	v14 =	vmin.f32 v8, v12;
	v6 =	vmax.f32 v8, v12;
	v4 =	vld [tilespmem:s20+$0x9830]  }
0xe2: {  	s19 =	smov.u32 s18;
	v8 =	vmax.f32 v13, v14;
	vm0 =	veq.f32 v10, v6;
	vm1 =	veq.f32 v11, v6  }
0xe3: {  	v10 =	vsel vm0, v8, v6;
	v11 =	vsel vm1, v8, v6  }
0xe4: {  	vm6 =	veq.f32 v2, v6;
	v2 =	vadd.f32 v10, v5;
	v5 =	vadd.f32 v11, v7  }
0xe5: {  	vm7 =	veq.f32 v1, v6;
	v7 =	vsel vm6, v8, v6  }
0xe6: {  	v7 =	vadd.f32 v7, v9;
	v1 =	vmax.f32 v2, $0.0e+00;
	v2 =	vmax.f32 v5, $0.0e+00  }
0xe7: {  	v5 =	vsel vm7, v8, v6;
	v1 =	vadd.f32 v2, v1  }
0xe8: {  	vm8 =	veq.f32 v0, v6;
	v0 =	vmax.f32 v7, $0.0e+00;
	v2 =	vadd.f32 v3, v5  }
0xe9: {  	v3 =	vsel vm8, v8, v6;
	v0 =	vadd.f32 v1, v0  }
0xea: {  	v1 =	vmax.f32 v2, $0.0e+00;
	v2 =	vadd.f32 v4, v3  }
0xeb: {  	s19 =	sshrl.u32 s16, $0x3;
	v0 =	vadd.f32 v0, v1  }
0xec: {  	s20 =	smul.u32 $0x9000, s19;
	v1 =	vmax.f32 v2, $0.0e+00  }
0xed: {  	s17 =	sadd.s32 $0x80, s17;
	v0 =	vadd.f32 v0, v1  }
0xee: {  	s18 =	sand.u32 $0x380, s17;
	s24 =	sshra.s32 s20, $0x2  }
0xef: {  	s17 =	sor.u32 s18, s24;
	[tilespmem:s15+$0xC030] =	vst v0  }
0xf0: {  	v0 =	vld [tilespmem:s17+$0x0]  }
0xf1: {  	v1 =	vld [tilespmem:s17+$0x40]  }
0xf2: {  	v2 =	vld [tilespmem:s17+$0x400]  }
0xf3: {  	v3 =	vld [tilespmem:s17+$0x440]  }
0xf4: {  	v4 =	vld [tilespmem:s17+$0x800]  }
0xf5: {  	v5 =	vld [tilespmem:s17+$0x840]  }
0xf6: {  	s25 =	smul.u32 $0x3000, s19;
	v6 =	vld [tilespmem:s17+$0xC00];
	v7 =	vmax.f32 v0, v1  }
0xf7: {  	v31 =	vld [tilespmem:s17+$0xC40];
	v8 =	vmin.f32 v0, v1;
	v32 =	vmin.f32 v7, v2;
	v7 =	vmax.f32 v7, v2  }
0xf8: {  	s15 =	sshra.s32 s25, $0x2;
	v33 =	vld [tilespmem:s17+$0x1000];
	v8 =	vmax.f32 v8, v32;
	v34 =	vmin.f32 v7, v3;
	v3 =	vmax.f32 v7, v3  }
0xf9: {  	s15 =	sor.u32 s18, s15;
	v7 =	vmax.f32 v8, v34;
	v8 =	vmin.f32 v3, v4;
	v3 =	vmax.f32 v3, v4  }
0xfa: {  	v35 =	vld [tilespmem:s15+$0x9000];
	v4 =	vmax.f32 v7, v8;
	v7 =	vmin.f32 v3, v5;
	v3 =	vmax.f32 v3, v5  }
0xfb: {  	v8 =	vld [tilespmem:s15+$0x9040];
	v4 =	vmax.f32 v4, v7;
	v7 =	vmin.f32 v3, v6;
	v3 =	vmax.f32 v3, v6  }
0xfc: {  	v4 =	vmax.f32 v4, v7;
	v7 =	vmin.f32 v3, v31;
	v3 =	vmax.f32 v3, v31  }
0xfd: {  	v36 =	vld [tilespmem:s15+$0x9400];
	v4 =	vmax.f32 v4, v7;
	v7 =	vmin.f32 v3, v33;
	v3 =	vmax.f32 v3, v33  }
0xfe: {  	v4 =	vmax.f32 v4, v7;
	vm9 =	veq.f32 v0, v3;
	vm10 =	veq.f32 v1, v3  }
0xff: {  	v7 =	vld [tilespmem:s15+$0x9440];
	v0 =	vsel vm9, v4, v3;
	v1 =	vsel vm10, v4, v3  }
0x100: {  	vm11 =	veq.f32 v2, v3;
	v0 =	vadd.f32 v0, v35;
	v1 =	vadd.f32 v1, v8  }
0x101: {  	v2 =	vld [tilespmem:s15+$0x9800];
	vm12 =	veq.f32 v5, v3;
	v8 =	vsel vm11, v4, v3  }
0x102: {  	v5 =	vadd.f32 v8, v36;
	v0 =	vmax.f32 v0, $0.0e+00;
	v1 =	vmax.f32 v1, $0.0e+00  }
0x103: {  	v0 =	vadd.f32 v1, v0;
	v1 =	vsel vm12, v4, v3  }
0x104: {  	vm13 =	veq.f32 v6, v3;
	v5 =	vmax.f32 v5, $0.0e+00;
	v1 =	vadd.f32 v7, v1  }
0x105: {  	v3 =	vsel vm13, v4, v3;
	v0 =	vadd.f32 v0, v5  }
0x106: {  	v2 =	vadd.f32 v2, v3;
	v1 =	vmax.f32 v1, $0.0e+00  }
0x107: {  	v0 =	vadd.f32 v0, v1  }
0x108: {  	s26 =	sshll.u32 s16, $0x8;
	v1 =	vmax.f32 v2, $0.0e+00  }
0x109: {  	s16 =	sand.u32 $0x3FFFF800, s26;
	v0 =	vadd.f32 v0, v1  }
0x10a: {  	s16 =	sor.u32 s18, s16  }
0x10b: {  	[tilespmem:s16+$0xC000] =	vst v0  }
0x10c: {  	v0 =	vld [tilespmem:s17+$0x10]  }
0x10d: {  	v1 =	vld [tilespmem:s17+$0x50]  }
0x10e: {  	v2 =	vld [tilespmem:s17+$0x410]  }
0x10f: {  	v3 =	vld [tilespmem:s17+$0x450]  }
0x110: {  	v4 =	vld [tilespmem:s17+$0x810]  }
0x111: {  	v5 =	vld [tilespmem:s17+$0x850]  }
0x112: {  	v6 =	vld [tilespmem:s17+$0xC10];
	v7 =	vmax.f32 v0, v1  }
0x113: {  	v37 =	vld [tilespmem:s17+$0xC50];
	v8 =	vmin.f32 v0, v1;
	v38 =	vmin.f32 v7, v2;
	v7 =	vmax.f32 v7, v2  }
0x114: {  	v39 =	vld [tilespmem:s17+$0x1010];
	v8 =	vmax.f32 v8, v38;
	v40 =	vmin.f32 v7, v3;
	v3 =	vmax.f32 v7, v3  }
0x115: {  	v7 =	vmax.f32 v8, v40;
	v8 =	vmin.f32 v3, v4;
	v3 =	vmax.f32 v3, v4  }
0x116: {  	v41 =	vld [tilespmem:s15+$0x9010];
	v4 =	vmax.f32 v7, v8;
	v7 =	vmin.f32 v3, v5;
	v3 =	vmax.f32 v3, v5  }
0x117: {  	v8 =	vld [tilespmem:s15+$0x9050];
	v4 =	vmax.f32 v4, v7;
	v7 =	vmin.f32 v3, v6;
	v3 =	vmax.f32 v3, v6  }
0x118: {  	v4 =	vmax.f32 v4, v7;
	v7 =	vmin.f32 v3, v37;
	v3 =	vmax.f32 v3, v37  }
0x119: {  	v42 =	vld [tilespmem:s15+$0x9410];
	v4 =	vmax.f32 v4, v7;
	v7 =	vmin.f32 v3, v39;
	v3 =	vmax.f32 v3, v39  }
0x11a: {  	v4 =	vmax.f32 v4, v7;
	vm14 =	veq.f32 v0, v3;
	vm15 =	veq.f32 v1, v3  }
0x11b: {  	v0 =	vld [tilespmem:s15+$0x9450];
	v1 =	vsel vm14, v4, v3;
	v7 =	vsel vm15, v4, v3  }
0x11c: {  	vm4 =	veq.f32 v2, v3;
	v1 =	vadd.f32 v1, v41;
	v2 =	vadd.f32 v7, v8  }
0x11d: {  	vm5 =	veq.f32 v5, v3;
	v7 =	vsel vm4, v4, v3;
	v8 =	vld [tilespmem:s15+$0x9810]  }
0x11e: {  	v7 =	vadd.f32 v7, v42;
	v1 =	vmax.f32 v1, $0.0e+00;
	v2 =	vmax.f32 v2, $0.0e+00  }
0x11f: {  	v5 =	vsel vm5, v4, v3;
	v1 =	vadd.f32 v2, v1  }
0x120: {  	vm6 =	veq.f32 v6, v3;
	v0 =	vadd.f32 v0, v5;
	v2 =	vmax.f32 v7, $0.0e+00  }
0x121: {  	v3 =	vsel vm6, v4, v3;
	v1 =	vadd.f32 v1, v2  }
0x122: {  	v2 =	vadd.f32 v8, v3;
	v0 =	vmax.f32 v0, $0.0e+00  }
0x123: {  	v0 =	vadd.f32 v1, v0  }
0x124: {  	v1 =	vmax.f32 v2, $0.0e+00  }
0x125: {  	v0 =	vadd.f32 v0, v1;
	_ =	sdelay $0x1  }
0x126: {  	[tilespmem:s16+$0xC010] =	vst v0  }
0x127: {  	v0 =	vld [tilespmem:s17+$0x20]  }
0x128: {  	v1 =	vld [tilespmem:s17+$0x60]  }
0x129: {  	v2 =	vld [tilespmem:s17+$0x420]  }
0x12a: {  	v3 =	vld [tilespmem:s17+$0x460]  }
0x12b: {  	v4 =	vld [tilespmem:s17+$0x820]  }
0x12c: {  	v5 =	vld [tilespmem:s17+$0x860]  }
0x12d: {  	v6 =	vld [tilespmem:s17+$0xC20];
	v7 =	vmax.f32 v0, v1  }
0x12e: {  	v43 =	vld [tilespmem:s17+$0xC60];
	v8 =	vmin.f32 v0, v1;
	v44 =	vmin.f32 v7, v2;
	v7 =	vmax.f32 v7, v2  }
0x12f: {  	v45 =	vld [tilespmem:s17+$0x1020];
	v8 =	vmax.f32 v8, v44;
	v46 =	vmin.f32 v7, v3;
	v3 =	vmax.f32 v7, v3  }
0x130: {  	v7 =	vmax.f32 v8, v46;
	v8 =	vmin.f32 v3, v4;
	v3 =	vmax.f32 v3, v4  }
0x131: {  	v47 =	vld [tilespmem:s15+$0x9020];
	v4 =	vmax.f32 v7, v8;
	v7 =	vmin.f32 v3, v5;
	v3 =	vmax.f32 v3, v5  }
0x132: {  	v8 =	vld [tilespmem:s15+$0x9060];
	v4 =	vmax.f32 v4, v7;
	v7 =	vmin.f32 v3, v6;
	v3 =	vmax.f32 v3, v6  }
0x133: {  	v4 =	vmax.f32 v4, v7;
	v7 =	vmin.f32 v3, v43;
	v3 =	vmax.f32 v3, v43  }
0x134: {  	v48 =	vld [tilespmem:s15+$0x9420];
	v4 =	vmax.f32 v4, v7;
	v7 =	vmin.f32 v3, v45;
	v3 =	vmax.f32 v3, v45  }
0x135: {  	v4 =	vmax.f32 v4, v7;
	vm7 =	veq.f32 v0, v3;
	vm8 =	veq.f32 v1, v3  }
0x136: {  	v0 =	vld [tilespmem:s15+$0x9460];
	v1 =	vsel vm7, v4, v3;
	v7 =	vsel vm8, v4, v3  }
0x137: {  	vm9 =	veq.f32 v2, v3;
	v1 =	vadd.f32 v1, v47;
	v2 =	vadd.f32 v7, v8  }
0x138: {  	vm10 =	veq.f32 v5, v3;
	v7 =	vsel vm9, v4, v3;
	v8 =	vld [tilespmem:s15+$0x9820]  }
0x139: {  	v7 =	vadd.f32 v7, v48;
	v1 =	vmax.f32 v1, $0.0e+00;
	v2 =	vmax.f32 v2, $0.0e+00  }
0x13a: {  	v5 =	vsel vm10, v4, v3;
	v1 =	vadd.f32 v2, v1  }
0x13b: {  	vm11 =	veq.f32 v6, v3;
	v0 =	vadd.f32 v0, v5;
	v2 =	vmax.f32 v7, $0.0e+00  }
0x13c: {  	v3 =	vsel vm11, v4, v3;
	v1 =	vadd.f32 v1, v2  }
0x13d: {  	v2 =	vadd.f32 v8, v3;
	v0 =	vmax.f32 v0, $0.0e+00  }
0x13e: {  	v0 =	vadd.f32 v1, v0  }
0x13f: {  	v1 =	vmax.f32 v2, $0.0e+00  }
0x140: {  	v0 =	vadd.f32 v0, v1;
	_ =	sdelay $0x1  }
0x141: {  	[tilespmem:s16+$0xC020] =	vst v0  }
0x142: {  	v0 =	vld [tilespmem:s17+$0x30]  }
0x143: {  	v1 =	vld [tilespmem:s17+$0x70]  }
0x144: {  	v2 =	vld [tilespmem:s17+$0x430]  }
0x145: {  	v3 =	vld [tilespmem:s17+$0x470]  }
0x146: {  	v4 =	vld [tilespmem:s17+$0x830]  }
0x147: {  	v5 =	vld [tilespmem:s17+$0x870]  }
0x148: {  	v6 =	vld [tilespmem:s17+$0xC30];
	v7 =	vmax.f32 v0, v1  }
0x149: {  	v49 =	vld [tilespmem:s17+$0xC70];
	v8 =	vmin.f32 v0, v1;
	v50 =	vmin.f32 v7, v2;
	v7 =	vmax.f32 v7, v2  }
0x14a: {  	v51 =	vld [tilespmem:s17+$0x1030];
	v8 =	vmax.f32 v8, v50;
	v52 =	vmin.f32 v7, v3;
	v3 =	vmax.f32 v7, v3  }
0x14b: {  	v7 =	vmax.f32 v8, v52;
	v8 =	vmin.f32 v3, v4;
	v3 =	vmax.f32 v3, v4  }
0x14c: {  	v53 =	vld [tilespmem:s15+$0x9070];
	v7 =	vmax.f32 v7, v8;
	v8 =	vmin.f32 v3, v5;
	v3 =	vmax.f32 v3, v5  }
0x14d: {  	v4 =	vld [tilespmem:s15+$0x9030];
	v7 =	vmax.f32 v7, v8;
	v8 =	vmin.f32 v3, v6;
	v3 =	vmax.f32 v3, v6  }
0x14e: {  	v7 =	vmax.f32 v7, v8;
	v8 =	vmin.f32 v3, v49;
	v3 =	vmax.f32 v3, v49  }
0x14f: {  	v12 =	vld [tilespmem:s15+$0x9430];
	v7 =	vmax.f32 v7, v8;
	v8 =	vmin.f32 v3, v51;
	v3 =	vmax.f32 v3, v51  }
0x150: {  	v7 =	vmax.f32 v7, v8;
	vm12 =	veq.f32 v0, v3;
	vm13 =	veq.f32 v1, v3  }
0x151: {  	v0 =	vld [tilespmem:s15+$0x9470];
	v1 =	vsel vm12, v7, v3;
	v8 =	vsel vm13, v7, v3  }
0x152: {  	vm14 =	veq.f32 v2, v3;
	v1 =	vadd.f32 v1, v4;
	v2 =	vadd.f32 v8, v53  }
0x153: {  	vm15 =	veq.f32 v5, v3;
	v4 =	vsel vm14, v7, v3;
	v8 =	vld [tilespmem:s15+$0x9830]  }
0x154: {  	v4 =	vadd.f32 v4, v12;
	v1 =	vmax.f32 v1, $0.0e+00;
	v2 =	vmax.f32 v2, $0.0e+00  }
0x155: {  	v5 =	vsel vm15, v7, v3;
	v1 =	vadd.f32 v2, v1  }
0x156: {  	vm4 =	veq.f32 v6, v3;
	v2 =	vmax.f32 v4, $0.0e+00;
	v0 =	vadd.f32 v0, v5  }
0x157: {  	v3 =	vsel vm4, v7, v3;
	v1 =	vadd.f32 v1, v2  }
0x158: {  	v0 =	vmax.f32 v0, $0.0e+00;
	v2 =	vadd.f32 v8, v3  }
0x159: {  	v0 =	vadd.f32 v1, v0  }
0x15a: {  	v1 =	vmax.f32 v2, $0.0e+00  }
0x15b: {  	v0 =	vadd.f32 v0, v1;
	_ =	sdelay $0x1  }
0x15c: {  	s15 =	simm.s32 $0x0;
	[tilespmem:s16+$0xC030] =	vst v0  }
0x15d: {  	[tilespmem:s15], [sflag:$0x1] =	stream.linear.gather [hbm4b:s5+s15], $0x9000, $0x38;
	[tilespmem:$0xE000] =	vst v63  }
0x15e: {  	_ =	swait.ge [sflag:s11], $0x9000  }
0x15f: {  	s28 =	simm.s32 $0x0;
	[sflag:s11] =	ssyncset.done $0x0  }
0x160: {  	s29 =	smul.u32 $0x9000, s28;
	[sflag:s11] =	ssyncadd.s32 $0xFFFF7000  }
0x161: {  	[tilespmem:s12], [sflag:$0x1] =	stream.linear.gather [hbm4b:s6+s15], $0x3000, $0x38;
	[tilespmem:$0xE000] =	vst v63  }
0x162: {  	_ =	swait.ge [sflag:s11], $0x3000  }
0x163: {  	s30 =	sand.u32 $0x380, s15;
	s16 =	sshra.s32 s29, $0x2;
	[sflag:s11] =	ssyncset.done $0x0  }
0x164: {  	s16 =	sor.u32 s30, s16;
	[sflag:s11] =	ssyncadd.s32 $0xFFFFD000  }
0x165: {  	v0 =	vld [tilespmem:s16+$0x0]  }
0x166: {  	v1 =	vld [tilespmem:s16+$0x40]  }
0x167: {  	v2 =	vld [tilespmem:s16+$0x400]  }
0x168: {  	v3 =	vld [tilespmem:s16+$0x440]  }
0x169: {  	v4 =	vld [tilespmem:s16+$0x800]  }
0x16a: {  	v5 =	vld [tilespmem:s16+$0x840]  }
0x16b: {  	v6 =	vld [tilespmem:s16+$0xC00];
	v7 =	vmax.f32 v0, v1  }
0x16c: {  	v0 =	vmin.f32 v0, v1;
	v1 =	vld [tilespmem:s16+$0xC40];
	v8 =	vmin.f32 v7, v2;
	v2 =	vmax.f32 v7, v2  }
0x16d: {  	v7 =	vld [tilespmem:s16+$0x1000];
	v0 =	vmax.f32 v0, v8;
	v8 =	vmin.f32 v2, v3;
	v2 =	vmax.f32 v2, v3  }
0x16e: {  	v54 =	vld [tilespmem:s16+$0x1040];
	v0 =	vmax.f32 v0, v8;
	v8 =	vmin.f32 v2, v4;
	v2 =	vmax.f32 v2, v4  }
0x16f: {  	s18 =	smul.u32 $0x3000, s28;
	v55 =	vld [tilespmem:s16+$0x1400];
	v0 =	vmax.f32 v0, v8;
	v8 =	vmin.f32 v2, v5;
	v2 =	vmax.f32 v2, v5  }
0x170: {  	v5 =	vld [tilespmem:s16+$0x1440];
	v0 =	vmax.f32 v0, v8;
	v8 =	vmin.f32 v2, v6;
	v2 =	vmax.f32 v2, v6  }
0x171: {  	s18 =	sshra.s32 s18, $0x2;
	v6 =	vld [tilespmem:s16+$0x1800];
	v0 =	vmax.f32 v0, v8;
	v8 =	vmin.f32 v2, v1;
	v1 =	vmax.f32 v2, v1  }
0x172: {  	s18 =	sor.u32 s30, s18;
	v0 =	vmax.f32 v0, v8;
	v2 =	vmin.f32 v1, v7;
	v1 =	vmax.f32 v1, v7  }
0x173: {  	v7 =	vld [tilespmem:s18+$0x9040];
	v0 =	vmax.f32 v0, v2;
	v2 =	vmin.f32 v1, v54;
	v1 =	vmax.f32 v1, v54  }
0x174: {  	v8 =	vld [tilespmem:s18+$0x9000];
	v0 =	vmax.f32 v0, v2;
	v2 =	vmin.f32 v1, v55;
	v1 =	vmax.f32 v1, v55  }
0x175: {  	v0 =	vmax.f32 v0, v2;
	v2 =	vmin.f32 v1, v5;
	v1 =	vmax.f32 v1, v5  }
0x176: {  	v5 =	vld [tilespmem:s18+$0x9400];
	v0 =	vmax.f32 v0, v2;
	v2 =	vmin.f32 v1, v6;
	v1 =	vmax.f32 v1, v6  }
0x177: {  	v0 =	vmax.f32 v0, v2;
	vm5 =	veq.f32 v3, v1;
	vm6 =	veq.f32 v4, v1  }
0x178: {  	v2 =	vld [tilespmem:s18+$0x9440];
	v3 =	vsel vm5, v0, v1;
	v4 =	vsel vm6, v0, v1  }
0x179: {  	vm7 =	veq.f32 v54, v1;
	v3 =	vadd.f32 v3, v8;
	v4 =	vadd.f32 v4, v7  }
0x17a: {  	vm8 =	veq.f32 v55, v1;
	v6 =	vsel vm7, v0, v1  }
0x17b: {  	v5 =	vadd.f32 v6, v5;
	v3 =	vmax.f32 v3, $0.0e+00;
	v4 =	vmax.f32 v4, $0.0e+00  }
0x17c: {  	v0 =	vsel vm8, v0, v1;
	v1 =	vadd.f32 v4, v3  }
0x17d: {  	v0 =	vadd.f32 v2, v0;
	v2 =	vmax.f32 v5, $0.0e+00  }
0x17e: {  	v1 =	vadd.f32 v1, v2  }
0x17f: {  	s31 =	simm.s32 $0x0;
	v0 =	vmax.f32 v0, $0.0e+00  }
0x180: {  	s19 =	sand.u32 $0x3FFFF800, s31;
	v0 =	vadd.f32 v1, v0  }
0x181: {  	s19 =	sor.u32 s30, s19  }
0x182: {  	[tilespmem:s19+$0xC040] =	vst v0  }
0x183: {  	v0 =	vld [tilespmem:s16+$0x10]  }
0x184: {  	v1 =	vld [tilespmem:s16+$0x50]  }
0x185: {  	v2 =	vld [tilespmem:s16+$0x410]  }
0x186: {  	v3 =	vld [tilespmem:s16+$0x450]  }
0x187: {  	v4 =	vld [tilespmem:s16+$0x810]  }
0x188: {  	v5 =	vld [tilespmem:s16+$0x850]  }
0x189: {  	v6 =	vld [tilespmem:s16+$0xC10];
	v7 =	vmax.f32 v0, v1  }
0x18a: {  	v0 =	vmin.f32 v0, v1;
	v1 =	vld [tilespmem:s16+$0xC50];
	v8 =	vmin.f32 v7, v2;
	v2 =	vmax.f32 v7, v2  }
0x18b: {  	v7 =	vld [tilespmem:s16+$0x1010];
	v0 =	vmax.f32 v0, v8;
	v8 =	vmin.f32 v2, v3;
	v2 =	vmax.f32 v2, v3  }
0x18c: {  	v56 =	vld [tilespmem:s16+$0x1050];
	v0 =	vmax.f32 v0, v8;
	v8 =	vmin.f32 v2, v4;
	v2 =	vmax.f32 v2, v4  }
0x18d: {  	v57 =	vld [tilespmem:s16+$0x1410];
	v0 =	vmax.f32 v0, v8;
	v8 =	vmin.f32 v2, v5;
	v2 =	vmax.f32 v2, v5  }
0x18e: {  	v5 =	vld [tilespmem:s16+$0x1450];
	v0 =	vmax.f32 v0, v8;
	v8 =	vmin.f32 v2, v6;
	v2 =	vmax.f32 v2, v6  }
0x18f: {  	v6 =	vld [tilespmem:s16+$0x1810];
	v0 =	vmax.f32 v0, v8;
	v8 =	vmin.f32 v2, v1;
	v1 =	vmax.f32 v2, v1  }
0x190: {  	v0 =	vmax.f32 v0, v8;
	v2 =	vmin.f32 v1, v7;
	v1 =	vmax.f32 v1, v7  }
0x191: {  	v7 =	vld [tilespmem:s18+$0x9050];
	v0 =	vmax.f32 v0, v2;
	v2 =	vmin.f32 v1, v56;
	v1 =	vmax.f32 v1, v56  }
0x192: {  	v8 =	vld [tilespmem:s18+$0x9010];
	v0 =	vmax.f32 v0, v2;
	v2 =	vmin.f32 v1, v57;
	v1 =	vmax.f32 v1, v57  }
0x193: {  	v0 =	vmax.f32 v0, v2;
	v2 =	vmin.f32 v1, v5;
	v1 =	vmax.f32 v1, v5  }
0x194: {  	v5 =	vld [tilespmem:s18+$0x9410];
	v0 =	vmax.f32 v0, v2;
	v2 =	vmin.f32 v1, v6;
	v1 =	vmax.f32 v1, v6  }
0x195: {  	v0 =	vmax.f32 v0, v2;
	vm9 =	veq.f32 v3, v1;
	vm10 =	veq.f32 v4, v1  }
0x196: {  	v2 =	vld [tilespmem:s18+$0x9450];
	v3 =	vsel vm9, v0, v1;
	v4 =	vsel vm10, v0, v1  }
0x197: {  	vm11 =	veq.f32 v56, v1;
	v3 =	vadd.f32 v3, v8;
	v4 =	vadd.f32 v4, v7  }
0x198: {  	vm12 =	veq.f32 v57, v1;
	v6 =	vsel vm11, v0, v1  }
0x199: {  	v5 =	vadd.f32 v6, v5;
	v3 =	vmax.f32 v3, $0.0e+00;
	v4 =	vmax.f32 v4, $0.0e+00  }
0x19a: {  	v0 =	vsel vm12, v0, v1;
	v1 =	vadd.f32 v4, v3  }
0x19b: {  	v0 =	vadd.f32 v2, v0;
	v2 =	vmax.f32 v5, $0.0e+00  }
0x19c: {  	v1 =	vadd.f32 v1, v2  }
0x19d: {  	v0 =	vmax.f32 v0, $0.0e+00  }
0x19e: {  	v0 =	vadd.f32 v1, v0;
	_ =	sdelay $0x1  }
0x19f: {  	[tilespmem:s19+$0xC050] =	vst v0  }
0x1a0: {  	v0 =	vld [tilespmem:s16+$0x20]  }
0x1a1: {  	v1 =	vld [tilespmem:s16+$0x60]  }
0x1a2: {  	v2 =	vld [tilespmem:s16+$0x420]  }
0x1a3: {  	v3 =	vld [tilespmem:s16+$0x460]  }
0x1a4: {  	v4 =	vld [tilespmem:s16+$0x820]  }
0x1a5: {  	v5 =	vld [tilespmem:s16+$0x860]  }
0x1a6: {  	v6 =	vld [tilespmem:s16+$0xC20];
	v7 =	vmax.f32 v0, v1  }
0x1a7: {  	v0 =	vmin.f32 v0, v1;
	v1 =	vld [tilespmem:s16+$0xC60];
	v8 =	vmin.f32 v7, v2;
	v2 =	vmax.f32 v7, v2  }
0x1a8: {  	v7 =	vld [tilespmem:s16+$0x1020];
	v0 =	vmax.f32 v0, v8;
	v8 =	vmin.f32 v2, v3;
	v2 =	vmax.f32 v2, v3  }
0x1a9: {  	v58 =	vld [tilespmem:s16+$0x1060];
	v8 =	vmax.f32 v0, v8;
	v59 =	vmin.f32 v2, v4;
	v2 =	vmax.f32 v2, v4  }
0x1aa: {  	v0 =	vld [tilespmem:s16+$0x1420];
	v8 =	vmax.f32 v8, v59;
	v60 =	vmin.f32 v2, v5;
	v2 =	vmax.f32 v2, v5  }
0x1ab: {  	v5 =	vld [tilespmem:s16+$0x1460];
	v8 =	vmax.f32 v8, v60;
	v61 =	vmin.f32 v2, v6;
	v2 =	vmax.f32 v2, v6  }
0x1ac: {  	v6 =	vld [tilespmem:s16+$0x1820];
	v8 =	vmax.f32 v8, v61;
	v62 =	vmin.f32 v2, v1;
	v1 =	vmax.f32 v2, v1  }
0x1ad: {  	v2 =	vmax.f32 v8, v62;
	v8 =	vmin.f32 v1, v7;
	v1 =	vmax.f32 v1, v7  }
0x1ae: {  	v63 =	vld [tilespmem:s18+$0x9020];
	v2 =	vmax.f32 v2, v8;
	v7 =	vmin.f32 v1, v58;
	v1 =	vmax.f32 v1, v58  }
0x1af: {  	v8 =	vld [tilespmem:s18+$0x9060];
	v2 =	vmax.f32 v2, v7;
	v7 =	vmin.f32 v1, v0;
	v1 =	vmax.f32 v1, v0  }
0x1b0: {  	v2 =	vmax.f32 v2, v7;
	v7 =	vmin.f32 v1, v5;
	v1 =	vmax.f32 v1, v5  }
0x1b1: {  	v2 =	vmax.f32 v2, v7;
	v5 =	vmin.f32 v1, v6;
	v1 =	vmax.f32 v1, v6  }
0x1b2: {  	v2 =	vmax.f32 v2, v5;
	vm13 =	veq.f32 v3, v1;
	vm14 =	veq.f32 v4, v1;
	v3 =	vld [tilespmem:s18+$0x9420]  }
0x1b3: {  	vm15 =	veq.f32 v58, v1;
	v5 =	vsel vm13, v2, v1;
	v6 =	vsel vm14, v2, v1  }
0x1b4: {  	s22 =	simm.s32 $0x2;
	s17 =	simm.s32 $0x1;
	v4 =	vld [tilespmem:s18+$0x9460];
	v7 =	vsel vm15, v2, v1;
	v5 =	vadd.f32 v5, v63;
	v6 =	vadd.f32 v6, v8  }
.LBB2_4:
0x1b5: {  	s23 =	sshrl.u32 s17, $0x3  }
0x1b6: {  	vm0 =	veq.f32 v0, v1;
	s15 =	sadd.s32 $0x80, s15;
	s21 =	smov.u32 s22;
	s20 =	sadd.s32 $0x1, s22  }
0x1b7: {  	p0 =	sne.s32 s22, $0x1F;
	s24 =	smul.u32 $0x9000, s23;
	v0 =	vmax.f32 v5, $0.0e+00;
	v5 =	vmax.f32 v6, $0.0e+00;
	v3 =	vadd.f32 v7, v3  }
0x1b8: {  	s23 =	smul.u32 $0x3000, s23;
	v1 =	vsel vm0, v2, v1;
	v0 =	vadd.f32 v5, v0  }
0x1b9: {  	s22 =	sand.u32 $0x380, s15;
	s24 =	sshra.s32 s24, $0x2;
	v2 =	vmax.f32 v3, $0.0e+00;
	v1 =	vadd.f32 v4, v1  }
0x1ba: {  	s23 =	sshra.s32 s23, $0x2;
	s24 =	sor.u32 s22, s24;
	v0 =	vadd.f32 v0, v2  }
0x1bb: {  	v1 =	vmax.f32 v1, $0.0e+00  }
0x1bc: {  	v0 =	vadd.f32 v0, v1;
	_ =	sdelay $0x1  }
0x1bd: {  	[tilespmem:s19+$0xC060] =	vst v0  }
0x1be: {  	v0 =	vld [tilespmem:s16+$0x30]  }
0x1bf: {  	v1 =	vld [tilespmem:s16+$0x70]  }
0x1c0: {  	v2 =	vld [tilespmem:s16+$0x430]  }
0x1c1: {  	v3 =	vld [tilespmem:s16+$0x470]  }
0x1c2: {  	v4 =	vld [tilespmem:s16+$0x830]  }
0x1c3: {  	v5 =	vld [tilespmem:s16+$0x870]  }
0x1c4: {  	v6 =	vld [tilespmem:s16+$0xC30];
	v7 =	vmax.f32 v0, v1;
	v0 =	vmin.f32 v0, v1  }
0x1c5: {  	v1 =	vld [tilespmem:s16+$0xC70];
	v8 =	vmin.f32 v7, v2;
	v2 =	vmax.f32 v7, v2  }
0x1c6: {  	v7 =	vld [tilespmem:s16+$0x1030];
	v0 =	vmax.f32 v0, v8;
	v8 =	vmin.f32 v2, v3;
	v2 =	vmax.f32 v2, v3  }
0x1c7: {  	v9 =	vld [tilespmem:s16+$0x1070];
	v0 =	vmax.f32 v0, v8;
	v8 =	vmin.f32 v2, v4;
	v2 =	vmax.f32 v2, v4  }
0x1c8: {  	v10 =	vld [tilespmem:s16+$0x1430];
	v0 =	vmax.f32 v0, v8;
	v8 =	vmin.f32 v2, v5;
	v2 =	vmax.f32 v2, v5  }
0x1c9: {  	v5 =	vld [tilespmem:s16+$0x1470];
	v0 =	vmax.f32 v0, v8;
	v8 =	vmin.f32 v2, v6;
	v2 =	vmax.f32 v2, v6  }
0x1ca: {  	v6 =	vld [tilespmem:s16+$0x1830];
	v0 =	vmax.f32 v0, v8;
	v8 =	vmin.f32 v2, v1;
	v1 =	vmax.f32 v2, v1;
	s16 =	smov.u32 s24  }
0x1cb: {  	v0 =	vmax.f32 v0, v8;
	v2 =	vmin.f32 v1, v7;
	v1 =	vmax.f32 v1, v7;
	v7 =	vld [tilespmem:s18+$0x9030]  }
0x1cc: {  	v0 =	vmax.f32 v0, v2;
	v2 =	vmin.f32 v1, v9;
	v1 =	vmax.f32 v1, v9;
	v8 =	vld [tilespmem:s18+$0x9070]  }
0x1cd: {  	v0 =	vmax.f32 v0, v2;
	v2 =	vmin.f32 v1, v10;
	v1 =	vmax.f32 v1, v10;
	v11 =	vld [tilespmem:s18+$0x9430]  }
0x1ce: {  	v0 =	vmax.f32 v0, v2;
	v2 =	vmin.f32 v1, v5;
	v1 =	vmax.f32 v1, v5;
	v5 =	vld [tilespmem:s18+$0x9470]  }
0x1cf: {  	v0 =	vmax.f32 v0, v2;
	v2 =	vmin.f32 v1, v6;
	v1 =	vmax.f32 v1, v6  }
0x1d0: {  	v0 =	vmax.f32 v0, v2;
	vm0 =	veq.f32 v3, v1;
	vm1 =	veq.f32 v4, v1  }
0x1d1: {  	v2 =	vsel vm0, v0, v1;
	v3 =	vsel vm1, v0, v1;
	vm0 =	veq.f32 v9, v1  }
0x1d2: {  	v2 =	vadd.f32 v2, v7;
	v3 =	vadd.f32 v3, v8;
	v4 =	vsel vm0, v0, v1  }
0x1d3: {  	vm0 =	veq.f32 v10, v1;
	v4 =	vadd.f32 v4, v11  }
0x1d4: {  	v0 =	vsel vm0, v0, v1;
	v2 =	vmax.f32 v2, $0.0e+00;
	v3 =	vmax.f32 v3, $0.0e+00  }
0x1d5: {  	v0 =	vadd.f32 v5, v0;
	v1 =	vadd.f32 v3, v2  }
0x1d6: {  	v2 =	vmax.f32 v4, $0.0e+00  }
0x1d7: {  	v1 =	vadd.f32 v1, v2  }
0x1d8: {  	v0 =	vmax.f32 v0, $0.0e+00  }
0x1d9: {  	v0 =	vadd.f32 v1, v0;
	_ =	sdelay $0x1  }
0x1da: {  	[tilespmem:s19+$0xC070] =	vst v0  }
0x1db: {  	v0 =	vld [tilespmem:s16+$0x0]  }
0x1dc: {  	v1 =	vld [tilespmem:s16+$0x40]  }
0x1dd: {  	v2 =	vld [tilespmem:s16+$0x400]  }
0x1de: {  	v3 =	vld [tilespmem:s16+$0x440]  }
0x1df: {  	v4 =	vld [tilespmem:s16+$0x800]  }
0x1e0: {  	v5 =	vld [tilespmem:s16+$0x840]  }
0x1e1: {  	v6 =	vld [tilespmem:s16+$0xC00];
	v7 =	vmax.f32 v0, v1;
	v0 =	vmin.f32 v0, v1  }
0x1e2: {  	v1 =	vld [tilespmem:s16+$0xC40];
	v8 =	vmin.f32 v7, v2;
	v2 =	vmax.f32 v7, v2  }
0x1e3: {  	v7 =	vld [tilespmem:s16+$0x1000];
	v0 =	vmax.f32 v0, v8;
	v8 =	vmin.f32 v2, v3;
	v2 =	vmax.f32 v2, v3  }
0x1e4: {  	v9 =	vld [tilespmem:s16+$0x1040];
	v0 =	vmax.f32 v0, v8;
	v8 =	vmin.f32 v2, v4;
	v2 =	vmax.f32 v2, v4  }
0x1e5: {  	v10 =	vld [tilespmem:s16+$0x1400];
	v0 =	vmax.f32 v0, v8;
	v8 =	vmin.f32 v2, v5;
	v2 =	vmax.f32 v2, v5  }
0x1e6: {  	v5 =	vld [tilespmem:s16+$0x1440];
	v0 =	vmax.f32 v0, v8;
	v8 =	vmin.f32 v2, v6;
	v2 =	vmax.f32 v2, v6  }
0x1e7: {  	v6 =	vld [tilespmem:s16+$0x1800];
	v0 =	vmax.f32 v0, v8;
	v8 =	vmin.f32 v2, v1;
	v1 =	vmax.f32 v2, v1  }
0x1e8: {  	s18 =	sor.u32 s22, s23;
	v0 =	vmax.f32 v0, v8;
	v2 =	vmin.f32 v1, v7;
	v1 =	vmax.f32 v1, v7  }
0x1e9: {  	v0 =	vmax.f32 v0, v2;
	v2 =	vmin.f32 v1, v9;
	v1 =	vmax.f32 v1, v9;
	v7 =	vld [tilespmem:s18+$0x9040]  }
0x1ea: {  	v0 =	vmax.f32 v0, v2;
	v2 =	vmin.f32 v1, v10;
	v1 =	vmax.f32 v1, v10;
	v8 =	vld [tilespmem:s18+$0x9000]  }
0x1eb: {  	v0 =	vmax.f32 v0, v2;
	v2 =	vmin.f32 v1, v5;
	v1 =	vmax.f32 v1, v5;
	v5 =	vld [tilespmem:s18+$0x9400]  }
0x1ec: {  	v0 =	vmax.f32 v0, v2;
	v2 =	vmin.f32 v1, v6;
	v1 =	vmax.f32 v1, v6  }
0x1ed: {  	v0 =	vmax.f32 v0, v2;
	vm0 =	veq.f32 v3, v1;
	vm1 =	veq.f32 v4, v1;
	v2 =	vld [tilespmem:s18+$0x9440]  }
0x1ee: {  	v3 =	vsel vm0, v0, v1;
	v4 =	vsel vm1, v0, v1;
	vm0 =	veq.f32 v9, v1  }
0x1ef: {  	v3 =	vadd.f32 v3, v8;
	v4 =	vadd.f32 v4, v7;
	v6 =	vsel vm0, v0, v1  }
0x1f0: {  	vm0 =	veq.f32 v10, v1;
	v5 =	vadd.f32 v6, v5  }
0x1f1: {  	v0 =	vsel vm0, v0, v1;
	v3 =	vmax.f32 v3, $0.0e+00;
	v4 =	vmax.f32 v4, $0.0e+00  }
0x1f2: {  	v1 =	vadd.f32 v4, v3;
	v0 =	vadd.f32 v2, v0  }
0x1f3: {  	v2 =	vmax.f32 v5, $0.0e+00  }
0x1f4: {  	v1 =	vadd.f32 v1, v2  }
0x1f5: {  	s19 =	sshll.u32 s17, $0x8;
	s17 =	smov.u32 s21;
	v0 =	vmax.f32 v0, $0.0e+00  }
0x1f6: {  	s19 =	sand.u32 $0x3FFFF800, s19;
	v0 =	vadd.f32 v1, v0  }
0x1f7: {  	s19 =	sor.u32 s22, s19  }
0x1f8: {  	[tilespmem:s19+$0xC040] =	vst v0  }
0x1f9: {  	v0 =	vld [tilespmem:s16+$0x10]  }
0x1fa: {  	v1 =	vld [tilespmem:s16+$0x50]  }
0x1fb: {  	v2 =	vld [tilespmem:s16+$0x410]  }
0x1fc: {  	v3 =	vld [tilespmem:s16+$0x450]  }
0x1fd: {  	v4 =	vld [tilespmem:s16+$0x810]  }
0x1fe: {  	v5 =	vld [tilespmem:s16+$0x850]  }
0x1ff: {  	v6 =	vld [tilespmem:s16+$0xC10];
	v7 =	vmax.f32 v0, v1;
	v0 =	vmin.f32 v0, v1  }
0x200: {  	v1 =	vld [tilespmem:s16+$0xC50];
	v8 =	vmin.f32 v7, v2;
	v2 =	vmax.f32 v7, v2  }
0x201: {  	v7 =	vld [tilespmem:s16+$0x1010];
	v0 =	vmax.f32 v0, v8;
	v8 =	vmin.f32 v2, v3;
	v2 =	vmax.f32 v2, v3  }
0x202: {  	v9 =	vld [tilespmem:s16+$0x1050];
	v0 =	vmax.f32 v0, v8;
	v8 =	vmin.f32 v2, v4;
	v2 =	vmax.f32 v2, v4  }
0x203: {  	v10 =	vld [tilespmem:s16+$0x1410];
	v0 =	vmax.f32 v0, v8;
	v8 =	vmin.f32 v2, v5;
	v2 =	vmax.f32 v2, v5  }
0x204: {  	v5 =	vld [tilespmem:s16+$0x1450];
	v0 =	vmax.f32 v0, v8;
	v8 =	vmin.f32 v2, v6;
	v2 =	vmax.f32 v2, v6  }
0x205: {  	v6 =	vld [tilespmem:s16+$0x1810];
	v0 =	vmax.f32 v0, v8;
	v8 =	vmin.f32 v2, v1;
	v1 =	vmax.f32 v2, v1  }
0x206: {  	v0 =	vmax.f32 v0, v8;
	v2 =	vmin.f32 v1, v7;
	v1 =	vmax.f32 v1, v7  }
0x207: {  	v0 =	vmax.f32 v0, v2;
	v2 =	vmin.f32 v1, v9;
	v1 =	vmax.f32 v1, v9;
	v7 =	vld [tilespmem:s18+$0x9050]  }
0x208: {  	v0 =	vmax.f32 v0, v2;
	v2 =	vmin.f32 v1, v10;
	v1 =	vmax.f32 v1, v10;
	v8 =	vld [tilespmem:s18+$0x9010]  }
0x209: {  	v0 =	vmax.f32 v0, v2;
	v2 =	vmin.f32 v1, v5;
	v1 =	vmax.f32 v1, v5;
	v5 =	vld [tilespmem:s18+$0x9410]  }
0x20a: {  	v0 =	vmax.f32 v0, v2;
	v2 =	vmin.f32 v1, v6;
	v1 =	vmax.f32 v1, v6  }
0x20b: {  	v0 =	vmax.f32 v0, v2;
	vm0 =	veq.f32 v3, v1;
	vm1 =	veq.f32 v4, v1;
	v2 =	vld [tilespmem:s18+$0x9450]  }
0x20c: {  	v3 =	vsel vm0, v0, v1;
	v4 =	vsel vm1, v0, v1;
	vm0 =	veq.f32 v9, v1  }
0x20d: {  	v3 =	vadd.f32 v3, v8;
	v4 =	vadd.f32 v4, v7;
	v6 =	vsel vm0, v0, v1  }
0x20e: {  	vm0 =	veq.f32 v10, v1;
	v5 =	vadd.f32 v6, v5  }
0x20f: {  	v0 =	vsel vm0, v0, v1;
	v3 =	vmax.f32 v3, $0.0e+00;
	v4 =	vmax.f32 v4, $0.0e+00  }
0x210: {  	v1 =	vadd.f32 v4, v3;
	v0 =	vadd.f32 v2, v0  }
0x211: {  	v2 =	vmax.f32 v5, $0.0e+00  }
0x212: {  	v1 =	vadd.f32 v1, v2  }
0x213: {  	v0 =	vmax.f32 v0, $0.0e+00  }
0x214: {  	v0 =	vadd.f32 v1, v0;
	_ =	sdelay $0x1  }
0x215: {  	[tilespmem:s19+$0xC050] =	vst v0  }
0x216: {  	v0 =	vld [tilespmem:s16+$0x20]  }
0x217: {  	v1 =	vld [tilespmem:s16+$0x60]  }
0x218: {  	v2 =	vld [tilespmem:s16+$0x420]  }
0x219: {  	v4 =	vld [tilespmem:s16+$0x460]  }
0x21a: {  	v5 =	vld [tilespmem:s16+$0x820]  }
0x21b: {  	v3 =	vld [tilespmem:s16+$0x860]  }
0x21c: {  	v6 =	vld [tilespmem:s16+$0xC20];
	v7 =	vmax.f32 v0, v1;
	v0 =	vmin.f32 v0, v1  }
0x21d: {  	v1 =	vld [tilespmem:s16+$0xC60];
	v8 =	vmin.f32 v7, v2;
	v2 =	vmax.f32 v7, v2  }
0x21e: {  	v7 =	vld [tilespmem:s16+$0x1020];
	v0 =	vmax.f32 v0, v8;
	v8 =	vmin.f32 v2, v4;
	v2 =	vmax.f32 v2, v4  }
0x21f: {  	v9 =	vld [tilespmem:s16+$0x1060];
	v8 =	vmax.f32 v0, v8;
	v10 =	vmin.f32 v2, v5;
	v2 =	vmax.f32 v2, v5  }
0x220: {  	v0 =	vld [tilespmem:s16+$0x1420];
	v8 =	vmax.f32 v8, v10;
	v10 =	vmin.f32 v2, v3;
	v2 =	vmax.f32 v2, v3  }
0x221: {  	v3 =	vld [tilespmem:s16+$0x1460];
	v8 =	vmax.f32 v8, v10;
	v10 =	vmin.f32 v2, v6;
	v2 =	vmax.f32 v2, v6  }
0x222: {  	v6 =	vld [tilespmem:s16+$0x1820];
	v8 =	vmax.f32 v8, v10;
	v10 =	vmin.f32 v2, v1;
	v1 =	vmax.f32 v2, v1  }
0x223: {  	v2 =	vmax.f32 v8, v10;
	v8 =	vmin.f32 v1, v7;
	v1 =	vmax.f32 v1, v7  }
0x224: {  	v2 =	vmax.f32 v2, v8;
	v7 =	vmin.f32 v1, v9;
	v1 =	vmax.f32 v1, v9;
	v8 =	vld [tilespmem:s18+$0x9060]  }
0x225: {  	v2 =	vmax.f32 v2, v7;
	v7 =	vmin.f32 v1, v0;
	v1 =	vmax.f32 v1, v0;
	v10 =	vld [tilespmem:s18+$0x9020]  }
.Ltmp1:
0x226: {  	v2 =	vmax.f32 v2, v7;
	v7 =	vmin.f32 v1, v3;
	v1 =	vmax.f32 v1, v3;
	(pc) =	sbr.rel @p0 .LBB2_4-.Ltmp1, $4  }
0x227: {  	v2 =	vmax.f32 v2, v7;
	v7 =	vmin.f32 v1, v6;
	v1 =	vmax.f32 v1, v6;
	v3 =	vld [tilespmem:s18+$0x9420]  }
0x228: {  	v2 =	vmax.f32 v2, v7;
	vm0 =	veq.f32 v4, v1;
	vm1 =	veq.f32 v5, v1  }
0x229: {  	v5 =	vsel vm0, v2, v1;
	v6 =	vsel vm1, v2, v1;
	vm0 =	veq.f32 v9, v1;
	v4 =	vld [tilespmem:s18+$0x9460]  }
0x22a: {  	s22 =	smov.u32 s20;
	v5 =	vadd.f32 v5, v10;
	v6 =	vadd.f32 v6, v8;
	v7 =	vsel vm0, v2, v1  }
0x22b: {  	vm0 =	veq.f32 v0, v1  }
0x22c: {  	v0 =	vmax.f32 v5, $0.0e+00;
	v5 =	vmax.f32 v6, $0.0e+00;
	v3 =	vadd.f32 v7, v3  }
0x22d: {  	v1 =	vsel vm0, v2, v1;
	v0 =	vadd.f32 v5, v0  }
0x22e: {  	v2 =	vmax.f32 v3, $0.0e+00;
	v1 =	vadd.f32 v4, v1  }
0x22f: {  	v0 =	vadd.f32 v0, v2  }
0x230: {  	v1 =	vmax.f32 v1, $0.0e+00  }
0x231: {  	v0 =	vadd.f32 v0, v1;
	_ =	sdelay $0x1  }
0x232: {  	[tilespmem:s19+$0xC060] =	vst v0  }
0x233: {  	v0 =	vld [tilespmem:s16+$0x30]  }
0x234: {  	v1 =	vld [tilespmem:s16+$0x70]  }
0x235: {  	v2 =	vld [tilespmem:s16+$0x430]  }
0x236: {  	v3 =	vld [tilespmem:s16+$0x470]  }
0x237: {  	v4 =	vld [tilespmem:s16+$0x830]  }
0x238: {  	v5 =	vld [tilespmem:s16+$0x870]  }
0x239: {  	v6 =	vld [tilespmem:s16+$0xC30];
	v7 =	vmax.f32 v0, v1  }
0x23a: {  	v0 =	vmin.f32 v0, v1;
	v1 =	vld [tilespmem:s16+$0xC70];
	v8 =	vmin.f32 v7, v2;
	v2 =	vmax.f32 v7, v2  }
0x23b: {  	v7 =	vld [tilespmem:s16+$0x1030];
	v0 =	vmax.f32 v0, v8;
	v48 =	vmin.f32 v2, v3;
	v2 =	vmax.f32 v2, v3  }
0x23c: {  	v9 =	vld [tilespmem:s16+$0x1070];
	v0 =	vmax.f32 v0, v48;
	v49 =	vmin.f32 v2, v4;
	v2 =	vmax.f32 v2, v4  }
0x23d: {  	v10 =	vld [tilespmem:s16+$0x1430];
	v0 =	vmax.f32 v0, v49;
	v50 =	vmin.f32 v2, v5;
	v2 =	vmax.f32 v2, v5  }
0x23e: {  	v5 =	vld [tilespmem:s16+$0x1470];
	v0 =	vmax.f32 v0, v50;
	v51 =	vmin.f32 v2, v6;
	v2 =	vmax.f32 v2, v6  }
0x23f: {  	v6 =	vld [tilespmem:s16+$0x1830];
	v0 =	vmax.f32 v0, v51;
	v52 =	vmin.f32 v2, v1;
	v1 =	vmax.f32 v2, v1  }
0x240: {  	v0 =	vmax.f32 v0, v52;
	v2 =	vmin.f32 v1, v7;
	v1 =	vmax.f32 v1, v7  }
0x241: {  	v53 =	vld [tilespmem:s18+$0x9070];
	v0 =	vmax.f32 v0, v2;
	v2 =	vmin.f32 v1, v9;
	v1 =	vmax.f32 v1, v9  }
0x242: {  	v7 =	vld [tilespmem:s18+$0x9030];
	v0 =	vmax.f32 v0, v2;
	v2 =	vmin.f32 v1, v10;
	v1 =	vmax.f32 v1, v10  }
0x243: {  	v0 =	vmax.f32 v0, v2;
	v2 =	vmin.f32 v1, v5;
	v1 =	vmax.f32 v1, v5  }
0x244: {  	v11 =	vld [tilespmem:s18+$0x9430];
	v0 =	vmax.f32 v0, v2;
	v2 =	vmin.f32 v1, v6;
	v1 =	vmax.f32 v1, v6  }
0x245: {  	v0 =	vmax.f32 v0, v2;
	vm5 =	veq.f32 v3, v1;
	vm1 =	veq.f32 v4, v1  }
0x246: {  	v2 =	vld [tilespmem:s18+$0x9470];
	v3 =	vsel vm5, v0, v1;
	v4 =	vsel vm1, v0, v1  }
0x247: {  	vm6 =	veq.f32 v9, v1;
	v3 =	vadd.f32 v3, v7;
	v4 =	vadd.f32 v4, v53  }
0x248: {  	vm7 =	veq.f32 v10, v1;
	v5 =	vsel vm6, v0, v1  }
0x249: {  	v5 =	vadd.f32 v5, v11;
	v3 =	vmax.f32 v3, $0.0e+00;
	v4 =	vmax.f32 v4, $0.0e+00  }
0x24a: {  	v0 =	vsel vm7, v0, v1;
	v1 =	vadd.f32 v4, v3  }
0x24b: {  	v0 =	vadd.f32 v2, v0;
	v2 =	vmax.f32 v5, $0.0e+00  }
0x24c: {  	s22 =	sshrl.u32 s17, $0x3;
	v1 =	vadd.f32 v1, v2  }
0x24d: {  	s20 =	smul.u32 $0x9000, s22;
	v0 =	vmax.f32 v0, $0.0e+00  }
0x24e: {  	s15 =	sadd.s32 $0x80, s15;
	v0 =	vadd.f32 v1, v0  }
0x24f: {  	s23 =	sand.u32 $0x380, s15;
	s24 =	sshra.s32 s20, $0x2  }
0x250: {  	s15 =	sor.u32 s23, s24;
	[tilespmem:s19+$0xC070] =	vst v0  }
0x251: {  	v0 =	vld [tilespmem:s15+$0x0]  }
0x252: {  	v1 =	vld [tilespmem:s15+$0x40]  }
0x253: {  	v2 =	vld [tilespmem:s15+$0x400]  }
0x254: {  	v3 =	vld [tilespmem:s15+$0x440]  }
0x255: {  	v4 =	vld [tilespmem:s15+$0x800]  }
0x256: {  	v5 =	vld [tilespmem:s15+$0x840]  }
0x257: {  	v6 =	vld [tilespmem:s15+$0xC00];
	v7 =	vmax.f32 v0, v1  }
0x258: {  	v0 =	vmin.f32 v0, v1;
	v1 =	vld [tilespmem:s15+$0xC40];
	v54 =	vmin.f32 v7, v2;
	v2 =	vmax.f32 v7, v2  }
0x259: {  	v7 =	vld [tilespmem:s15+$0x1000];
	v0 =	vmax.f32 v0, v54;
	v55 =	vmin.f32 v2, v3;
	v2 =	vmax.f32 v2, v3  }
0x25a: {  	v56 =	vld [tilespmem:s15+$0x1040];
	v0 =	vmax.f32 v0, v55;
	v57 =	vmin.f32 v2, v4;
	v2 =	vmax.f32 v2, v4  }
0x25b: {  	s16 =	smul.u32 $0x3000, s22;
	v58 =	vld [tilespmem:s15+$0x1400];
	v0 =	vmax.f32 v0, v57;
	v59 =	vmin.f32 v2, v5;
	v2 =	vmax.f32 v2, v5  }
0x25c: {  	v5 =	vld [tilespmem:s15+$0x1440];
	v0 =	vmax.f32 v0, v59;
	v60 =	vmin.f32 v2, v6;
	v2 =	vmax.f32 v2, v6  }
0x25d: {  	s16 =	sshra.s32 s16, $0x2;
	v6 =	vld [tilespmem:s15+$0x1800];
	v0 =	vmax.f32 v0, v60;
	v61 =	vmin.f32 v2, v1;
	v1 =	vmax.f32 v2, v1  }
0x25e: {  	s16 =	sor.u32 s23, s16;
	v0 =	vmax.f32 v0, v61;
	v2 =	vmin.f32 v1, v7;
	v1 =	vmax.f32 v1, v7  }
0x25f: {  	v62 =	vld [tilespmem:s16+$0x9000];
	v0 =	vmax.f32 v0, v2;
	v2 =	vmin.f32 v1, v56;
	v1 =	vmax.f32 v1, v56  }
0x260: {  	v7 =	vld [tilespmem:s16+$0x9040];
	v0 =	vmax.f32 v0, v2;
	v2 =	vmin.f32 v1, v58;
	v1 =	vmax.f32 v1, v58  }
0x261: {  	v0 =	vmax.f32 v0, v2;
	v2 =	vmin.f32 v1, v5;
	v1 =	vmax.f32 v1, v5  }
0x262: {  	v5 =	vld [tilespmem:s16+$0x9400];
	v0 =	vmax.f32 v0, v2;
	v2 =	vmin.f32 v1, v6;
	v1 =	vmax.f32 v1, v6  }
0x263: {  	v0 =	vmax.f32 v0, v2;
	vm8 =	veq.f32 v3, v1;
	vm9 =	veq.f32 v4, v1  }
0x264: {  	v2 =	vld [tilespmem:s16+$0x9440];
	v3 =	vsel vm8, v0, v1;
	v4 =	vsel vm9, v0, v1  }
0x265: {  	vm10 =	veq.f32 v56, v1;
	v3 =	vadd.f32 v3, v62;
	v4 =	vadd.f32 v4, v7  }
0x266: {  	vm11 =	veq.f32 v58, v1;
	v6 =	vsel vm10, v0, v1  }
0x267: {  	v5 =	vadd.f32 v6, v5;
	v3 =	vmax.f32 v3, $0.0e+00;
	v4 =	vmax.f32 v4, $0.0e+00  }
0x268: {  	v0 =	vsel vm11, v0, v1;
	v1 =	vadd.f32 v4, v3  }
0x269: {  	v0 =	vadd.f32 v2, v0;
	v2 =	vmax.f32 v5, $0.0e+00  }
0x26a: {  	v1 =	vadd.f32 v1, v2  }
0x26b: {  	s25 =	sshll.u32 s17, $0x8;
	v0 =	vmax.f32 v0, $0.0e+00  }
0x26c: {  	s17 =	sand.u32 $0x3FFFF800, s25;
	v0 =	vadd.f32 v1, v0  }
0x26d: {  	s17 =	sor.u32 s23, s17  }
0x26e: {  	[tilespmem:s17+$0xC040] =	vst v0  }
0x26f: {  	v0 =	vld [tilespmem:s15+$0x10]  }
0x270: {  	v1 =	vld [tilespmem:s15+$0x50]  }
0x271: {  	v2 =	vld [tilespmem:s15+$0x410]  }
0x272: {  	v3 =	vld [tilespmem:s15+$0x450]  }
0x273: {  	v4 =	vld [tilespmem:s15+$0x810]  }
0x274: {  	v5 =	vld [tilespmem:s15+$0x850]  }
0x275: {  	v6 =	vld [tilespmem:s15+$0xC10];
	v7 =	vmax.f32 v0, v1  }
0x276: {  	v0 =	vmin.f32 v0, v1;
	v1 =	vld [tilespmem:s15+$0xC50];
	v63 =	vmin.f32 v7, v2;
	v2 =	vmax.f32 v7, v2  }
0x277: {  	v7 =	vld [tilespmem:s15+$0x1010];
	v0 =	vmax.f32 v0, v63;
	v12 =	vmin.f32 v2, v3;
	v2 =	vmax.f32 v2, v3  }
0x278: {  	v13 =	vld [tilespmem:s15+$0x1050];
	v0 =	vmax.f32 v0, v12;
	v14 =	vmin.f32 v2, v4;
	v2 =	vmax.f32 v2, v4  }
0x279: {  	v15 =	vld [tilespmem:s15+$0x1410];
	v0 =	vmax.f32 v0, v14;
	v16 =	vmin.f32 v2, v5;
	v2 =	vmax.f32 v2, v5  }
0x27a: {  	v5 =	vld [tilespmem:s15+$0x1450];
	v0 =	vmax.f32 v0, v16;
	v17 =	vmin.f32 v2, v6;
	v2 =	vmax.f32 v2, v6  }
0x27b: {  	v6 =	vld [tilespmem:s15+$0x1810];
	v0 =	vmax.f32 v0, v17;
	v18 =	vmin.f32 v2, v1;
	v1 =	vmax.f32 v2, v1  }
0x27c: {  	v0 =	vmax.f32 v0, v18;
	v2 =	vmin.f32 v1, v7;
	v1 =	vmax.f32 v1, v7  }
0x27d: {  	v19 =	vld [tilespmem:s16+$0x9010];
	v0 =	vmax.f32 v0, v2;
	v2 =	vmin.f32 v1, v13;
	v1 =	vmax.f32 v1, v13  }
0x27e: {  	v7 =	vld [tilespmem:s16+$0x9050];
	v0 =	vmax.f32 v0, v2;
	v2 =	vmin.f32 v1, v15;
	v1 =	vmax.f32 v1, v15  }
0x27f: {  	v0 =	vmax.f32 v0, v2;
	v2 =	vmin.f32 v1, v5;
	v1 =	vmax.f32 v1, v5  }
0x280: {  	v5 =	vld [tilespmem:s16+$0x9410];
	v0 =	vmax.f32 v0, v2;
	v2 =	vmin.f32 v1, v6;
	v1 =	vmax.f32 v1, v6  }
0x281: {  	v0 =	vmax.f32 v0, v2;
	vm12 =	veq.f32 v3, v1;
	vm13 =	veq.f32 v4, v1  }
0x282: {  	v2 =	vld [tilespmem:s16+$0x9450];
	v3 =	vsel vm12, v0, v1;
	v4 =	vsel vm13, v0, v1  }
0x283: {  	vm14 =	veq.f32 v13, v1;
	v3 =	vadd.f32 v3, v19;
	v4 =	vadd.f32 v4, v7  }
0x284: {  	vm15 =	veq.f32 v15, v1;
	v6 =	vsel vm14, v0, v1  }
0x285: {  	v5 =	vadd.f32 v6, v5;
	v3 =	vmax.f32 v3, $0.0e+00;
	v4 =	vmax.f32 v4, $0.0e+00  }
0x286: {  	v0 =	vsel vm15, v0, v1;
	v1 =	vadd.f32 v4, v3  }
0x287: {  	v0 =	vadd.f32 v2, v0;
	v2 =	vmax.f32 v5, $0.0e+00  }
0x288: {  	v1 =	vadd.f32 v1, v2  }
0x289: {  	v0 =	vmax.f32 v0, $0.0e+00  }
0x28a: {  	v0 =	vadd.f32 v1, v0;
	_ =	sdelay $0x1  }
0x28b: {  	[tilespmem:s17+$0xC050] =	vst v0  }
0x28c: {  	v0 =	vld [tilespmem:s15+$0x20]  }
0x28d: {  	v1 =	vld [tilespmem:s15+$0x60]  }
0x28e: {  	v2 =	vld [tilespmem:s15+$0x420]  }
0x28f: {  	v3 =	vld [tilespmem:s15+$0x460]  }
0x290: {  	v4 =	vld [tilespmem:s15+$0x820]  }
0x291: {  	v5 =	vld [tilespmem:s15+$0x860]  }
0x292: {  	v6 =	vld [tilespmem:s15+$0xC20];
	v7 =	vmax.f32 v0, v1  }
0x293: {  	v0 =	vmin.f32 v0, v1;
	v1 =	vld [tilespmem:s15+$0xC60];
	v20 =	vmin.f32 v7, v2;
	v2 =	vmax.f32 v7, v2  }
0x294: {  	v7 =	vld [tilespmem:s15+$0x1020];
	v0 =	vmax.f32 v0, v20;
	v21 =	vmin.f32 v2, v3;
	v2 =	vmax.f32 v2, v3  }
0x295: {  	v22 =	vld [tilespmem:s15+$0x1060];
	v0 =	vmax.f32 v0, v21;
	v23 =	vmin.f32 v2, v4;
	v2 =	vmax.f32 v2, v4  }
0x296: {  	v24 =	vld [tilespmem:s15+$0x1420];
	v0 =	vmax.f32 v0, v23;
	v25 =	vmin.f32 v2, v5;
	v2 =	vmax.f32 v2, v5  }
0x297: {  	v5 =	vld [tilespmem:s15+$0x1460];
	v0 =	vmax.f32 v0, v25;
	v26 =	vmin.f32 v2, v6;
	v2 =	vmax.f32 v2, v6  }
0x298: {  	v6 =	vld [tilespmem:s15+$0x1820];
	v0 =	vmax.f32 v0, v26;
	v27 =	vmin.f32 v2, v1;
	v1 =	vmax.f32 v2, v1  }
0x299: {  	v0 =	vmax.f32 v0, v27;
	v2 =	vmin.f32 v1, v7;
	v1 =	vmax.f32 v1, v7  }
0x29a: {  	v28 =	vld [tilespmem:s16+$0x9020];
	v0 =	vmax.f32 v0, v2;
	v2 =	vmin.f32 v1, v22;
	v1 =	vmax.f32 v1, v22  }
0x29b: {  	v7 =	vld [tilespmem:s16+$0x9060];
	v0 =	vmax.f32 v0, v2;
	v2 =	vmin.f32 v1, v24;
	v1 =	vmax.f32 v1, v24  }
0x29c: {  	v0 =	vmax.f32 v0, v2;
	v2 =	vmin.f32 v1, v5;
	v1 =	vmax.f32 v1, v5  }
0x29d: {  	v5 =	vld [tilespmem:s16+$0x9420];
	v0 =	vmax.f32 v0, v2;
	v2 =	vmin.f32 v1, v6;
	v1 =	vmax.f32 v1, v6  }
0x29e: {  	v0 =	vmax.f32 v0, v2;
	vm4 =	veq.f32 v3, v1;
	vm5 =	veq.f32 v4, v1  }
0x29f: {  	v4 =	vld [tilespmem:s16+$0x9460];
	v2 =	vsel vm4, v0, v1;
	v3 =	vsel vm5, v0, v1  }
0x2a0: {  	vm6 =	veq.f32 v22, v1;
	v2 =	vadd.f32 v2, v28;
	v3 =	vadd.f32 v3, v7  }
0x2a1: {  	vm7 =	veq.f32 v24, v1;
	v6 =	vsel vm6, v0, v1  }
0x2a2: {  	v5 =	vadd.f32 v6, v5;
	v2 =	vmax.f32 v2, $0.0e+00;
	v3 =	vmax.f32 v3, $0.0e+00  }
0x2a3: {  	v0 =	vsel vm7, v0, v1;
	v2 =	vadd.f32 v3, v2  }
0x2a4: {  	v1 =	vmax.f32 v5, $0.0e+00;
	v0 =	vadd.f32 v4, v0  }
0x2a5: {  	v1 =	vadd.f32 v2, v1  }
0x2a6: {  	v0 =	vmax.f32 v0, $0.0e+00  }
0x2a7: {  	v0 =	vadd.f32 v1, v0;
	_ =	sdelay $0x1  }
0x2a8: {  	[tilespmem:s17+$0xC060] =	vst v0  }
0x2a9: {  	v0 =	vld [tilespmem:s15+$0x30]  }
0x2aa: {  	v1 =	vld [tilespmem:s15+$0x70]  }
0x2ab: {  	v2 =	vld [tilespmem:s15+$0x430]  }
0x2ac: {  	v3 =	vld [tilespmem:s15+$0x470]  }
0x2ad: {  	v4 =	vld [tilespmem:s15+$0x830]  }
0x2ae: {  	v5 =	vld [tilespmem:s15+$0x870]  }
0x2af: {  	v6 =	vld [tilespmem:s15+$0xC30];
	v7 =	vmax.f32 v0, v1  }
0x2b0: {  	v0 =	vmin.f32 v0, v1;
	v1 =	vld [tilespmem:s15+$0xC70];
	v29 =	vmin.f32 v7, v2;
	v2 =	vmax.f32 v7, v2  }
0x2b1: {  	v7 =	vld [tilespmem:s15+$0x1030];
	v0 =	vmax.f32 v0, v29;
	v30 =	vmin.f32 v2, v3;
	v2 =	vmax.f32 v2, v3  }
0x2b2: {  	v31 =	vld [tilespmem:s15+$0x1070];
	v0 =	vmax.f32 v0, v30;
	v32 =	vmin.f32 v2, v4;
	v2 =	vmax.f32 v2, v4  }
0x2b3: {  	v33 =	vld [tilespmem:s15+$0x1430];
	v0 =	vmax.f32 v0, v32;
	v34 =	vmin.f32 v2, v5;
	v2 =	vmax.f32 v2, v5  }
0x2b4: {  	v5 =	vld [tilespmem:s15+$0x1470];
	v0 =	vmax.f32 v0, v34;
	v35 =	vmin.f32 v2, v6;
	v2 =	vmax.f32 v2, v6  }
0x2b5: {  	v6 =	vld [tilespmem:s15+$0x1830];
	v0 =	vmax.f32 v0, v35;
	v36 =	vmin.f32 v2, v1;
	v1 =	vmax.f32 v2, v1  }
0x2b6: {  	v0 =	vmax.f32 v0, v36;
	v2 =	vmin.f32 v1, v7;
	v1 =	vmax.f32 v1, v7  }
0x2b7: {  	v37 =	vld [tilespmem:s16+$0x9070];
	v0 =	vmax.f32 v0, v2;
	v2 =	vmin.f32 v1, v31;
	v1 =	vmax.f32 v1, v31  }
0x2b8: {  	v7 =	vld [tilespmem:s16+$0x9030];
	v0 =	vmax.f32 v0, v2;
	v2 =	vmin.f32 v1, v33;
	v1 =	vmax.f32 v1, v33  }
0x2b9: {  	v0 =	vmax.f32 v0, v2;
	v2 =	vmin.f32 v1, v5;
	v1 =	vmax.f32 v1, v5  }
0x2ba: {  	v38 =	vld [tilespmem:s16+$0x9430];
	v0 =	vmax.f32 v0, v2;
	v2 =	vmin.f32 v1, v6;
	v1 =	vmax.f32 v1, v6  }
0x2bb: {  	v0 =	vmax.f32 v0, v2;
	vm8 =	veq.f32 v3, v1;
	vm9 =	veq.f32 v4, v1  }
0x2bc: {  	v2 =	vld [tilespmem:s16+$0x9470];
	v3 =	vsel vm8, v0, v1;
	v4 =	vsel vm9, v0, v1  }
0x2bd: {  	vm10 =	veq.f32 v31, v1;
	v3 =	vadd.f32 v3, v7;
	v4 =	vadd.f32 v4, v37  }
0x2be: {  	vm11 =	veq.f32 v33, v1;
	v5 =	vsel vm10, v0, v1  }
0x2bf: {  	v5 =	vadd.f32 v5, v38;
	v3 =	vmax.f32 v3, $0.0e+00;
	v4 =	vmax.f32 v4, $0.0e+00  }
0x2c0: {  	v0 =	vsel vm11, v0, v1;
	v1 =	vadd.f32 v4, v3  }
0x2c1: {  	v0 =	vadd.f32 v2, v0;
	v2 =	vmax.f32 v5, $0.0e+00  }
0x2c2: {  	v1 =	vadd.f32 v1, v2  }
0x2c3: {  	v0 =	vmax.f32 v0, $0.0e+00  }
0x2c4: {  	v0 =	vadd.f32 v1, v0;
	_ =	sdelay $0x1  }
0x2c5: {  	s15 =	simm.s32 $0x0;
	[tilespmem:s17+$0xC070] =	vst v0  }
0x2c6: {  	[tilespmem:s15], [sflag:$0x1] =	stream.linear.gather [hbm4b:s7+s15], $0x9000, $0x38;
	[tilespmem:$0xE000] =	vst v63  }
0x2c7: {  	_ =	swait.ge [sflag:s11], $0x9000  }
0x2c8: {  	s26 =	simm.s32 $0x0;
	[sflag:s11] =	ssyncset.done $0x0  }
0x2c9: {  	s28 =	smul.u32 $0x9000, s26;
	[sflag:s11] =	ssyncadd.s32 $0xFFFF7000  }
0x2ca: {  	[tilespmem:s12], [sflag:$0x1] =	stream.linear.gather [hbm4b:s8+s15], $0x3000, $0x38;
	[tilespmem:$0xE000] =	vst v63  }
0x2cb: {  	_ =	swait.ge [sflag:s11], $0x3000  }
0x2cc: {  	s29 =	sand.u32 $0x380, s15;
	s17 =	sshra.s32 s28, $0x2;
	[sflag:s11] =	ssyncset.done $0x0  }
0x2cd: {  	s17 =	sor.u32 s29, s17;
	[sflag:s11] =	ssyncadd.s32 $0xFFFFD000  }
0x2ce: {  	v0 =	vld [tilespmem:s17+$0x0]  }
0x2cf: {  	v1 =	vld [tilespmem:s17+$0x40]  }
0x2d0: {  	v2 =	vld [tilespmem:s17+$0x400]  }
0x2d1: {  	v3 =	vld [tilespmem:s17+$0x440]  }
0x2d2: {  	v4 =	vld [tilespmem:s17+$0x800]  }
0x2d3: {  	s16 =	smul.u32 $0x3000, s26;
	v5 =	vld [tilespmem:s17+$0x840]  }
0x2d4: {  	v6 =	vld [tilespmem:s17+$0xC00];
	v7 =	vmax.f32 v0, v1  }
0x2d5: {  	s16 =	sshra.s32 s16, $0x2;
	v0 =	vmin.f32 v0, v1;
	v1 =	vld [tilespmem:s17+$0xC40];
	v39 =	vmin.f32 v7, v2;
	v7 =	vmax.f32 v7, v2  }
0x2d6: {  	s30 =	sor.u32 s29, s16;
	v0 =	vmax.f32 v0, v39;
	v40 =	vmin.f32 v7, v3;
	v7 =	vmax.f32 v7, v3  }
0x2d7: {  	v0 =	vmax.f32 v0, v40;
	v41 =	vmin.f32 v7, v4;
	v4 =	vmax.f32 v7, v4;
	v7 =	vld [tilespmem:s30+$0x9040]  }
0x2d8: {  	v0 =	vmax.f32 v0, v41;
	v42 =	vmin.f32 v4, v5;
	v4 =	vmax.f32 v4, v5;
	v5 =	vld [tilespmem:s30+$0x9000]  }
0x2d9: {  	v0 =	vmax.f32 v0, v42;
	v43 =	vmin.f32 v4, v6;
	v4 =	vmax.f32 v4, v6  }
0x2da: {  	v44 =	vld [tilespmem:s30+$0x9400];
	v0 =	vmax.f32 v0, v43;
	v45 =	vmin.f32 v4, v1;
	v4 =	vmax.f32 v4, v1  }
0x2db: {  	v0 =	vmax.f32 v0, v45;
	vm12 =	veq.f32 v2, v4;
	vm13 =	veq.f32 v3, v4  }
0x2dc: {  	v2 =	vld [tilespmem:s30+$0x9440];
	v3 =	vsel vm12, v0, v4;
	v8 =	vsel vm13, v0, v4  }
0x2dd: {  	vm14 =	veq.f32 v6, v4;
	v3 =	vadd.f32 v3, v5;
	v5 =	vadd.f32 v8, v7  }
0x2de: {  	vm15 =	veq.f32 v1, v4;
	v6 =	vsel vm14, v0, v4  }
0x2df: {  	v6 =	vadd.f32 v6, v44;
	v1 =	vmax.f32 v3, $0.0e+00;
	v3 =	vmax.f32 v5, $0.0e+00  }
0x2e0: {  	v0 =	vsel vm15, v0, v4;
	v1 =	vadd.f32 v3, v1  }
0x2e1: {  	v0 =	vadd.f32 v2, v0;
	v2 =	vmax.f32 v6, $0.0e+00  }
0x2e2: {  	v1 =	vadd.f32 v1, v2  }
0x2e3: {  	s31 =	simm.s32 $0x0;
	v0 =	vmax.f32 v0, $0.0e+00  }
0x2e4: {  	s16 =	sand.u32 $0x3FFFF800, s31;
	v0 =	vadd.f32 v1, v0  }
0x2e5: {  	s16 =	sor.u32 s29, s16  }
0x2e6: {  	[tilespmem:s16+$0xC400] =	vst v0  }
0x2e7: {  	v0 =	vld [tilespmem:s17+$0x10]  }
0x2e8: {  	v1 =	vld [tilespmem:s17+$0x50]  }
0x2e9: {  	v2 =	vld [tilespmem:s17+$0x410]  }
0x2ea: {  	v3 =	vld [tilespmem:s17+$0x450]  }
0x2eb: {  	v4 =	vld [tilespmem:s17+$0x810]  }
0x2ec: {  	v5 =	vld [tilespmem:s17+$0x850]  }
0x2ed: {  	v6 =	vld [tilespmem:s17+$0xC10];
	v7 =	vmax.f32 v0, v1  }
0x2ee: {  	v0 =	vmin.f32 v0, v1;
	v1 =	vld [tilespmem:s17+$0xC50];
	v46 =	vmin.f32 v7, v2;
	v7 =	vmax.f32 v7, v2  }
0x2ef: {  	v0 =	vmax.f32 v0, v46;
	v47 =	vmin.f32 v7, v3;
	v7 =	vmax.f32 v7, v3  }
0x2f0: {  	v0 =	vmax.f32 v0, v47;
	v48 =	vmin.f32 v7, v4;
	v4 =	vmax.f32 v7, v4;
	v7 =	vld [tilespmem:s30+$0x9050]  }
0x2f1: {  	v0 =	vmax.f32 v0, v48;
	v49 =	vmin.f32 v4, v5;
	v4 =	vmax.f32 v4, v5;
	v5 =	vld [tilespmem:s30+$0x9010]  }
0x2f2: {  	v0 =	vmax.f32 v0, v49;
	v50 =	vmin.f32 v4, v6;
	v4 =	vmax.f32 v4, v6  }
0x2f3: {  	v51 =	vld [tilespmem:s30+$0x9410];
	v0 =	vmax.f32 v0, v50;
	v52 =	vmin.f32 v4, v1;
	v4 =	vmax.f32 v4, v1  }
0x2f4: {  	v0 =	vmax.f32 v0, v52;
	vm4 =	veq.f32 v2, v4;
	vm5 =	veq.f32 v3, v4  }
0x2f5: {  	v2 =	vld [tilespmem:s30+$0x9450];
	v3 =	vsel vm4, v0, v4;
	v8 =	vsel vm5, v0, v4  }
0x2f6: {  	vm6 =	veq.f32 v6, v4;
	v3 =	vadd.f32 v3, v5;
	v5 =	vadd.f32 v8, v7  }
0x2f7: {  	vm7 =	veq.f32 v1, v4;
	v6 =	vsel vm6, v0, v4  }
0x2f8: {  	v6 =	vadd.f32 v6, v51;
	v1 =	vmax.f32 v3, $0.0e+00;
	v3 =	vmax.f32 v5, $0.0e+00  }
0x2f9: {  	v0 =	vsel vm7, v0, v4;
	v1 =	vadd.f32 v3, v1  }
0x2fa: {  	v0 =	vadd.f32 v2, v0;
	v2 =	vmax.f32 v6, $0.0e+00  }
0x2fb: {  	v1 =	vadd.f32 v1, v2  }
0x2fc: {  	v0 =	vmax.f32 v0, $0.0e+00  }
0x2fd: {  	v0 =	vadd.f32 v1, v0;
	_ =	sdelay $0x1  }
0x2fe: {  	[tilespmem:s16+$0xC410] =	vst v0  }
0x2ff: {  	v0 =	vld [tilespmem:s17+$0x20]  }
0x300: {  	v1 =	vld [tilespmem:s17+$0x60]  }
0x301: {  	v2 =	vld [tilespmem:s17+$0x420]  }
0x302: {  	v3 =	vld [tilespmem:s17+$0x460]  }
0x303: {  	v4 =	vld [tilespmem:s17+$0x820]  }
0x304: {  	v5 =	vld [tilespmem:s17+$0x860]  }
0x305: {  	v6 =	vld [tilespmem:s17+$0xC20];
	v7 =	vmax.f32 v0, v1  }
0x306: {  	v0 =	vmin.f32 v0, v1;
	v1 =	vld [tilespmem:s17+$0xC60];
	v53 =	vmin.f32 v7, v2;
	v7 =	vmax.f32 v7, v2  }
0x307: {  	v0 =	vmax.f32 v0, v53;
	v54 =	vmin.f32 v7, v3;
	v7 =	vmax.f32 v7, v3  }
0x308: {  	v0 =	vmax.f32 v0, v54;
	v55 =	vmin.f32 v7, v4;
	v4 =	vmax.f32 v7, v4;
	v7 =	vld [tilespmem:s30+$0x9060]  }
0x309: {  	v0 =	vmax.f32 v0, v55;
	v56 =	vmin.f32 v4, v5;
	v4 =	vmax.f32 v4, v5;
	v5 =	vld [tilespmem:s30+$0x9020]  }
0x30a: {  	v0 =	vmax.f32 v0, v56;
	v57 =	vmin.f32 v4, v6;
	v4 =	vmax.f32 v4, v6  }
0x30b: {  	v58 =	vld [tilespmem:s30+$0x9420];
	v0 =	vmax.f32 v0, v57;
	v59 =	vmin.f32 v4, v1;
	v4 =	vmax.f32 v4, v1  }
0x30c: {  	v0 =	vmax.f32 v0, v59;
	vm8 =	veq.f32 v2, v4;
	vm9 =	veq.f32 v3, v4  }
0x30d: {  	v2 =	vld [tilespmem:s30+$0x9460];
	v3 =	vsel vm8, v0, v4;
	v8 =	vsel vm9, v0, v4  }
0x30e: {  	vm10 =	veq.f32 v6, v4;
	v3 =	vadd.f32 v3, v5;
	v5 =	vadd.f32 v8, v7  }
0x30f: {  	vm11 =	veq.f32 v1, v4;
	v6 =	vsel vm10, v0, v4  }
0x310: {  	v6 =	vadd.f32 v6, v58;
	v1 =	vmax.f32 v3, $0.0e+00;
	v3 =	vmax.f32 v5, $0.0e+00  }
0x311: {  	v0 =	vsel vm11, v0, v4;
	v1 =	vadd.f32 v3, v1  }
0x312: {  	v0 =	vadd.f32 v2, v0;
	v2 =	vmax.f32 v6, $0.0e+00  }
0x313: {  	v1 =	vadd.f32 v1, v2  }
0x314: {  	v0 =	vmax.f32 v0, $0.0e+00  }
0x315: {  	v0 =	vadd.f32 v1, v0;
	_ =	sdelay $0x1  }
0x316: {  	[tilespmem:s16+$0xC420] =	vst v0  }
0x317: {  	v0 =	vld [tilespmem:s17+$0x30]  }
0x318: {  	v1 =	vld [tilespmem:s17+$0x70]  }
0x319: {  	v2 =	vld [tilespmem:s17+$0x430]  }
0x31a: {  	v3 =	vld [tilespmem:s17+$0x470]  }
0x31b: {  	v4 =	vld [tilespmem:s17+$0x830]  }
0x31c: {  	v5 =	vld [tilespmem:s17+$0x870]  }
0x31d: {  	v6 =	vld [tilespmem:s17+$0xC30];
	v7 =	vmax.f32 v0, v1  }
0x31e: {  	v60 =	vld [tilespmem:s17+$0xC70];
	v0 =	vmin.f32 v0, v1;
	v1 =	vmin.f32 v7, v2;
	v7 =	vmax.f32 v7, v2  }
0x31f: {  	v0 =	vmax.f32 v0, v1;
	v1 =	vmin.f32 v7, v3;
	v7 =	vmax.f32 v7, v3  }
0x320: {  	v61 =	vld [tilespmem:s30+$0x9030];
	v0 =	vmax.f32 v0, v1;
	v1 =	vmin.f32 v7, v4;
	v4 =	vmax.f32 v7, v4  }
0x321: {  	v7 =	vld [tilespmem:s30+$0x9070];
	v0 =	vmax.f32 v0, v1;
	v1 =	vmin.f32 v4, v5;
	v4 =	vmax.f32 v4, v5  }
0x322: {  	v5 =	vld [tilespmem:s30+$0x9430];
	v0 =	vmax.f32 v0, v1;
	v1 =	vmin.f32 v4, v6;
	v4 =	vmax.f32 v4, v6  }
0x323: {  	v0 =	vmax.f32 v0, v1;
	v1 =	vmin.f32 v4, v60;
	v62 =	vmax.f32 v4, v60  }
0x324: {  	v63 =	vmax.f32 v0, v1;
	vm12 =	veq.f32 v2, v62  }
0x325: {  	vm13 =	veq.f32 v3, v62;
	vm14 =	veq.f32 v6, v62;
	v0 =	vsel vm12, v63, v62  }
0x326: {  	v1 =	vsel vm13, v63, v62;
	v2 =	vadd.f32 v0, v61;
	v0 =	vsel vm14, v63, v62  }
0x327: {  	v4 =	vadd.f32 v1, v7;
	v1 =	vadd.f32 v0, v5;
	v0 =	vld [tilespmem:s30+$0x9470]  }
0x328: {  	vm15 =	veq.f32 v60, v62  }
0x329: {  	s19 =	simm.s32 $0x2;
	s17 =	simm.s32 $0x1;
	v3 =	vmax.f32 v2, $0.0e+00;
	v4 =	vmax.f32 v4, $0.0e+00;
	v2 =	vsel vm15, v63, v62  }
.LBB2_6:
0x32a: {  	s20 =	sshrl.u32 s17, $0x3  }
0x32b: {  	v3 =	vadd.f32 v4, v3;
	s15 =	sadd.s32 $0x80, s15;
	s21 =	smov.u32 s19;
	s18 =	sadd.s32 $0x1, s19  }
0x32c: {  	p0 =	sne.s32 s19, $0x1F;
	v1 =	vmax.f32 v1, $0.0e+00;
	v0 =	vadd.f32 v0, v2;
	s19 =	smul.u32 $0x9000, s20  }
0x32d: {  	s20 =	smul.u32 $0x3000, s20;
	v1 =	vadd.f32 v3, v1  }
0x32e: {  	s22 =	sand.u32 $0x380, s15;
	v0 =	vmax.f32 v0, $0.0e+00;
	s19 =	sshra.s32 s19, $0x2  }
0x32f: {  	s19 =	sor.u32 s22, s19;
	v0 =	vadd.f32 v1, v0;
	_ =	sdelay $0x1  }
0x330: {  	[tilespmem:s16+$0xC430] =	vst v0  }
0x331: {  	v0 =	vld [tilespmem:s19+$0x0]  }
0x332: {  	v1 =	vld [tilespmem:s19+$0x40]  }
0x333: {  	v2 =	vld [tilespmem:s19+$0x400]  }
0x334: {  	v3 =	vld [tilespmem:s19+$0x440]  }
0x335: {  	v4 =	vld [tilespmem:s19+$0x800]  }
0x336: {  	v5 =	vld [tilespmem:s19+$0x840]  }
0x337: {  	v6 =	vld [tilespmem:s19+$0xC00];
	v7 =	vmax.f32 v0, v1;
	v0 =	vmin.f32 v0, v1  }
0x338: {  	s16 =	sshra.s32 s20, $0x2;
	v1 =	vld [tilespmem:s19+$0xC40];
	v8 =	vmin.f32 v7, v2;
	v7 =	vmax.f32 v7, v2  }
0x339: {  	s20 =	sor.u32 s22, s16;
	v0 =	vmax.f32 v0, v8;
	v8 =	vmin.f32 v7, v3;
	v7 =	vmax.f32 v7, v3  }
0x33a: {  	v0 =	vmax.f32 v0, v8;
	v8 =	vmin.f32 v7, v4;
	v4 =	vmax.f32 v7, v4;
	v7 =	vld [tilespmem:s20+$0x9040]  }
0x33b: {  	v0 =	vmax.f32 v0, v8;
	v8 =	vmin.f32 v4, v5;
	v4 =	vmax.f32 v4, v5;
	v5 =	vld [tilespmem:s20+$0x9000]  }
0x33c: {  	v0 =	vmax.f32 v0, v8;
	v8 =	vmin.f32 v4, v6;
	v4 =	vmax.f32 v4, v6;
	v9 =	vld [tilespmem:s20+$0x9400]  }
0x33d: {  	v0 =	vmax.f32 v0, v8;
	v8 =	vmin.f32 v4, v1;
	v4 =	vmax.f32 v4, v1  }
0x33e: {  	v0 =	vmax.f32 v0, v8;
	vm0 =	veq.f32 v2, v4;
	vm1 =	veq.f32 v3, v4;
	v2 =	vld [tilespmem:s20+$0x9440]  }
0x33f: {  	v3 =	vsel vm0, v0, v4;
	v8 =	vsel vm1, v0, v4;
	vm0 =	veq.f32 v6, v4  }
0x340: {  	v3 =	vadd.f32 v3, v5;
	v5 =	vadd.f32 v8, v7;
	v6 =	vsel vm0, v0, v4  }
0x341: {  	vm0 =	veq.f32 v1, v4;
	v6 =	vadd.f32 v6, v9  }
0x342: {  	v0 =	vsel vm0, v0, v4;
	v1 =	vmax.f32 v3, $0.0e+00;
	v3 =	vmax.f32 v5, $0.0e+00  }
0x343: {  	v1 =	vadd.f32 v3, v1;
	v0 =	vadd.f32 v2, v0  }
0x344: {  	v2 =	vmax.f32 v6, $0.0e+00  }
0x345: {  	v1 =	vadd.f32 v1, v2  }
0x346: {  	s16 =	sshll.u32 s17, $0x8;
	s17 =	smov.u32 s21;
	v0 =	vmax.f32 v0, $0.0e+00  }
0x347: {  	s16 =	sand.u32 $0x3FFFF800, s16;
	v0 =	vadd.f32 v1, v0  }
0x348: {  	s16 =	sor.u32 s22, s16  }
0x349: {  	[tilespmem:s16+$0xC400] =	vst v0  }
0x34a: {  	v0 =	vld [tilespmem:s19+$0x10]  }
0x34b: {  	v1 =	vld [tilespmem:s19+$0x50]  }
0x34c: {  	v2 =	vld [tilespmem:s19+$0x410]  }
0x34d: {  	v3 =	vld [tilespmem:s19+$0x450]  }
0x34e: {  	v4 =	vld [tilespmem:s19+$0x810]  }
0x34f: {  	v5 =	vld [tilespmem:s19+$0x850]  }
0x350: {  	v6 =	vld [tilespmem:s19+$0xC10];
	v7 =	vmax.f32 v0, v1;
	v0 =	vmin.f32 v0, v1  }
0x351: {  	v1 =	vld [tilespmem:s19+$0xC50];
	v8 =	vmin.f32 v7, v2;
	v7 =	vmax.f32 v7, v2  }
0x352: {  	v0 =	vmax.f32 v0, v8;
	v8 =	vmin.f32 v7, v3;
	v7 =	vmax.f32 v7, v3  }
0x353: {  	v0 =	vmax.f32 v0, v8;
	v8 =	vmin.f32 v7, v4;
	v4 =	vmax.f32 v7, v4;
	v7 =	vld [tilespmem:s20+$0x9050]  }
0x354: {  	v0 =	vmax.f32 v0, v8;
	v8 =	vmin.f32 v4, v5;
	v4 =	vmax.f32 v4, v5;
	v5 =	vld [tilespmem:s20+$0x9010]  }
0x355: {  	v0 =	vmax.f32 v0, v8;
	v8 =	vmin.f32 v4, v6;
	v4 =	vmax.f32 v4, v6;
	v9 =	vld [tilespmem:s20+$0x9410]  }
0x356: {  	v0 =	vmax.f32 v0, v8;
	v8 =	vmin.f32 v4, v1;
	v4 =	vmax.f32 v4, v1  }
0x357: {  	v0 =	vmax.f32 v0, v8;
	vm0 =	veq.f32 v2, v4;
	vm1 =	veq.f32 v3, v4;
	v2 =	vld [tilespmem:s20+$0x9450]  }
0x358: {  	v3 =	vsel vm0, v0, v4;
	v8 =	vsel vm1, v0, v4;
	vm0 =	veq.f32 v6, v4  }
0x359: {  	v3 =	vadd.f32 v3, v5;
	v5 =	vadd.f32 v8, v7;
	v6 =	vsel vm0, v0, v4  }
0x35a: {  	vm0 =	veq.f32 v1, v4;
	v6 =	vadd.f32 v6, v9  }
0x35b: {  	v0 =	vsel vm0, v0, v4;
	v1 =	vmax.f32 v3, $0.0e+00;
	v3 =	vmax.f32 v5, $0.0e+00  }
0x35c: {  	v1 =	vadd.f32 v3, v1;
	v0 =	vadd.f32 v2, v0  }
0x35d: {  	v2 =	vmax.f32 v6, $0.0e+00  }
0x35e: {  	v1 =	vadd.f32 v1, v2  }
0x35f: {  	v0 =	vmax.f32 v0, $0.0e+00  }
0x360: {  	v0 =	vadd.f32 v1, v0;
	_ =	sdelay $0x1  }
0x361: {  	[tilespmem:s16+$0xC410] =	vst v0  }
0x362: {  	v0 =	vld [tilespmem:s19+$0x20]  }
0x363: {  	v1 =	vld [tilespmem:s19+$0x60]  }
0x364: {  	v2 =	vld [tilespmem:s19+$0x420]  }
0x365: {  	v3 =	vld [tilespmem:s19+$0x460]  }
0x366: {  	v4 =	vld [tilespmem:s19+$0x820]  }
0x367: {  	v5 =	vld [tilespmem:s19+$0x860]  }
0x368: {  	v6 =	vld [tilespmem:s19+$0xC20];
	v7 =	vmax.f32 v0, v1;
	v0 =	vmin.f32 v0, v1  }
0x369: {  	v1 =	vld [tilespmem:s19+$0xC60];
	v8 =	vmin.f32 v7, v2;
	v7 =	vmax.f32 v7, v2  }
0x36a: {  	v0 =	vmax.f32 v0, v8;
	v8 =	vmin.f32 v7, v3;
	v7 =	vmax.f32 v7, v3  }
0x36b: {  	v0 =	vmax.f32 v0, v8;
	v8 =	vmin.f32 v7, v4;
	v4 =	vmax.f32 v7, v4;
	v7 =	vld [tilespmem:s20+$0x9060]  }
0x36c: {  	v0 =	vmax.f32 v0, v8;
	v8 =	vmin.f32 v4, v5;
	v4 =	vmax.f32 v4, v5;
	v5 =	vld [tilespmem:s20+$0x9020]  }
0x36d: {  	v0 =	vmax.f32 v0, v8;
	v8 =	vmin.f32 v4, v6;
	v4 =	vmax.f32 v4, v6;
	v9 =	vld [tilespmem:s20+$0x9420]  }
0x36e: {  	v0 =	vmax.f32 v0, v8;
	v8 =	vmin.f32 v4, v1;
	v4 =	vmax.f32 v4, v1  }
0x36f: {  	v0 =	vmax.f32 v0, v8;
	vm0 =	veq.f32 v2, v4;
	vm1 =	veq.f32 v3, v4;
	v2 =	vld [tilespmem:s20+$0x9460]  }
0x370: {  	v3 =	vsel vm0, v0, v4;
	v8 =	vsel vm1, v0, v4;
	vm0 =	veq.f32 v6, v4  }
0x371: {  	v3 =	vadd.f32 v3, v5;
	v5 =	vadd.f32 v8, v7;
	v6 =	vsel vm0, v0, v4  }
0x372: {  	vm0 =	veq.f32 v1, v4;
	v6 =	vadd.f32 v6, v9  }
0x373: {  	v0 =	vsel vm0, v0, v4;
	v1 =	vmax.f32 v3, $0.0e+00;
	v3 =	vmax.f32 v5, $0.0e+00  }
0x374: {  	v1 =	vadd.f32 v3, v1;
	v0 =	vadd.f32 v2, v0  }
0x375: {  	v2 =	vmax.f32 v6, $0.0e+00  }
0x376: {  	v1 =	vadd.f32 v1, v2  }
0x377: {  	v0 =	vmax.f32 v0, $0.0e+00  }
0x378: {  	v0 =	vadd.f32 v1, v0;
	_ =	sdelay $0x1  }
0x379: {  	[tilespmem:s16+$0xC420] =	vst v0  }
0x37a: {  	v0 =	vld [tilespmem:s19+$0x30]  }
0x37b: {  	v1 =	vld [tilespmem:s19+$0x70]  }
0x37c: {  	v2 =	vld [tilespmem:s19+$0x430]  }
0x37d: {  	v3 =	vld [tilespmem:s19+$0x470]  }
0x37e: {  	v4 =	vld [tilespmem:s19+$0x830]  }
0x37f: {  	v5 =	vld [tilespmem:s19+$0x870]  }
0x380: {  	v6 =	vld [tilespmem:s19+$0xC30];
	v7 =	vmax.f32 v0, v1;
	v0 =	vmin.f32 v0, v1  }
0x381: {  	v8 =	vld [tilespmem:s19+$0xC70];
	v1 =	vmin.f32 v7, v2;
	v7 =	vmax.f32 v7, v2  }
0x382: {  	v0 =	vmax.f32 v0, v1;
	v1 =	vmin.f32 v7, v3;
	v7 =	vmax.f32 v7, v3;
	v9 =	vld [tilespmem:s20+$0x9030]  }
0x383: {  	v0 =	vmax.f32 v0, v1;
	v1 =	vmin.f32 v7, v4;
	v4 =	vmax.f32 v7, v4;
	v7 =	vld [tilespmem:s20+$0x9070]  }
0x384: {  	v0 =	vmax.f32 v0, v1;
	v1 =	vmin.f32 v4, v5;
	v4 =	vmax.f32 v4, v5;
	v5 =	vld [tilespmem:s20+$0x9430]  }
0x385: {  	v1 =	vmax.f32 v0, v1;
	v10 =	vmin.f32 v4, v6;
	v4 =	vmax.f32 v4, v6;
	v0 =	vld [tilespmem:s20+$0x9470]  }
0x386: {  	v1 =	vmax.f32 v1, v10;
	v10 =	vmin.f32 v4, v8;
	v11 =	vmax.f32 v4, v8  }
.Ltmp2:
0x387: {  	v10 =	vmax.f32 v1, v10;
	vm0 =	veq.f32 v2, v11;
	vm1 =	veq.f32 v3, v11;
	(pc) =	sbr.rel @p0 .LBB2_6-.Ltmp2, $4  }
0x388: {  	v1 =	vsel vm0, v10, v11;
	v2 =	vsel vm1, v10, v11;
	vm0 =	veq.f32 v6, v11  }
0x389: {  	v3 =	vadd.f32 v1, v9;
	v2 =	vadd.f32 v2, v7;
	v1 =	vsel vm0, v10, v11  }
0x38a: {  	vm0 =	veq.f32 v8, v11;
	v1 =	vadd.f32 v1, v5  }
0x38b: {  	s19 =	smov.u32 s18;
	v3 =	vmax.f32 v3, $0.0e+00;
	v4 =	vmax.f32 v2, $0.0e+00;
	v2 =	vsel vm0, v10, v11  }
0x38c: {  	v3 =	vadd.f32 v4, v3  }
0x38d: {  	v1 =	vmax.f32 v1, $0.0e+00;
	v0 =	vadd.f32 v0, v2  }
0x38e: {  	s19 =	sshrl.u32 s17, $0x3;
	v1 =	vadd.f32 v3, v1  }
0x38f: {  	s18 =	smul.u32 $0x9000, s19;
	v0 =	vmax.f32 v0, $0.0e+00  }
0x390: {  	s15 =	sadd.s32 $0x80, s15;
	v0 =	vadd.f32 v1, v0  }
0x391: {  	s20 =	sand.u32 $0x380, s15;
	s29 =	sshra.s32 s18, $0x2  }
0x392: {  	s18 =	sor.u32 s20, s29;
	[tilespmem:s16+$0xC430] =	vst v0  }
0x393: {  	v0 =	vld [tilespmem:s18+$0x0]  }
0x394: {  	v28 =	vld [tilespmem:s18+$0x40]  }
0x395: {  	v29 =	vld [tilespmem:s18+$0x400]  }
0x396: {  	v30 =	vld [tilespmem:s18+$0x440]  }
0x397: {  	v31 =	vld [tilespmem:s18+$0x800]  }
0x398: {  	s30 =	smul.u32 $0x3000, s19;
	v5 =	vld [tilespmem:s18+$0x840]  }
0x399: {  	v6 =	vld [tilespmem:s18+$0xC00];
	v7 =	vmax.f32 v0, v28  }
0x39a: {  	s15 =	sshra.s32 s30, $0x2;
	v32 =	vld [tilespmem:s18+$0xC40];
	v0 =	vmin.f32 v0, v28;
	v8 =	vmin.f32 v7, v29;
	v7 =	vmax.f32 v7, v29  }
0x39b: {  	s15 =	sor.u32 s20, s15;
	v0 =	vmax.f32 v0, v8;
	v33 =	vmin.f32 v7, v30;
	v7 =	vmax.f32 v7, v30  }
0x39c: {  	v35 =	vld [tilespmem:s15+$0x9040];
	v0 =	vmax.f32 v0, v33;
	v34 =	vmin.f32 v7, v31;
	v4 =	vmax.f32 v7, v31  }
0x39d: {  	v37 =	vld [tilespmem:s15+$0x9000];
	v0 =	vmax.f32 v0, v34;
	v36 =	vmin.f32 v4, v5;
	v4 =	vmax.f32 v4, v5  }
0x39e: {  	v0 =	vmax.f32 v0, v36;
	v38 =	vmin.f32 v4, v6;
	v4 =	vmax.f32 v4, v6  }
0x39f: {  	v9 =	vld [tilespmem:s15+$0x9400];
	v0 =	vmax.f32 v0, v38;
	v39 =	vmin.f32 v4, v32;
	v4 =	vmax.f32 v4, v32  }
0x3a0: {  	v0 =	vmax.f32 v0, v39;
	vm0 =	veq.f32 v29, v4;
	vm1 =	veq.f32 v30, v4  }
0x3a1: {  	v40 =	vld [tilespmem:s15+$0x9440];
	v41 =	vsel vm0, v0, v4;
	v8 =	vsel vm1, v0, v4  }
0x3a2: {  	vm14 =	veq.f32 v6, v4;
	v3 =	vadd.f32 v41, v37;
	v42 =	vadd.f32 v8, v35  }
0x3a3: {  	vm15 =	veq.f32 v32, v4;
	v6 =	vsel vm14, v0, v4  }
0x3a4: {  	v6 =	vadd.f32 v6, v9;
	v43 =	vmax.f32 v3, $0.0e+00;
	v44 =	vmax.f32 v42, $0.0e+00  }
0x3a5: {  	v0 =	vsel vm15, v0, v4;
	v1 =	vadd.f32 v44, v43  }
0x3a6: {  	v0 =	vadd.f32 v40, v0;
	v45 =	vmax.f32 v6, $0.0e+00  }
0x3a7: {  	v1 =	vadd.f32 v1, v45  }
0x3a8: {  	s31 =	sshll.u32 s17, $0x8;
	v0 =	vmax.f32 v0, $0.0e+00  }
0x3a9: {  	s16 =	sand.u32 $0x3FFFF800, s31;
	v0 =	vadd.f32 v1, v0  }
0x3aa: {  	s16 =	sor.u32 s20, s16  }
0x3ab: {  	[tilespmem:s16+$0xC400] =	vst v0  }
0x3ac: {  	v0 =	vld [tilespmem:s18+$0x10]  }
0x3ad: {  	v46 =	vld [tilespmem:s18+$0x50]  }
0x3ae: {  	v47 =	vld [tilespmem:s18+$0x410]  }
0x3af: {  	v48 =	vld [tilespmem:s18+$0x450]  }
0x3b0: {  	v49 =	vld [tilespmem:s18+$0x810]  }
0x3b1: {  	v50 =	vld [tilespmem:s18+$0x850]  }
0x3b2: {  	v51 =	vld [tilespmem:s18+$0xC10];
	v52 =	vmax.f32 v0, v46  }
0x3b3: {  	v53 =	vld [tilespmem:s18+$0xC50];
	v0 =	vmin.f32 v0, v46;
	v54 =	vmin.f32 v52, v47;
	v7 =	vmax.f32 v52, v47  }
0x3b4: {  	v0 =	vmax.f32 v0, v54;
	v55 =	vmin.f32 v7, v48;
	v7 =	vmax.f32 v7, v48  }
0x3b5: {  	v57 =	vld [tilespmem:s15+$0x9050];
	v0 =	vmax.f32 v0, v55;
	v56 =	vmin.f32 v7, v49;
	v4 =	vmax.f32 v7, v49  }
0x3b6: {  	v59 =	vld [tilespmem:s15+$0x9010];
	v0 =	vmax.f32 v0, v56;
	v58 =	vmin.f32 v4, v50;
	v4 =	vmax.f32 v4, v50  }
0x3b7: {  	v0 =	vmax.f32 v0, v58;
	v60 =	vmin.f32 v4, v51;
	v4 =	vmax.f32 v4, v51  }
0x3b8: {  	v61 =	vld [tilespmem:s15+$0x9410];
	v0 =	vmax.f32 v0, v60;
	v62 =	vmin.f32 v4, v53;
	v4 =	vmax.f32 v4, v53  }
0x3b9: {  	v0 =	vmax.f32 v0, v62;
	vm4 =	veq.f32 v47, v4;
	vm5 =	veq.f32 v48, v4  }
0x3ba: {  	v63 =	vld [tilespmem:s15+$0x9450];
	v12 =	vsel vm4, v0, v4;
	v8 =	vsel vm5, v0, v4  }
0x3bb: {  	vm6 =	veq.f32 v51, v4;
	v3 =	vadd.f32 v12, v59;
	v13 =	vadd.f32 v8, v57  }
0x3bc: {  	vm7 =	veq.f32 v53, v4;
	v6 =	vsel vm6, v0, v4  }
0x3bd: {  	v6 =	vadd.f32 v6, v61;
	v14 =	vmax.f32 v3, $0.0e+00;
	v15 =	vmax.f32 v13, $0.0e+00  }
0x3be: {  	v0 =	vsel vm7, v0, v4;
	v1 =	vadd.f32 v15, v14  }
0x3bf: {  	v0 =	vadd.f32 v63, v0;
	v16 =	vmax.f32 v6, $0.0e+00  }
0x3c0: {  	v1 =	vadd.f32 v1, v16  }
0x3c1: {  	v0 =	vmax.f32 v0, $0.0e+00  }
0x3c2: {  	v0 =	vadd.f32 v1, v0;
	_ =	sdelay $0x1  }
0x3c3: {  	[tilespmem:s16+$0xC410] =	vst v0  }
0x3c4: {  	v0 =	vld [tilespmem:s18+$0x20]  }
0x3c5: {  	v17 =	vld [tilespmem:s18+$0x60]  }
0x3c6: {  	v18 =	vld [tilespmem:s18+$0x420]  }
0x3c7: {  	v19 =	vld [tilespmem:s18+$0x460]  }
0x3c8: {  	v20 =	vld [tilespmem:s18+$0x820]  }
0x3c9: {  	v21 =	vld [tilespmem:s18+$0x860]  }
0x3ca: {  	v22 =	vld [tilespmem:s18+$0xC20];
	v23 =	vmax.f32 v0, v17  }
0x3cb: {  	v24 =	vld [tilespmem:s18+$0xC60];
	v0 =	vmin.f32 v0, v17;
	v25 =	vmin.f32 v23, v18;
	v7 =	vmax.f32 v23, v18  }
0x3cc: {  	v0 =	vmax.f32 v0, v25;
	v26 =	vmin.f32 v7, v19;
	v7 =	vmax.f32 v7, v19  }
0x3cd: {  	v28 =	vld [tilespmem:s15+$0x9060];
	v0 =	vmax.f32 v0, v26;
	v27 =	vmin.f32 v7, v20;
	v4 =	vmax.f32 v7, v20  }
0x3ce: {  	v30 =	vld [tilespmem:s15+$0x9020];
	v0 =	vmax.f32 v0, v27;
	v29 =	vmin.f32 v4, v21;
	v4 =	vmax.f32 v4, v21  }
0x3cf: {  	v0 =	vmax.f32 v0, v29;
	v31 =	vmin.f32 v4, v22;
	v4 =	vmax.f32 v4, v22  }
0x3d0: {  	v32 =	vld [tilespmem:s15+$0x9420];
	v0 =	vmax.f32 v0, v31;
	v33 =	vmin.f32 v4, v24;
	v4 =	vmax.f32 v4, v24  }
0x3d1: {  	v0 =	vmax.f32 v0, v33;
	vm8 =	veq.f32 v18, v4;
	vm9 =	veq.f32 v19, v4  }
0x3d2: {  	v34 =	vld [tilespmem:s15+$0x9460];
	v35 =	vsel vm8, v0, v4;
	v8 =	vsel vm9, v0, v4  }
0x3d3: {  	vm10 =	veq.f32 v22, v4;
	v3 =	vadd.f32 v35, v30;
	v36 =	vadd.f32 v8, v28  }
0x3d4: {  	vm11 =	veq.f32 v24, v4;
	v6 =	vsel vm10, v0, v4  }
0x3d5: {  	v6 =	vadd.f32 v6, v32;
	v37 =	vmax.f32 v3, $0.0e+00;
	v38 =	vmax.f32 v36, $0.0e+00  }
0x3d6: {  	v0 =	vsel vm11, v0, v4;
	v1 =	vadd.f32 v38, v37  }
0x3d7: {  	v0 =	vadd.f32 v34, v0;
	v39 =	vmax.f32 v6, $0.0e+00  }
0x3d8: {  	v1 =	vadd.f32 v1, v39  }
0x3d9: {  	v0 =	vmax.f32 v0, $0.0e+00  }
0x3da: {  	v0 =	vadd.f32 v1, v0;
	_ =	sdelay $0x1  }
0x3db: {  	[tilespmem:s16+$0xC420] =	vst v0  }
0x3dc: {  	v0 =	vld [tilespmem:s18+$0x30]  }
0x3dd: {  	v40 =	vld [tilespmem:s18+$0x70]  }
0x3de: {  	v41 =	vld [tilespmem:s18+$0x430]  }
0x3df: {  	v42 =	vld [tilespmem:s18+$0x470]  }
0x3e0: {  	v43 =	vld [tilespmem:s18+$0x830]  }
0x3e1: {  	v44 =	vld [tilespmem:s18+$0x870]  }
0x3e2: {  	v45 =	vld [tilespmem:s18+$0xC30];
	v46 =	vmax.f32 v0, v40  }
0x3e3: {  	v47 =	vld [tilespmem:s18+$0xC70];
	v0 =	vmin.f32 v0, v40;
	v48 =	vmin.f32 v46, v41;
	v7 =	vmax.f32 v46, v41  }
0x3e4: {  	v0 =	vmax.f32 v0, v48;
	v49 =	vmin.f32 v7, v42;
	v7 =	vmax.f32 v7, v42  }
0x3e5: {  	v50 =	vld [tilespmem:s15+$0x9030];
	v0 =	vmax.f32 v0, v49;
	v51 =	vmin.f32 v7, v43;
	v4 =	vmax.f32 v7, v43  }
0x3e6: {  	v52 =	vld [tilespmem:s15+$0x9070];
	v0 =	vmax.f32 v0, v51;
	v53 =	vmin.f32 v4, v44;
	v4 =	vmax.f32 v4, v44  }
0x3e7: {  	v0 =	vmax.f32 v0, v53;
	v55 =	vmin.f32 v4, v45;
	v4 =	vmax.f32 v4, v45  }
0x3e8: {  	v54 =	vld [tilespmem:s15+$0x9430];
	v0 =	vmax.f32 v0, v55;
	v56 =	vmin.f32 v4, v47;
	v4 =	vmax.f32 v4, v47  }
0x3e9: {  	v0 =	vmax.f32 v0, v56;
	vm12 =	veq.f32 v41, v4;
	vm13 =	veq.f32 v42, v4  }
0x3ea: {  	v57 =	vld [tilespmem:s15+$0x9470];
	v58 =	vsel vm12, v0, v4;
	v8 =	vsel vm13, v0, v4  }
0x3eb: {  	vm14 =	veq.f32 v45, v4;
	v3 =	vadd.f32 v58, v50;
	v59 =	vadd.f32 v8, v52  }
0x3ec: {  	vm15 =	veq.f32 v47, v4;
	v60 =	vsel vm14, v0, v4  }
0x3ed: {  	v5 =	vadd.f32 v60, v54;
	v61 =	vmax.f32 v3, $0.0e+00;
	v62 =	vmax.f32 v59, $0.0e+00  }
0x3ee: {  	v0 =	vsel vm15, v0, v4;
	v1 =	vadd.f32 v62, v61  }
0x3ef: {  	v0 =	vadd.f32 v57, v0;
	v63 =	vmax.f32 v5, $0.0e+00  }
0x3f0: {  	v1 =	vadd.f32 v1, v63  }
0x3f1: {  	v0 =	vmax.f32 v0, $0.0e+00  }
0x3f2: {  	s14 =	sadd.s32 $0x1, s14;
	v0 =	vadd.f32 v1, v0  }
0x3f3: {  	p0 =	sne.s32 s14, s10  }
.Ltmp3:
0x3f4: {  	[tilespmem:s16+$0xC430] =	vst v0;
	(pc) =	sbr.rel @p0 .LBB2_1-.Ltmp3, $4  }
0x3f5: {  	[hbm4b:s9+s2] =	stream.linear.scatter [tilespmem:s13], [sflag:$0x1], $0x2000, $0x38;
	[tilespmem:$0xE000] =	vst v63  }
0x3f6: {  	_ =	swait.ge [sflag:s11], $0x2000  }
0x3f7: {  	[sflag:s11] =	ssyncset.done $0x0  }
0x3f8: {  	[sflag:s11] =	ssyncadd.s32 $0xFFFFE000  }
0x3f9: {  	_ =	sfence.sel $0x180000  }
0x3fa: {  	[bflag:$0x0] =	sbarrier.arrive $0xFFFF  }
0x3fb: {  	p0 =	sne.s32 s0, $0x0;
	_ =	strace $0x90000047  }
0x3fc: {  	s0 =	sadd.s32 @!p0 $0x100000, s1;
	[bflag:$0x2] =	sbarrier.arrive $0xFFFF  }
0x3fd: {  	[sflag:s0] =	ssyncadd.tile.s32 @!p0 $0x1;
	_ =	shalt  }
.Lfunc_end2:
_tile_overlayer_lowered:
.L_overlay_start_2:
0x3fe: {  	(tag) =	ssettag $0x2  }
0x3ff: {  	s0 =	rddreg [dreg:$0x0];
	s2 =	stileid.u32  }
0x400: {  	s1 =	rddreg [dreg:$0x1];
	p0 =	sne.s32 s2, $0x0  }
0x401: {  	s3 =	rddreg [dreg:$0x2];
	[bflag:$0x3] =	sbarrier.arrive $0xFFFF;
	s2 =	simm.s32 @!p0 $0x1C01  }
0x402: {  	[timem:s3], [sflag:s2] =	dma.local @!p0 [hbm:s0], s1  }
0x403: {  	s0 =	simm.s32 @!p0 $0x1  }
0x404: {  	_ =	swait.ge @!p0 [sflag:s0], s1  }
0x405: {  	s1 =	ssub.s32 @!p0 $0x0, s1;
	[sflag:s0] =	ssyncset.done @!p0 $0x0  }
0x406: {  	[sflag:s0] =	ssyncadd.s32 @!p0 s1  }
0x407: {  	[bflag:$0x3] =	sbarrier.arrive $0xFFFF  }
0x408: {  	_ =	shalt  }

</sc_bundles>
